<compile_context>
chip_gen: v7x
topology: tpu7x:2x2x1
jax: 0.10.2.dev20260603
libtpu: 0.0.44.dev20260713+nightly
codegen_flags: <defaults>
</compile_context>

<pallas_src>
import functools

import jax
import jax.numpy as jnp
from jax import lax
from jax.experimental import pallas as pl
from jax.experimental.pallas import tpu as pltpu
from jax.experimental.pallas import tpu_sc as plsc

N = 320000
D = 128
S = 10000
SP = 10240
NC = 2
NS = 16
NW = NC * NS
RPW = N // NW
C1 = 80
NCH1 = RPW // C1
C3 = 80
NCH3 = RPW // C3
ZR = SP // NS
SEGW = SP // NW
IDXW = N // NS
BITS = [1 << b for b in range(18, -1, -1)]

_mesh = plsc.VectorSubcoreMesh(core_axis_name="c", subcore_axis_name="s")


@functools.partial(
    pl.kernel,
    out_type=(
        jax.ShapeDtypeStruct((NC, SP, D), jnp.float32),
        jax.ShapeDtypeStruct((NW, SEGW), jnp.float32),
    ),
    mesh=_mesh,
    scratch_types=[
        pltpu.VMEM((C1, D), jnp.float32),
        pltpu.VMEM((C1, D), jnp.float32),
        pltpu.VMEM((C1,), jnp.int32),
        pltpu.VMEM((C1,), jnp.int32),
        pltpu.VMEM((16,), jnp.int32),
        pltpu.VMEM((336,), jnp.int32),
        pltpu.VMEM((SEGW,), jnp.float32),
        pltpu.VMEM((2000,), jnp.int32),
        pltpu.VMEM_SHARED((SP, D), jnp.float32),
        pltpu.VMEM_SHARED((N,), jnp.int32),
        pltpu.SemaphoreType.DMA,
        pltpu.SemaphoreType.DMA,
        pltpu.SemaphoreType.DMA,
    ],
)
def _segment_sums(x_hbm, idx_hbm, z2d_hbm, sums_out, cnts_out,
                  xbuf0, xbuf1, idxbuf0, idxbuf1, gbuf, lobuf, cntbuf, ibounce,
                  sums_sh, idx_sp, sem, semx0, semx1):
    c = lax.axis_index("c")
    s = lax.axis_index("s")
    wid = c * NS + s
    base = wid * RPW

    pltpu.sync_copy(z2d_hbm.at[pl.ds(s * ZR, ZR)], sums_sh.at[pl.ds(s * ZR, ZR)])
    def stage(k, carry):
        off = s * IDXW + k * 2000
        pltpu.sync_copy(idx_hbm.at[pl.ds(off, 2000)], ibounce)
        pltpu.sync_copy(ibounce, idx_sp.at[pl.ds(off, 2000)])
        return carry

    lax.fori_loop(0, IDXW // 2000, stage, 0)
    plsc.subcore_barrier()

    xbufs = (xbuf0, xbuf1)
    idxbufs = (idxbuf0, idxbuf1)
    semxs = (semx0, semx1)
    for b in (0, 1):
        off = base + b * C1
        pltpu.sync_copy(idx_hbm.at[pl.ds(off, C1)], idxbufs[b])
        pltpu.async_copy(x_hbm.at[pl.ds(off, C1)], xbufs[b], semxs[b])

    def chunk(g2, carry):
        for b in (0, 1):
            g = g2 * 2 + b
            off = base + g * C1
            pltpu.make_async_copy(x_hbm.at[pl.ds(off, C1)], xbufs[b],
                                  semxs[b]).wait()
            pltpu.sync_copy(xbufs[b], sums_sh.at[idxbufs[b]], add=True)

            @pl.when(g + 2 < NCH1)
            def _():
                off2 = base + (g + 2) * C1
                pltpu.sync_copy(idx_hbm.at[pl.ds(off2, C1)], idxbufs[b])
                pltpu.async_copy(x_hbm.at[pl.ds(off2, C1)], xbufs[b], semxs[b])
        return carry

    lax.fori_loop(0, NCH1 // 2, chunk, 0)
    off_t = base + (NCH1 - 1) * C1
    pltpu.make_async_copy(x_hbm.at[pl.ds(off_t, C1)], xbufs[0], semxs[0]).wait()
    pltpu.sync_copy(xbufs[0], sums_sh.at[idxbufs[0]], add=True)

    seg0 = wid * SEGW
    lanes = lax.iota(jnp.int32, 16)

    def lb_group(g, carry):
        targets = seg0 + g * 16 + lanes
        ans = jnp.zeros((16,), jnp.int32)
        for bit in BITS:
            t_try = ans + bit
            addr = jnp.minimum(t_try, N) - 1
            pltpu.async_copy(idx_sp.at[addr], gbuf, sem).wait()
            v = gbuf[pl.ds(0, 16)]
            ans = jnp.where((t_try <= N) & (v < targets), t_try, ans)
        lobuf[pl.ds(g * 16, 16)] = ans
        return carry

    lax.fori_loop(0, SEGW // 16 + 1, lb_group, 0)

    def cnt_group(g, carry):
        a = lobuf[pl.ds(g * 16, 16)]
        b = lobuf[pl.ds(g * 16 + 1, 16)]
        cntbuf[pl.ds(g * 16, 16)] = (b - a).astype(jnp.float32)
        return carry

    lax.fori_loop(0, SEGW // 16, cnt_group, 0)
    pltpu.sync_copy(cntbuf, cnts_out.at[wid])

    plsc.subcore_barrier()
    pltpu.sync_copy(sums_sh.at[pl.ds(s * ZR, ZR)], sums_out.at[c, pl.ds(s * ZR, ZR)])


def _combine_body(sums_ref, cnts_ref, mean_ref):
    total = sums_ref[0] + sums_ref[1]
    cnt = cnts_ref[...]
    mean_ref[...] = total / jnp.maximum(cnt, 1.0)[:, None]


def _combine(sums, cnts):
    return pl.pallas_call(
        _combine_body,
        out_shape=jax.ShapeDtypeStruct((SP, D), jnp.float32),
    )(sums, cnts)


@functools.partial(
    pl.kernel,
    out_type=jax.ShapeDtypeStruct((N, D), jnp.float32),
    mesh=_mesh,
    scratch_types=[
        pltpu.VMEM((C3, D), jnp.float32),
        pltpu.VMEM((C3, D), jnp.float32),
        pltpu.VMEM((C3, D), jnp.float32),
        pltpu.VMEM((C3, D), jnp.float32),
        pltpu.VMEM((C3, D), jnp.float32),
        pltpu.VMEM((C3, D), jnp.float32),
        pltpu.VMEM((C3,), jnp.int32),
        pltpu.VMEM((C3,), jnp.int32),
        pltpu.SemaphoreType.DMA,
        pltpu.SemaphoreType.DMA,
        pltpu.SemaphoreType.DMA,
        pltpu.SemaphoreType.DMA,
        pltpu.SemaphoreType.DMA,
        pltpu.SemaphoreType.DMA,
    ],
)
def _subtract(x_hbm, idx_hbm, mean_hbm, out_hbm, xbuf0, xbuf1, gbuf0, gbuf1,
              obuf0, obuf1, idxbuf0, idxbuf1, semx0, semx1, semg0, semg1,
              semo0, semo1):
    c = lax.axis_index("c")
    s = lax.axis_index("s")
    base = (c * NS + s) * RPW
    xbufs = (xbuf0, xbuf1)
    gbufs = (gbuf0, gbuf1)
    obufs = (obuf0, obuf1)
    idxbufs = (idxbuf0, idxbuf1)
    semxs = (semx0, semx1)
    semgs = (semg0, semg1)
    semos = (semo0, semo1)

    for b in (0, 1):
        off = base + b * C3
        pltpu.sync_copy(idx_hbm.at[pl.ds(off, C3)], idxbufs[b])
        pltpu.async_copy(x_hbm.at[pl.ds(off, C3)], xbufs[b], semxs[b])
        pltpu.async_copy(mean_hbm.at[idxbufs[b]], gbufs[b], semgs[b])

    def chunk(g2, carry):
        for b in (0, 1):
            g = g2 * 2 + b
            off = base + g * C3
            pltpu.make_async_copy(x_hbm.at[pl.ds(off, C3)], xbufs[b],
                                  semxs[b]).wait()
            pltpu.make_async_copy(mean_hbm.at[idxbufs[b]], gbufs[b],
                                  semgs[b]).wait()

            @pl.when(g >= 2)
            def _():
                off_prev = base + (g - 2) * C3
                pltpu.make_async_copy(obufs[b], out_hbm.at[pl.ds(off_prev, C3)],
                                      semos[b]).wait()

            def row(r, rcarry):
                for j in range(D // 16):
                    sl = pl.ds(j * 16, 16)
                    obufs[b][r, sl] = xbufs[b][r, sl] - gbufs[b][r, sl]
                return rcarry

            lax.fori_loop(0, C3, row, 0)
            pltpu.async_copy(obufs[b], out_hbm.at[pl.ds(off, C3)], semos[b])

            @pl.when(g + 2 < NCH3)
            def _():
                off2 = base + (g + 2) * C3
                pltpu.sync_copy(idx_hbm.at[pl.ds(off2, C3)], idxbufs[b])
                pltpu.async_copy(x_hbm.at[pl.ds(off2, C3)], xbufs[b], semxs[b])
                pltpu.async_copy(mean_hbm.at[idxbufs[b]], gbufs[b], semgs[b])
        return carry

    lax.fori_loop(0, NCH3 // 2, chunk, 0)
    g_t = NCH3 - 1
    off_t = base + g_t * C3
    pltpu.make_async_copy(x_hbm.at[pl.ds(off_t, C3)], xbufs[0], semxs[0]).wait()
    pltpu.make_async_copy(mean_hbm.at[idxbufs[0]], gbufs[0], semgs[0]).wait()
    pltpu.make_async_copy(obufs[0], out_hbm.at[pl.ds(base + (g_t - 2) * C3, C3)],
                          semos[0]).wait()

    def row_t(r, rcarry):
        for j in range(D // 16):
            sl = pl.ds(j * 16, 16)
            obufs[0][r, sl] = xbufs[0][r, sl] - gbufs[0][r, sl]
        return rcarry

    lax.fori_loop(0, C3, row_t, 0)
    pltpu.async_copy(obufs[0], out_hbm.at[pl.ds(off_t, C3)], semos[0])
    pltpu.make_async_copy(obufs[0], out_hbm.at[pl.ds(off_t, C3)], semos[0]).wait()
    pltpu.make_async_copy(obufs[1], out_hbm.at[pl.ds(base + (g_t - 1) * C3, C3)],
                          semos[1]).wait()


@jax.jit
def kernel(x, index):
    idx = index.astype(jnp.int32)
    z2d = jnp.zeros((SP, D), jnp.float32)
    sums, cnts = _segment_sums(x, idx, z2d)
    mean = _combine(sums, cnts.reshape(SP))
    return _subtract(x, idx, mean)

# --- scband reference (transcript-rebuilt; emitter-appended) ---
"""Pipeline reference for scband-mean-subtraction-norm-36721970380948 (READ-ONLY COPY).

The authoritative reference and input builder live on the scoring server;
editing this copy changes nothing except your own understanding.
"""

import jax, jax.numpy as jnp
import numpy as np

N = 320000
D = 128
NUM_SEGMENTS = 10000

def setup_inputs(seed: int = 0) -> dict:
    key = jax.random.key(seed)
    k1, k2 = jax.random.split(key)
    x = jax.random.normal(k1, (N, D), dtype=jnp.float32)
    index = jnp.sort(jax.random.randint(k2, (N,), 0, NUM_SEGMENTS))
    return {"x": x, "index": index}

def reference(x, index):
    # scatter-mean over segments, then subtract gathered mean (MeanSubtractionNorm with index)
    sums = jax.ops.segment_sum(x, index, num_segments=NUM_SEGMENTS)
    counts = jax.ops.segment_sum(jnp.ones((x.shape[0],), dtype=x.dtype), index, num_segments=NUM_SEGMENTS)
    mean = sums / jnp.maximum(counts, 1.0)[:, None]
    return x - jnp.take(mean, index, axis=0)

if __name__ == "__main__":
    import jax
    _d = setup_inputs()
    print(jax.jit(kernel)(*tuple(_d.values())))

</pallas_src>

<mosaic_0001>
#map = affine_map<(d0, d1) -> (0, 0)>
#map1 = affine_map<(d0, d1) -> (0)>
#map2 = affine_map<(d0, d1) -> (0, 0, 0)>
module attributes {stable_mosaic.version = 14 : i64} {
  func.func @_segment_sums(%arg0: i32, %arg1: i32, %arg2: memref<320000x128xf32, #tpu.memory_space<hbm>>, %arg3: memref<320000xi32, #tpu.memory_space<hbm>>, %arg4: memref<10240x128xf32, #tpu.memory_space<hbm>>, %arg5: memref<2x10240x128xf32, #tpu.memory_space<hbm>>, %arg6: memref<32x320xf32, #tpu.memory_space<hbm>>, %arg7: memref<80x128xf32, #tpu.memory_space<vmem>>, %arg8: memref<80x128xf32, #tpu.memory_space<vmem>>, %arg9: memref<80xi32, #tpu.memory_space<vmem>>, %arg10: memref<80xi32, #tpu.memory_space<vmem>>, %arg11: memref<16xi32, #tpu.memory_space<vmem>>, %arg12: memref<336xi32, #tpu.memory_space<vmem>>, %arg13: memref<320xf32, #tpu.memory_space<vmem>>, %arg14: memref<2000xi32, #tpu.memory_space<vmem>>, %arg15: memref<10240x128xf32, #tpu.memory_space<vmem_shared>>, %arg16: memref<320000xi32, #tpu.memory_space<vmem_shared>>, %arg17: memref<!tpu.dma_semaphore, #tpu.memory_space<semaphore_mem>>, %arg18: memref<!tpu.dma_semaphore, #tpu.memory_space<semaphore_mem>>, %arg19: memref<!tpu.dma_semaphore, #tpu.memory_space<semaphore_mem>>) attributes {dimension_semantics = [#tpu.dimension_semantics<core_parallel>, #tpu.dimension_semantics<subcore_parallel>], iteration_bounds = array<i64: 2, 16>, scalar_prefetch = 0 : i64, scratch_operands = 13 : i64, tpu.core_type = #tpu.core_type<sc_vector_subcore>, window_params = [{transform_indices = #map}, {transform_indices = #map1}, {transform_indices = #map}, {transform_indices = #map2}, {transform_indices = #map}]} {
    %mul3A = arith.constant 16 : i32
    %mul3A_0 = arith.muli %arg0, %mul3A : i32
    %add3A = arith.addi %mul3A_0, %arg1 : i32
    %mul3A_1 = arith.constant 10000 : i32
    %mul3A_2 = arith.muli %add3A, %mul3A_1 : i32
    %mul3A_3 = arith.constant 640 : i32
    %mul3A_4 = arith.muli %arg1, %mul3A_3 : i32
    %mul3A_5 = arith.constant 640 : i32
    %mul3A_6 = arith.muli %arg1, %mul3A_5 : i32
    "tpu.region"() ({
      %run_scoped3A = tpu.sem_alloc : memref<!tpu.dma_semaphore, #tpu.memory_space<semaphore_mem>>
      %dma_start3A_53 = arith.constant 0 : i32
      %dma_start3A_54 = tpu.memref_slice %arg15[%mul3A_6, %dma_start3A_53] : memref<10240x128xf32, #tpu.memory_space<vmem_shared>> -> memref<640x128xf32, #tpu.memory_space<vmem_shared>>
      %dma_start3A_55 = arith.constant 0 : i32
      %dma_start3A_56 = tpu.memref_slice %arg4[%mul3A_4, %dma_start3A_55] : memref<10240x128xf32, #tpu.memory_space<hbm>> -> memref<640x128xf32, #tpu.memory_space<hbm>>
      tpu.enqueue_dma source(%dma_start3A_56 : memref<640x128xf32, #tpu.memory_space<hbm>>) target(%dma_start3A_54 : memref<640x128xf32, #tpu.memory_space<vmem_shared>>) target_semaphore(%run_scoped3A : memref<!tpu.dma_semaphore, #tpu.memory_space<semaphore_mem>>)
      %dma_wait3A_57 = arith.constant 0 : i32
      %dma_wait3A_58 = tpu.memref_slice %arg15[%mul3A_6, %dma_wait3A_57] : memref<10240x128xf32, #tpu.memory_space<vmem_shared>> -> memref<640x128xf32, #tpu.memory_space<vmem_shared>>
      %dma_wait3A_59 = arith.constant 0 : i32
      %dma_wait3A_60 = tpu.memref_slice %arg4[%mul3A_4, %dma_wait3A_59] : memref<10240x128xf32, #tpu.memory_space<hbm>> -> memref<640x128xf32, #tpu.memory_space<hbm>>
      tpu.wait_dma2 semaphore(%run_scoped3A : memref<!tpu.dma_semaphore, #tpu.memory_space<semaphore_mem>>) src(%dma_wait3A_60 : memref<640x128xf32, #tpu.memory_space<hbm>>) dst(%dma_wait3A_58 : memref<640x128xf32, #tpu.memory_space<vmem_shared>>)
      tpu.yield
    }) : () -> ()
    %scan3A = arith.constant 0 : i32
    %scan3A_7 = arith.constant 0 : i32
    %scan3A_8 = arith.constant 10 : i32
    %scan3A_9 = arith.addi %scan3A_7, %scan3A_8 : i32
    %scan3A_10 = arith.constant 1 : i32
    scf.for %scan3A_53 = %scan3A_7 to %scan3A_9 step %scan3A_10  : i32 {
      %mul3A_54 = arith.constant 20000 : i32
      %mul3A_55 = arith.muli %arg1, %mul3A_54 : i32
      %mul3A_56 = arith.constant 2000 : i32
      %mul3A_57 = arith.muli %scan3A_53, %mul3A_56 : i32
      %add3A_58 = arith.addi %mul3A_55, %mul3A_57 : i32
      "tpu.region"() ({
        %run_scoped3A = tpu.sem_alloc : memref<!tpu.dma_semaphore, #tpu.memory_space<semaphore_mem>>
        %dma_start3A_59 = tpu.memref_slice %arg3[%add3A_58] : memref<320000xi32, #tpu.memory_space<hbm>> -> memref<2000xi32, #tpu.memory_space<hbm>>
        %dma_start3A_60 = tpu.memref_slice %arg3[%add3A_58] : memref<320000xi32, #tpu.memory_space<hbm>> -> memref<2000xi32, #tpu.memory_space<hbm>>
        tpu.enqueue_dma source(%dma_start3A_60 : memref<2000xi32, #tpu.memory_space<hbm>>) target(%arg14 : memref<2000xi32, #tpu.memory_space<vmem>>) target_semaphore(%run_scoped3A : memref<!tpu.dma_semaphore, #tpu.memory_space<semaphore_mem>>)
        %dma_wait3A_61 = tpu.memref_slice %arg3[%add3A_58] : memref<320000xi32, #tpu.memory_space<hbm>> -> memref<2000xi32, #tpu.memory_space<hbm>>
        %dma_wait3A_62 = tpu.memref_slice %arg3[%add3A_58] : memref<320000xi32, #tpu.memory_space<hbm>> -> memref<2000xi32, #tpu.memory_space<hbm>>
        tpu.wait_dma2 semaphore(%run_scoped3A : memref<!tpu.dma_semaphore, #tpu.memory_space<semaphore_mem>>) src(%dma_wait3A_62 : memref<2000xi32, #tpu.memory_space<hbm>>) dst(%arg14 : memref<2000xi32, #tpu.memory_space<vmem>>)
        tpu.yield
      }) : () -> ()
      "tpu.region"() ({
        %run_scoped3A = tpu.sem_alloc : memref<!tpu.dma_semaphore, #tpu.memory_space<semaphore_mem>>
        %dma_start3A_59 = tpu.memref_slice %arg16[%add3A_58] : memref<320000xi32, #tpu.memory_space<vmem_shared>> -> memref<2000xi32, #tpu.memory_space<vmem_shared>>
        %dma_start3A_60 = tpu.memref_slice %arg16[%add3A_58] : memref<320000xi32, #tpu.memory_space<vmem_shared>> -> memref<2000xi32, #tpu.memory_space<vmem_shared>>
        tpu.enqueue_dma source(%arg14 : memref<2000xi32, #tpu.memory_space<vmem>>) target(%dma_start3A_60 : memref<2000xi32, #tpu.memory_space<vmem_shared>>) target_semaphore(%run_scoped3A : memref<!tpu.dma_semaphore, #tpu.memory_space<semaphore_mem>>)
        %dma_wait3A_61 = tpu.memref_slice %arg16[%add3A_58] : memref<320000xi32, #tpu.memory_space<vmem_shared>> -> memref<2000xi32, #tpu.memory_space<vmem_shared>>
        %dma_wait3A_62 = tpu.memref_slice %arg16[%add3A_58] : memref<320000xi32, #tpu.memory_space<vmem_shared>> -> memref<2000xi32, #tpu.memory_space<vmem_shared>>
        tpu.wait_dma2 semaphore(%run_scoped3A : memref<!tpu.dma_semaphore, #tpu.memory_space<semaphore_mem>>) src(%arg14 : memref<2000xi32, #tpu.memory_space<vmem>>) dst(%dma_wait3A_62 : memref<2000xi32, #tpu.memory_space<vmem_shared>>)
        tpu.yield
      }) : () -> ()
    }
    %scan3A_11 = arith.constant 10 : i32
    %barrier3A = arith.constant 0 : index
    tpu.barrier barrier_id(%barrier3A)
    %add3A_12 = arith.constant 0 : i32
    %add3A_13 = arith.addi %mul3A_2, %add3A_12 : i32
    "tpu.region"() ({
      %run_scoped3A = tpu.sem_alloc : memref<!tpu.dma_semaphore, #tpu.memory_space<semaphore_mem>>
      %dma_start3A_53 = tpu.memref_slice %arg3[%add3A_13] : memref<320000xi32, #tpu.memory_space<hbm>> -> memref<80xi32, #tpu.memory_space<hbm>>
      %dma_start3A_54 = tpu.memref_slice %arg3[%add3A_13] : memref<320000xi32, #tpu.memory_space<hbm>> -> memref<80xi32, #tpu.memory_space<hbm>>
      tpu.enqueue_dma source(%dma_start3A_54 : memref<80xi32, #tpu.memory_space<hbm>>) target(%arg9 : memref<80xi32, #tpu.memory_space<vmem>>) target_semaphore(%run_scoped3A : memref<!tpu.dma_semaphore, #tpu.memory_space<semaphore_mem>>)
      %dma_wait3A_55 = tpu.memref_slice %arg3[%add3A_13] : memref<320000xi32, #tpu.memory_space<hbm>> -> memref<80xi32, #tpu.memory_space<hbm>>
      %dma_wait3A_56 = tpu.memref_slice %arg3[%add3A_13] : memref<320000xi32, #tpu.memory_space<hbm>> -> memref<80xi32, #tpu.memory_space<hbm>>
      tpu.wait_dma2 semaphore(%run_scoped3A : memref<!tpu.dma_semaphore, #tpu.memory_space<semaphore_mem>>) src(%dma_wait3A_56 : memref<80xi32, #tpu.memory_space<hbm>>) dst(%arg9 : memref<80xi32, #tpu.memory_space<vmem>>)
      tpu.yield
    }) : () -> ()
    %dma_start3A = arith.constant 0 : i32
    %dma_start3A_14 = tpu.memref_slice %arg2[%add3A_13, %dma_start3A] : memref<320000x128xf32, #tpu.memory_space<hbm>> -> memref<80x128xf32, #tpu.memory_space<hbm>>
    %dma_start3A_15 = arith.constant 0 : i32
    %dma_start3A_16 = tpu.memref_slice %arg2[%add3A_13, %dma_start3A_15] : memref<320000x128xf32, #tpu.memory_space<hbm>> -> memref<80x128xf32, #tpu.memory_space<hbm>>
    tpu.enqueue_dma source(%dma_start3A_16 : memref<80x128xf32, #tpu.memory_space<hbm>>) target(%arg7 : memref<80x128xf32, #tpu.memory_space<vmem>>) target_semaphore(%arg18 : memref<!tpu.dma_semaphore, #tpu.memory_space<semaphore_mem>>)
    %add3A_17 = arith.constant 80 : i32
    %add3A_18 = arith.addi %mul3A_2, %add3A_17 : i32
    "tpu.region"() ({
      %run_scoped3A = tpu.sem_alloc : memref<!tpu.dma_semaphore, #tpu.memory_space<semaphore_mem>>
      %dma_start3A_53 = tpu.memref_slice %arg3[%add3A_18] : memref<320000xi32, #tpu.memory_space<hbm>> -> memref<80xi32, #tpu.memory_space<hbm>>
      %dma_start3A_54 = tpu.memref_slice %arg3[%add3A_18] : memref<320000xi32, #tpu.memory_space<hbm>> -> memref<80xi32, #tpu.memory_space<hbm>>
      tpu.enqueue_dma source(%dma_start3A_54 : memref<80xi32, #tpu.memory_space<hbm>>) target(%arg10 : memref<80xi32, #tpu.memory_space<vmem>>) target_semaphore(%run_scoped3A : memref<!tpu.dma_semaphore, #tpu.memory_space<semaphore_mem>>)
      %dma_wait3A_55 = tpu.memref_slice %arg3[%add3A_18] : memref<320000xi32, #tpu.memory_space<hbm>> -> memref<80xi32, #tpu.memory_space<hbm>>
      %dma_wait3A_56 = tpu.memref_slice %arg3[%add3A_18] : memref<320000xi32, #tpu.memory_space<hbm>> -> memref<80xi32, #tpu.memory_space<hbm>>
      tpu.wait_dma2 semaphore(%run_scoped3A : memref<!tpu.dma_semaphore, #tpu.memory_space<semaphore_mem>>) src(%dma_wait3A_56 : memref<80xi32, #tpu.memory_space<hbm>>) dst(%arg10 : memref<80xi32, #tpu.memory_space<vmem>>)
      tpu.yield
    }) : () -> ()
    %dma_start3A_19 = arith.constant 0 : i32
    %dma_start3A_20 = tpu.memref_slice %arg2[%add3A_18, %dma_start3A_19] : memref<320000x128xf32, #tpu.memory_space<hbm>> -> memref<80x128xf32, #tpu.memory_space<hbm>>
    %dma_start3A_21 = arith.constant 0 : i32
    %dma_start3A_22 = tpu.memref_slice %arg2[%add3A_18, %dma_start3A_21] : memref<320000x128xf32, #tpu.memory_space<hbm>> -> memref<80x128xf32, #tpu.memory_space<hbm>>
    tpu.enqueue_dma source(%dma_start3A_22 : memref<80x128xf32, #tpu.memory_space<hbm>>) target(%arg8 : memref<80x128xf32, #tpu.memory_space<vmem>>) target_semaphore(%arg19 : memref<!tpu.dma_semaphore, #tpu.memory_space<semaphore_mem>>)
    %scan3A_23 = arith.constant 0 : i32
    %scan3A_24 = arith.constant 0 : i32
    %scan3A_25 = arith.constant 62 : i32
    %scan3A_26 = arith.addi %scan3A_24, %scan3A_25 : i32
    %scan3A_27 = arith.constant 1 : i32
    scf.for %scan3A_53 = %scan3A_24 to %scan3A_26 step %scan3A_27  : i32 {
      %mul3A_54 = arith.constant 2 : i32
      %mul3A_55 = arith.muli %scan3A_53, %mul3A_54 : i32
      %add3A_56 = arith.constant 0 : i32
      %add3A_57 = arith.addi %mul3A_55, %add3A_56 : i32
      %mul3A_58 = arith.constant 80 : i32
      %mul3A_59 = arith.muli %add3A_57, %mul3A_58 : i32
      %add3A_60 = arith.addi %mul3A_2, %mul3A_59 : i32
      %dma_wait3A_61 = arith.constant 0 : i32
      %dma_wait3A_62 = tpu.memref_slice %arg2[%add3A_60, %dma_wait3A_61] : memref<320000x128xf32, #tpu.memory_space<hbm>> -> memref<80x128xf32, #tpu.memory_space<hbm>>
      %dma_wait3A_63 = arith.constant 0 : i32
      %dma_wait3A_64 = tpu.memref_slice %arg2[%add3A_60, %dma_wait3A_63] : memref<320000x128xf32, #tpu.memory_space<hbm>> -> memref<80x128xf32, #tpu.memory_space<hbm>>
      tpu.wait_dma2 semaphore(%arg18 : memref<!tpu.dma_semaphore, #tpu.memory_space<semaphore_mem>>) src(%dma_wait3A_64 : memref<80x128xf32, #tpu.memory_space<hbm>>) dst(%arg7 : memref<80x128xf32, #tpu.memory_space<vmem>>)
      "tpu.region"() ({
        %run_scoped3A = tpu.sem_alloc : memref<!tpu.dma_semaphore, #tpu.memory_space<semaphore_mem>>
        %dma_start3A_87 = arith.constant 0 : i32
        %dma_start3A_88 = arith.constant 0 : i32
        %dma_start3A_89 = tpu.memref_slice %arg15[%dma_start3A_87, %dma_start3A_88] : memref<10240x128xf32, #tpu.memory_space<vmem_shared>> -> memref<10240x128xf32, #tpu.memory_space<vmem_shared>>
        tpu.enqueue_indirect_dma source(%arg7 : memref<80x128xf32, #tpu.memory_space<vmem>>) target(%dma_start3A_89 : memref<10240x128xf32, #tpu.memory_space<vmem_shared>>) offsets(%arg9 : memref<80xi32, #tpu.memory_space<vmem>>) semaphore(%run_scoped3A : memref<!tpu.dma_semaphore, #tpu.memory_space<semaphore_mem>>) {add = true}
        %dma_wait3A_90 = arith.constant 0 : i32
        %dma_wait3A_91 = arith.constant 0 : i32
        %dma_wait3A_92 = tpu.memref_slice %arg15[%dma_wait3A_90, %dma_wait3A_91] : memref<10240x128xf32, #tpu.memory_space<vmem_shared>> -> memref<10240x128xf32, #tpu.memory_space<vmem_shared>>
        tpu.wait_indirect_dma semaphore(%run_scoped3A : memref<!tpu.dma_semaphore, #tpu.memory_space<semaphore_mem>>) src(%arg7 : memref<80x128xf32, #tpu.memory_space<vmem>>) dst(%dma_wait3A_92 : memref<10240x128xf32, #tpu.memory_space<vmem_shared>>)
        tpu.yield
      }) : () -> ()
      %add3A_65 = arith.constant 2 : i32
      %add3A_66 = arith.addi %add3A_57, %add3A_65 : i32
      %lt3A = arith.constant 125 : i32
      %lt3A_67 = arith.cmpi slt, %add3A_66, %lt3A : i32
      %convert_element_type3A = arith.extui %lt3A_67 : i1 to i32
      %cond3A = arith.constant 0 : i32
      %cond3A_68 = arith.cmpi ne, %convert_element_type3A, %cond3A : i32
      scf.if %cond3A_68 {
        %add3A_87 = arith.constant 2 : i32
        %add3A_88 = arith.addi %add3A_57, %add3A_87 : i32
        %mul3A_89 = arith.constant 80 : i32
        %mul3A_90 = arith.muli %add3A_88, %mul3A_89 : i32
        %add3A_91 = arith.addi %mul3A_2, %mul3A_90 : i32
        "tpu.region"() ({
          %run_scoped3A = tpu.sem_alloc : memref<!tpu.dma_semaphore, #tpu.memory_space<semaphore_mem>>
          %dma_start3A_96 = tpu.memref_slice %arg3[%add3A_91] : memref<320000xi32, #tpu.memory_space<hbm>> -> memref<80xi32, #tpu.memory_space<hbm>>
          %dma_start3A_97 = tpu.memref_slice %arg3[%add3A_91] : memref<320000xi32, #tpu.memory_space<hbm>> -> memref<80xi32, #tpu.memory_space<hbm>>
          tpu.enqueue_dma source(%dma_start3A_97 : memref<80xi32, #tpu.memory_space<hbm>>) target(%arg9 : memref<80xi32, #tpu.memory_space<vmem>>) target_semaphore(%run_scoped3A : memref<!tpu.dma_semaphore, #tpu.memory_space<semaphore_mem>>)
          %dma_wait3A_98 = tpu.memref_slice %arg3[%add3A_91] : memref<320000xi32, #tpu.memory_space<hbm>> -> memref<80xi32, #tpu.memory_space<hbm>>
          %dma_wait3A_99 = tpu.memref_slice %arg3[%add3A_91] : memref<320000xi32, #tpu.memory_space<hbm>> -> memref<80xi32, #tpu.memory_space<hbm>>
          tpu.wait_dma2 semaphore(%run_scoped3A : memref<!tpu.dma_semaphore, #tpu.memory_space<semaphore_mem>>) src(%dma_wait3A_99 : memref<80xi32, #tpu.memory_space<hbm>>) dst(%arg9 : memref<80xi32, #tpu.memory_space<vmem>>)
          tpu.yield
        }) : () -> ()
        %dma_start3A_92 = arith.constant 0 : i32
        %dma_start3A_93 = tpu.memref_slice %arg2[%add3A_91, %dma_start3A_92] : memref<320000x128xf32, #tpu.memory_space<hbm>> -> memref<80x128xf32, #tpu.memory_space<hbm>>
        %dma_start3A_94 = arith.constant 0 : i32
        %dma_start3A_95 = tpu.memref_slice %arg2[%add3A_91, %dma_start3A_94] : memref<320000x128xf32, #tpu.memory_space<hbm>> -> memref<80x128xf32, #tpu.memory_space<hbm>>
        tpu.enqueue_dma source(%dma_start3A_95 : memref<80x128xf32, #tpu.memory_space<hbm>>) target(%arg7 : memref<80x128xf32, #tpu.memory_space<vmem>>) target_semaphore(%arg18 : memref<!tpu.dma_semaphore, #tpu.memory_space<semaphore_mem>>)
      } else {
      }
      %mul3A_69 = arith.constant 2 : i32
      %mul3A_70 = arith.muli %scan3A_53, %mul3A_69 : i32
      %add3A_71 = arith.constant 1 : i32
      %add3A_72 = arith.addi %mul3A_70, %add3A_71 : i32
      %mul3A_73 = arith.constant 80 : i32
      %mul3A_74 = arith.muli %add3A_72, %mul3A_73 : i32
      %add3A_75 = arith.addi %mul3A_2, %mul3A_74 : i32
      %dma_wait3A_76 = arith.constant 0 : i32
      %dma_wait3A_77 = tpu.memref_slice %arg2[%add3A_75, %dma_wait3A_76] : memref<320000x128xf32, #tpu.memory_space<hbm>> -> memref<80x128xf32, #tpu.memory_space<hbm>>
      %dma_wait3A_78 = arith.constant 0 : i32
      %dma_wait3A_79 = tpu.memref_slice %arg2[%add3A_75, %dma_wait3A_78] : memref<320000x128xf32, #tpu.memory_space<hbm>> -> memref<80x128xf32, #tpu.memory_space<hbm>>
      tpu.wait_dma2 semaphore(%arg19 : memref<!tpu.dma_semaphore, #tpu.memory_space<semaphore_mem>>) src(%dma_wait3A_79 : memref<80x128xf32, #tpu.memory_space<hbm>>) dst(%arg8 : memref<80x128xf32, #tpu.memory_space<vmem>>)
      "tpu.region"() ({
        %run_scoped3A = tpu.sem_alloc : memref<!tpu.dma_semaphore, #tpu.memory_space<semaphore_mem>>
        %dma_start3A_87 = arith.constant 0 : i32
        %dma_start3A_88 = arith.constant 0 : i32
        %dma_start3A_89 = tpu.memref_slice %arg15[%dma_start3A_87, %dma_start3A_88] : memref<10240x128xf32, #tpu.memory_space<vmem_shared>> -> memref<10240x128xf32, #tpu.memory_space<vmem_shared>>
        tpu.enqueue_indirect_dma source(%arg8 : memref<80x128xf32, #tpu.memory_space<vmem>>) target(%dma_start3A_89 : memref<10240x128xf32, #tpu.memory_space<vmem_shared>>) offsets(%arg10 : memref<80xi32, #tpu.memory_space<vmem>>) semaphore(%run_scoped3A : memref<!tpu.dma_semaphore, #tpu.memory_space<semaphore_mem>>) {add = true}
        %dma_wait3A_90 = arith.constant 0 : i32
        %dma_wait3A_91 = arith.constant 0 : i32
        %dma_wait3A_92 = tpu.memref_slice %arg15[%dma_wait3A_90, %dma_wait3A_91] : memref<10240x128xf32, #tpu.memory_space<vmem_shared>> -> memref<10240x128xf32, #tpu.memory_space<vmem_shared>>
        tpu.wait_indirect_dma semaphore(%run_scoped3A : memref<!tpu.dma_semaphore, #tpu.memory_space<semaphore_mem>>) src(%arg8 : memref<80x128xf32, #tpu.memory_space<vmem>>) dst(%dma_wait3A_92 : memref<10240x128xf32, #tpu.memory_space<vmem_shared>>)
        tpu.yield
      }) : () -> ()
      %add3A_80 = arith.constant 2 : i32
      %add3A_81 = arith.addi %add3A_72, %add3A_80 : i32
      %lt3A_82 = arith.constant 125 : i32
      %lt3A_83 = arith.cmpi slt, %add3A_81, %lt3A_82 : i32
      %convert_element_type3A_84 = arith.extui %lt3A_83 : i1 to i32
      %cond3A_85 = arith.constant 0 : i32
      %cond3A_86 = arith.cmpi ne, %convert_element_type3A_84, %cond3A_85 : i32
      scf.if %cond3A_86 {
        %add3A_87 = arith.constant 2 : i32
        %add3A_88 = arith.addi %add3A_72, %add3A_87 : i32
        %mul3A_89 = arith.constant 80 : i32
        %mul3A_90 = arith.muli %add3A_88, %mul3A_89 : i32
        %add3A_91 = arith.addi %mul3A_2, %mul3A_90 : i32
        "tpu.region"() ({
          %run_scoped3A = tpu.sem_alloc : memref<!tpu.dma_semaphore, #tpu.memory_space<semaphore_mem>>
          %dma_start3A_96 = tpu.memref_slice %arg3[%add3A_91] : memref<320000xi32, #tpu.memory_space<hbm>> -> memref<80xi32, #tpu.memory_space<hbm>>
          %dma_start3A_97 = tpu.memref_slice %arg3[%add3A_91] : memref<320000xi32, #tpu.memory_space<hbm>> -> memref<80xi32, #tpu.memory_space<hbm>>
          tpu.enqueue_dma source(%dma_start3A_97 : memref<80xi32, #tpu.memory_space<hbm>>) target(%arg10 : memref<80xi32, #tpu.memory_space<vmem>>) target_semaphore(%run_scoped3A : memref<!tpu.dma_semaphore, #tpu.memory_space<semaphore_mem>>)
          %dma_wait3A_98 = tpu.memref_slice %arg3[%add3A_91] : memref<320000xi32, #tpu.memory_space<hbm>> -> memref<80xi32, #tpu.memory_space<hbm>>
          %dma_wait3A_99 = tpu.memref_slice %arg3[%add3A_91] : memref<320000xi32, #tpu.memory_space<hbm>> -> memref<80xi32, #tpu.memory_space<hbm>>
          tpu.wait_dma2 semaphore(%run_scoped3A : memref<!tpu.dma_semaphore, #tpu.memory_space<semaphore_mem>>) src(%dma_wait3A_99 : memref<80xi32, #tpu.memory_space<hbm>>) dst(%arg10 : memref<80xi32, #tpu.memory_space<vmem>>)
          tpu.yield
        }) : () -> ()
        %dma_start3A_92 = arith.constant 0 : i32
        %dma_start3A_93 = tpu.memref_slice %arg2[%add3A_91, %dma_start3A_92] : memref<320000x128xf32, #tpu.memory_space<hbm>> -> memref<80x128xf32, #tpu.memory_space<hbm>>
        %dma_start3A_94 = arith.constant 0 : i32
        %dma_start3A_95 = tpu.memref_slice %arg2[%add3A_91, %dma_start3A_94] : memref<320000x128xf32, #tpu.memory_space<hbm>> -> memref<80x128xf32, #tpu.memory_space<hbm>>
        tpu.enqueue_dma source(%dma_start3A_95 : memref<80x128xf32, #tpu.memory_space<hbm>>) target(%arg8 : memref<80x128xf32, #tpu.memory_space<vmem>>) target_semaphore(%arg19 : memref<!tpu.dma_semaphore, #tpu.memory_space<semaphore_mem>>)
      } else {
      }
    }
    %scan3A_28 = arith.constant 62 : i32
    %add3A_29 = arith.constant 9920 : i32
    %add3A_30 = arith.addi %mul3A_2, %add3A_29 : i32
    %dma_wait3A = arith.constant 0 : i32
    %dma_wait3A_31 = tpu.memref_slice %arg2[%add3A_30, %dma_wait3A] : memref<320000x128xf32, #tpu.memory_space<hbm>> -> memref<80x128xf32, #tpu.memory_space<hbm>>
    %dma_wait3A_32 = arith.constant 0 : i32
    %dma_wait3A_33 = tpu.memref_slice %arg2[%add3A_30, %dma_wait3A_32] : memref<320000x128xf32, #tpu.memory_space<hbm>> -> memref<80x128xf32, #tpu.memory_space<hbm>>
    tpu.wait_dma2 semaphore(%arg18 : memref<!tpu.dma_semaphore, #tpu.memory_space<semaphore_mem>>) src(%dma_wait3A_33 : memref<80x128xf32, #tpu.memory_space<hbm>>) dst(%arg7 : memref<80x128xf32, #tpu.memory_space<vmem>>)
    "tpu.region"() ({
      %run_scoped3A = tpu.sem_alloc : memref<!tpu.dma_semaphore, #tpu.memory_space<semaphore_mem>>
      %dma_start3A_53 = arith.constant 0 : i32
      %dma_start3A_54 = arith.constant 0 : i32
      %dma_start3A_55 = tpu.memref_slice %arg15[%dma_start3A_53, %dma_start3A_54] : memref<10240x128xf32, #tpu.memory_space<vmem_shared>> -> memref<10240x128xf32, #tpu.memory_space<vmem_shared>>
      tpu.enqueue_indirect_dma source(%arg7 : memref<80x128xf32, #tpu.memory_space<vmem>>) target(%dma_start3A_55 : memref<10240x128xf32, #tpu.memory_space<vmem_shared>>) offsets(%arg9 : memref<80xi32, #tpu.memory_space<vmem>>) semaphore(%run_scoped3A : memref<!tpu.dma_semaphore, #tpu.memory_space<semaphore_mem>>) {add = true}
      %dma_wait3A_56 = arith.constant 0 : i32
      %dma_wait3A_57 = arith.constant 0 : i32
      %dma_wait3A_58 = tpu.memref_slice %arg15[%dma_wait3A_56, %dma_wait3A_57] : memref<10240x128xf32, #tpu.memory_space<vmem_shared>> -> memref<10240x128xf32, #tpu.memory_space<vmem_shared>>
      tpu.wait_indirect_dma semaphore(%run_scoped3A : memref<!tpu.dma_semaphore, #tpu.memory_space<semaphore_mem>>) src(%arg7 : memref<80x128xf32, #tpu.memory_space<vmem>>) dst(%dma_wait3A_58 : memref<10240x128xf32, #tpu.memory_space<vmem_shared>>)
      tpu.yield
    }) : () -> ()
    %mul3A_34 = arith.constant 320 : i32
    %mul3A_35 = arith.muli %add3A, %mul3A_34 : i32
    %iota3A = tpu.iota {dimensions = array<i32: 0>} : vector<16xi32>
    %scan3A_36 = arith.constant 0 : i32
    %scan3A_37 = arith.constant 0 : i32
    %scan3A_38 = arith.constant 21 : i32
    %scan3A_39 = arith.addi %scan3A_37, %scan3A_38 : i32
    %scan3A_40 = arith.constant 1 : i32
    scf.for %scan3A_53 = %scan3A_37 to %scan3A_39 step %scan3A_40  : i32 {
      %mul3A_54 = arith.constant 16 : i32
      %mul3A_55 = arith.muli %scan3A_53, %mul3A_54 : i32
      %add3A_56 = arith.addi %mul3A_35, %mul3A_55 : i32
      %add3A_57 = vector.broadcast %add3A_56 : i32 to vector<16xi32>
      %add3A_58 = arith.addi %add3A_57, %iota3A : vector<16xi32>
      %broadcast_in_dim3A = arith.constant 0 : i32
      %broadcast_in_dim3A_59 = vector.broadcast %broadcast_in_dim3A : i32 to vector<16xi32>
      %add3A_60 = arith.constant 262144 : i32
      %add3A_61 = vector.broadcast %add3A_60 : i32 to vector<16xi32>
      %add3A_62 = arith.addi %broadcast_in_dim3A_59, %add3A_61 : vector<16xi32>
      %min3A = arith.constant 320000 : i32
      %min3A_63 = vector.broadcast %min3A : i32 to vector<16xi32>
      %min3A_64 = arith.minsi %add3A_62, %min3A_63 : vector<16xi32>
      %sub3A = arith.constant 1 : i32
      %sub3A_65 = vector.broadcast %sub3A : i32 to vector<16xi32>
      %sub3A_66 = arith.subi %min3A_64, %sub3A_65 : vector<16xi32>
      %dma_start3A_67 = arith.constant 0 : i32
      %dma_start3A_68 = tpu.memref_slice %arg16[%dma_start3A_67] : memref<320000xi32, #tpu.memory_space<vmem_shared>> -> memref<320000xi32, #tpu.memory_space<vmem_shared>>
      tpu.enqueue_indirect_dma source(%dma_start3A_68 : memref<320000xi32, #tpu.memory_space<vmem_shared>>) target(%arg11 : memref<16xi32, #tpu.memory_space<vmem>>) offsets(%sub3A_66 : vector<16xi32>) semaphore(%arg17 : memref<!tpu.dma_semaphore, #tpu.memory_space<semaphore_mem>>)
      %dma_wait3A_69 = arith.constant 0 : i32
      %dma_wait3A_70 = tpu.memref_slice %arg16[%dma_wait3A_69] : memref<320000xi32, #tpu.memory_space<vmem_shared>> -> memref<320000xi32, #tpu.memory_space<vmem_shared>>
      tpu.wait_indirect_dma semaphore(%arg17 : memref<!tpu.dma_semaphore, #tpu.memory_space<semaphore_mem>>) src(%dma_wait3A_70 : memref<320000xi32, #tpu.memory_space<vmem_shared>>) dst(%arg11 : memref<16xi32, #tpu.memory_space<vmem>>)
      %get3A = arith.constant 0 : index
      %get3A_71 = tpu.vector_load %arg11[%get3A] {strides = array<i32>} : memref<16xi32, #tpu.memory_space<vmem>>, vector<16xi32>,
      %get3A_72 = vector.shape_cast %get3A_71 : vector<16xi32> to vector<16xi32>
      %le3A = arith.constant 320000 : i32
      %le3A_73 = vector.broadcast %le3A : i32 to vector<16xi32>
      %le3A_74 = arith.cmpi sle, %add3A_62, %le3A_73 : vector<16xi32>
      %lt3A = arith.cmpi slt, %get3A_72, %add3A_58 : vector<16xi32>
      %and3A = arith.andi %le3A_74, %lt3A : vector<16xi1>
      %select_n3A = arith.select %and3A, %add3A_62, %broadcast_in_dim3A_59 : vector<16xi1>, vector<16xi32>
      %add3A_75 = arith.constant 131072 : i32
      %add3A_76 = vector.broadcast %add3A_75 : i32 to vector<16xi32>
      %add3A_77 = arith.addi %select_n3A, %add3A_76 : vector<16xi32>
      %min3A_78 = arith.constant 320000 : i32
      %min3A_79 = vector.broadcast %min3A_78 : i32 to vector<16xi32>
      %min3A_80 = arith.minsi %add3A_77, %min3A_79 : vector<16xi32>
      %sub3A_81 = arith.constant 1 : i32
      %sub3A_82 = vector.broadcast %sub3A_81 : i32 to vector<16xi32>
      %sub3A_83 = arith.subi %min3A_80, %sub3A_82 : vector<16xi32>
      %dma_start3A_84 = arith.constant 0 : i32
      %dma_start3A_85 = tpu.memref_slice %arg16[%dma_start3A_84] : memref<320000xi32, #tpu.memory_space<vmem_shared>> -> memref<320000xi32, #tpu.memory_space<vmem_shared>>
      tpu.enqueue_indirect_dma source(%dma_start3A_85 : memref<320000xi32, #tpu.memory_space<vmem_shared>>) target(%arg11 : memref<16xi32, #tpu.memory_space<vmem>>) offsets(%sub3A_83 : vector<16xi32>) semaphore(%arg17 : memref<!tpu.dma_semaphore, #tpu.memory_space<semaphore_mem>>)
      %dma_wait3A_86 = arith.constant 0 : i32
      %dma_wait3A_87 = tpu.memref_slice %arg16[%dma_wait3A_86] : memref<320000xi32, #tpu.memory_space<vmem_shared>> -> memref<320000xi32, #tpu.memory_space<vmem_shared>>
      tpu.wait_indirect_dma semaphore(%arg17 : memref<!tpu.dma_semaphore, #tpu.memory_space<semaphore_mem>>) src(%dma_wait3A_87 : memref<320000xi32, #tpu.memory_space<vmem_shared>>) dst(%arg11 : memref<16xi32, #tpu.memory_space<vmem>>)
      %get3A_88 = arith.constant 0 : index
      %get3A_89 = tpu.vector_load %arg11[%get3A_88] {strides = array<i32>} : memref<16xi32, #tpu.memory_space<vmem>>, vector<16xi32>,
      %get3A_90 = vector.shape_cast %get3A_89 : vector<16xi32> to vector<16xi32>
      %le3A_91 = arith.constant 320000 : i32
      %le3A_92 = vector.broadcast %le3A_91 : i32 to vector<16xi32>
      %le3A_93 = arith.cmpi sle, %add3A_77, %le3A_92 : vector<16xi32>
      %lt3A_94 = arith.cmpi slt, %get3A_90, %add3A_58 : vector<16xi32>
      %and3A_95 = arith.andi %le3A_93, %lt3A_94 : vector<16xi1>
      %select_n3A_96 = arith.select %and3A_95, %add3A_77, %select_n3A : vector<16xi1>, vector<16xi32>
      %add3A_97 = arith.constant 65536 : i32
      %add3A_98 = vector.broadcast %add3A_97 : i32 to vector<16xi32>
      %add3A_99 = arith.addi %select_n3A_96, %add3A_98 : vector<16xi32>
      %min3A_100 = arith.constant 320000 : i32
      %min3A_101 = vector.broadcast %min3A_100 : i32 to vector<16xi32>
      %min3A_102 = arith.minsi %add3A_99, %min3A_101 : vector<16xi32>
      %sub3A_103 = arith.constant 1 : i32
      %sub3A_104 = vector.broadcast %sub3A_103 : i32 to vector<16xi32>
      %sub3A_105 = arith.subi %min3A_102, %sub3A_104 : vector<16xi32>
      %dma_start3A_106 = arith.constant 0 : i32
      %dma_start3A_107 = tpu.memref_slice %arg16[%dma_start3A_106] : memref<320000xi32, #tpu.memory_space<vmem_shared>> -> memref<320000xi32, #tpu.memory_space<vmem_shared>>
      tpu.enqueue_indirect_dma source(%dma_start3A_107 : memref<320000xi32, #tpu.memory_space<vmem_shared>>) target(%arg11 : memref<16xi32, #tpu.memory_space<vmem>>) offsets(%sub3A_105 : vector<16xi32>) semaphore(%arg17 : memref<!tpu.dma_semaphore, #tpu.memory_space<semaphore_mem>>)
      %dma_wait3A_108 = arith.constant 0 : i32
      %dma_wait3A_109 = tpu.memref_slice %arg16[%dma_wait3A_108] : memref<320000xi32, #tpu.memory_space<vmem_shared>> -> memref<320000xi32, #tpu.memory_space<vmem_shared>>
      tpu.wait_indirect_dma semaphore(%arg17 : memref<!tpu.dma_semaphore, #tpu.memory_space<semaphore_mem>>) src(%dma_wait3A_109 : memref<320000xi32, #tpu.memory_space<vmem_shared>>) dst(%arg11 : memref<16xi32, #tpu.memory_space<vmem>>)
      %get3A_110 = arith.constant 0 : index
      %get3A_111 = tpu.vector_load %arg11[%get3A_110] {strides = array<i32>} : memref<16xi32, #tpu.memory_space<vmem>>, vector<16xi32>,
      %get3A_112 = vector.shape_cast %get3A_111 : vector<16xi32> to vector<16xi32>
      %le3A_113 = arith.constant 320000 : i32
      %le3A_114 = vector.broadcast %le3A_113 : i32 to vector<16xi32>
      %le3A_115 = arith.cmpi sle, %add3A_99, %le3A_114 : vector<16xi32>
      %lt3A_116 = arith.cmpi slt, %get3A_112, %add3A_58 : vector<16xi32>
      %and3A_117 = arith.andi %le3A_115, %lt3A_116 : vector<16xi1>
      %select_n3A_118 = arith.select %and3A_117, %add3A_99, %select_n3A_96 : vector<16xi1>, vector<16xi32>
      %add3A_119 = arith.constant 32768 : i32
      %add3A_120 = vector.broadcast %add3A_119 : i32 to vector<16xi32>
      %add3A_121 = arith.addi %select_n3A_118, %add3A_120 : vector<16xi32>
      %min3A_122 = arith.constant 320000 : i32
      %min3A_123 = vector.broadcast %min3A_122 : i32 to vector<16xi32>
      %min3A_124 = arith.minsi %add3A_121, %min3A_123 : vector<16xi32>
      %sub3A_125 = arith.constant 1 : i32
      %sub3A_126 = vector.broadcast %sub3A_125 : i32 to vector<16xi32>
      %sub3A_127 = arith.subi %min3A_124, %sub3A_126 : vector<16xi32>
      %dma_start3A_128 = arith.constant 0 : i32
      %dma_start3A_129 = tpu.memref_slice %arg16[%dma_start3A_128] : memref<320000xi32, #tpu.memory_space<vmem_shared>> -> memref<320000xi32, #tpu.memory_space<vmem_shared>>
      tpu.enqueue_indirect_dma source(%dma_start3A_129 : memref<320000xi32, #tpu.memory_space<vmem_shared>>) target(%arg11 : memref<16xi32, #tpu.memory_space<vmem>>) offsets(%sub3A_127 : vector<16xi32>) semaphore(%arg17 : memref<!tpu.dma_semaphore, #tpu.memory_space<semaphore_mem>>)
      %dma_wait3A_130 = arith.constant 0 : i32
      %dma_wait3A_131 = tpu.memref_slice %arg16[%dma_wait3A_130] : memref<320000xi32, #tpu.memory_space<vmem_shared>> -> memref<320000xi32, #tpu.memory_space<vmem_shared>>
      tpu.wait_indirect_dma semaphore(%arg17 : memref<!tpu.dma_semaphore, #tpu.memory_space<semaphore_mem>>) src(%dma_wait3A_131 : memref<320000xi32, #tpu.memory_space<vmem_shared>>) dst(%arg11 : memref<16xi32, #tpu.memory_space<vmem>>)
      %get3A_132 = arith.constant 0 : index
      %get3A_133 = tpu.vector_load %arg11[%get3A_132] {strides = array<i32>} : memref<16xi32, #tpu.memory_space<vmem>>, vector<16xi32>,
      %get3A_134 = vector.shape_cast %get3A_133 : vector<16xi32> to vector<16xi32>
      %le3A_135 = arith.constant 320000 : i32
      %le3A_136 = vector.broadcast %le3A_135 : i32 to vector<16xi32>
      %le3A_137 = arith.cmpi sle, %add3A_121, %le3A_136 : vector<16xi32>
      %lt3A_138 = arith.cmpi slt, %get3A_134, %add3A_58 : vector<16xi32>
      %and3A_139 = arith.andi %le3A_137, %lt3A_138 : vector<16xi1>
      %select_n3A_140 = arith.select %and3A_139, %add3A_121, %select_n3A_118 : vector<16xi1>, vector<16xi32>
      %add3A_141 = arith.constant 16384 : i32
      %add3A_142 = vector.broadcast %add3A_141 : i32 to vector<16xi32>
      %add3A_143 = arith.addi %select_n3A_140, %add3A_142 : vector<16xi32>
      %min3A_144 = arith.constant 320000 : i32
      %min3A_145 = vector.broadcast %min3A_144 : i32 to vector<16xi32>
      %min3A_146 = arith.minsi %add3A_143, %min3A_145 : vector<16xi32>
      %sub3A_147 = arith.constant 1 : i32
      %sub3A_148 = vector.broadcast %sub3A_147 : i32 to vector<16xi32>
      %sub3A_149 = arith.subi %min3A_146, %sub3A_148 : vector<16xi32>
      %dma_start3A_150 = arith.constant 0 : i32
      %dma_start3A_151 = tpu.memref_slice %arg16[%dma_start3A_150] : memref<320000xi32, #tpu.memory_space<vmem_shared>> -> memref<320000xi32, #tpu.memory_space<vmem_shared>>
      tpu.enqueue_indirect_dma source(%dma_start3A_151 : memref<320000xi32, #tpu.memory_space<vmem_shared>>) target(%arg11 : memref<16xi32, #tpu.memory_space<vmem>>) offsets(%sub3A_149 : vector<16xi32>) semaphore(%arg17 : memref<!tpu.dma_semaphore, #tpu.memory_space<semaphore_mem>>)
      %dma_wait3A_152 = arith.constant 0 : i32
      %dma_wait3A_153 = tpu.memref_slice %arg16[%dma_wait3A_152] : memref<320000xi32, #tpu.memory_space<vmem_shared>> -> memref<320000xi32, #tpu.memory_space<vmem_shared>>
      tpu.wait_indirect_dma semaphore(%arg17 : memref<!tpu.dma_semaphore, #tpu.memory_space<semaphore_mem>>) src(%dma_wait3A_153 : memref<320000xi32, #tpu.memory_space<vmem_shared>>) dst(%arg11 : memref<16xi32, #tpu.memory_space<vmem>>)
      %get3A_154 = arith.constant 0 : index
      %get3A_155 = tpu.vector_load %arg11[%get3A_154] {strides = array<i32>} : memref<16xi32, #tpu.memory_space<vmem>>, vector<16xi32>,
      %get3A_156 = vector.shape_cast %get3A_155 : vector<16xi32> to vector<16xi32>
      %le3A_157 = arith.constant 320000 : i32
      %le3A_158 = vector.broadcast %le3A_157 : i32 to vector<16xi32>
      %le3A_159 = arith.cmpi sle, %add3A_143, %le3A_158 : vector<16xi32>
      %lt3A_160 = arith.cmpi slt, %get3A_156, %add3A_58 : vector<16xi32>
      %and3A_161 = arith.andi %le3A_159, %lt3A_160 : vector<16xi1>
      %select_n3A_162 = arith.select %and3A_161, %add3A_143, %select_n3A_140 : vector<16xi1>, vector<16xi32>
      %add3A_163 = arith.constant 8192 : i32
      %add3A_164 = vector.broadcast %add3A_163 : i32 to vector<16xi32>
      %add3A_165 = arith.addi %select_n3A_162, %add3A_164 : vector<16xi32>
      %min3A_166 = arith.constant 320000 : i32
      %min3A_167 = vector.broadcast %min3A_166 : i32 to vector<16xi32>
      %min3A_168 = arith.minsi %add3A_165, %min3A_167 : vector<16xi32>
      %sub3A_169 = arith.constant 1 : i32
      %sub3A_170 = vector.broadcast %sub3A_169 : i32 to vector<16xi32>
      %sub3A_171 = arith.subi %min3A_168, %sub3A_170 : vector<16xi32>
      %dma_start3A_172 = arith.constant 0 : i32
      %dma_start3A_173 = tpu.memref_slice %arg16[%dma_start3A_172] : memref<320000xi32, #tpu.memory_space<vmem_shared>> -> memref<320000xi32, #tpu.memory_space<vmem_shared>>
      tpu.enqueue_indirect_dma source(%dma_start3A_173 : memref<320000xi32, #tpu.memory_space<vmem_shared>>) target(%arg11 : memref<16xi32, #tpu.memory_space<vmem>>) offsets(%sub3A_171 : vector<16xi32>) semaphore(%arg17 : memref<!tpu.dma_semaphore, #tpu.memory_space<semaphore_mem>>)
      %dma_wait3A_174 = arith.constant 0 : i32
      %dma_wait3A_175 = tpu.memref_slice %arg16[%dma_wait3A_174] : memref<320000xi32, #tpu.memory_space<vmem_shared>> -> memref<320000xi32, #tpu.memory_space<vmem_shared>>
      tpu.wait_indirect_dma semaphore(%arg17 : memref<!tpu.dma_semaphore, #tpu.memory_space<semaphore_mem>>) src(%dma_wait3A_175 : memref<320000xi32, #tpu.memory_space<vmem_shared>>) dst(%arg11 : memref<16xi32, #tpu.memory_space<vmem>>)
      %get3A_176 = arith.constant 0 : index
      %get3A_177 = tpu.vector_load %arg11[%get3A_176] {strides = array<i32>} : memref<16xi32, #tpu.memory_space<vmem>>, vector<16xi32>,
      %get3A_178 = vector.shape_cast %get3A_177 : vector<16xi32> to vector<16xi32>
      %le3A_179 = arith.constant 320000 : i32
      %le3A_180 = vector.broadcast %le3A_179 : i32 to vector<16xi32>
      %le3A_181 = arith.cmpi sle, %add3A_165, %le3A_180 : vector<16xi32>
      %lt3A_182 = arith.cmpi slt, %get3A_178, %add3A_58 : vector<16xi32>
      %and3A_183 = arith.andi %le3A_181, %lt3A_182 : vector<16xi1>
      %select_n3A_184 = arith.select %and3A_183, %add3A_165, %select_n3A_162 : vector<16xi1>, vector<16xi32>
      %add3A_185 = arith.constant 4096 : i32
      %add3A_186 = vector.broadcast %add3A_185 : i32 to vector<16xi32>
      %add3A_187 = arith.addi %select_n3A_184, %add3A_186 : vector<16xi32>
      %min3A_188 = arith.constant 320000 : i32
      %min3A_189 = vector.broadcast %min3A_188 : i32 to vector<16xi32>
      %min3A_190 = arith.minsi %add3A_187, %min3A_189 : vector<16xi32>
      %sub3A_191 = arith.constant 1 : i32
      %sub3A_192 = vector.broadcast %sub3A_191 : i32 to vector<16xi32>
      %sub3A_193 = arith.subi %min3A_190, %sub3A_192 : vector<16xi32>
      %dma_start3A_194 = arith.constant 0 : i32
      %dma_start3A_195 = tpu.memref_slice %arg16[%dma_start3A_194] : memref<320000xi32, #tpu.memory_space<vmem_shared>> -> memref<320000xi32, #tpu.memory_space<vmem_shared>>
      tpu.enqueue_indirect_dma source(%dma_start3A_195 : memref<320000xi32, #tpu.memory_space<vmem_shared>>) target(%arg11 : memref<16xi32, #tpu.memory_space<vmem>>) offsets(%sub3A_193 : vector<16xi32>) semaphore(%arg17 : memref<!tpu.dma_semaphore, #tpu.memory_space<semaphore_mem>>)
      %dma_wait3A_196 = arith.constant 0 : i32
      %dma_wait3A_197 = tpu.memref_slice %arg16[%dma_wait3A_196] : memref<320000xi32, #tpu.memory_space<vmem_shared>> -> memref<320000xi32, #tpu.memory_space<vmem_shared>>
      tpu.wait_indirect_dma semaphore(%arg17 : memref<!tpu.dma_semaphore, #tpu.memory_space<semaphore_mem>>) src(%dma_wait3A_197 : memref<320000xi32, #tpu.memory_space<vmem_shared>>) dst(%arg11 : memref<16xi32, #tpu.memory_space<vmem>>)
      %get3A_198 = arith.constant 0 : index
      %get3A_199 = tpu.vector_load %arg11[%get3A_198] {strides = array<i32>} : memref<16xi32, #tpu.memory_space<vmem>>, vector<16xi32>,
      %get3A_200 = vector.shape_cast %get3A_199 : vector<16xi32> to vector<16xi32>
      %le3A_201 = arith.constant 320000 : i32
      %le3A_202 = vector.broadcast %le3A_201 : i32 to vector<16xi32>
      %le3A_203 = arith.cmpi sle, %add3A_187, %le3A_202 : vector<16xi32>
      %lt3A_204 = arith.cmpi slt, %get3A_200, %add3A_58 : vector<16xi32>
      %and3A_205 = arith.andi %le3A_203, %lt3A_204 : vector<16xi1>
      %select_n3A_206 = arith.select %and3A_205, %add3A_187, %select_n3A_184 : vector<16xi1>, vector<16xi32>
      %add3A_207 = arith.constant 2048 : i32
      %add3A_208 = vector.broadcast %add3A_207 : i32 to vector<16xi32>
      %add3A_209 = arith.addi %select_n3A_206, %add3A_208 : vector<16xi32>
      %min3A_210 = arith.constant 320000 : i32
      %min3A_211 = vector.broadcast %min3A_210 : i32 to vector<16xi32>
      %min3A_212 = arith.minsi %add3A_209, %min3A_211 : vector<16xi32>
      %sub3A_213 = arith.constant 1 : i32
      %sub3A_214 = vector.broadcast %sub3A_213 : i32 to vector<16xi32>
      %sub3A_215 = arith.subi %min3A_212, %sub3A_214 : vector<16xi32>
      %dma_start3A_216 = arith.constant 0 : i32
      %dma_start3A_217 = tpu.memref_slice %arg16[%dma_start3A_216] : memref<320000xi32, #tpu.memory_space<vmem_shared>> -> memref<320000xi32, #tpu.memory_space<vmem_shared>>
      tpu.enqueue_indirect_dma source(%dma_start3A_217 : memref<320000xi32, #tpu.memory_space<vmem_shared>>) target(%arg11 : memref<16xi32, #tpu.memory_space<vmem>>) offsets(%sub3A_215 : vector<16xi32>) semaphore(%arg17 : memref<!tpu.dma_semaphore, #tpu.memory_space<semaphore_mem>>)
      %dma_wait3A_218 = arith.constant 0 : i32
      %dma_wait3A_219 = tpu.memref_slice %arg16[%dma_wait3A_218] : memref<320000xi32, #tpu.memory_space<vmem_shared>> -> memref<320000xi32, #tpu.memory_space<vmem_shared>>
      tpu.wait_indirect_dma semaphore(%arg17 : memref<!tpu.dma_semaphore, #tpu.memory_space<semaphore_mem>>) src(%dma_wait3A_219 : memref<320000xi32, #tpu.memory_space<vmem_shared>>) dst(%arg11 : memref<16xi32, #tpu.memory_space<vmem>>)
      %get3A_220 = arith.constant 0 : index
      %get3A_221 = tpu.vector_load %arg11[%get3A_220] {strides = array<i32>} : memref<16xi32, #tpu.memory_space<vmem>>, vector<16xi32>,
      %get3A_222 = vector.shape_cast %get3A_221 : vector<16xi32> to vector<16xi32>
      %le3A_223 = arith.constant 320000 : i32
      %le3A_224 = vector.broadcast %le3A_223 : i32 to vector<16xi32>
      %le3A_225 = arith.cmpi sle, %add3A_209, %le3A_224 : vector<16xi32>
      %lt3A_226 = arith.cmpi slt, %get3A_222, %add3A_58 : vector<16xi32>
      %and3A_227 = arith.andi %le3A_225, %lt3A_226 : vector<16xi1>
      %select_n3A_228 = arith.select %and3A_227, %add3A_209, %select_n3A_206 : vector<16xi1>, vector<16xi32>
      %add3A_229 = arith.constant 1024 : i32
      %add3A_230 = vector.broadcast %add3A_229 : i32 to vector<16xi32>
      %add3A_231 = arith.addi %select_n3A_228, %add3A_230 : vector<16xi32>
      %min3A_232 = arith.constant 320000 : i32
      %min3A_233 = vector.broadcast %min3A_232 : i32 to vector<16xi32>
      %min3A_234 = arith.minsi %add3A_231, %min3A_233 : vector<16xi32>
      %sub3A_235 = arith.constant 1 : i32
      %sub3A_236 = vector.broadcast %sub3A_235 : i32 to vector<16xi32>
      %sub3A_237 = arith.subi %min3A_234, %sub3A_236 : vector<16xi32>
      %dma_start3A_238 = arith.constant 0 : i32
      %dma_start3A_239 = tpu.memref_slice %arg16[%dma_start3A_238] : memref<320000xi32, #tpu.memory_space<vmem_shared>> -> memref<320000xi32, #tpu.memory_space<vmem_shared>>
      tpu.enqueue_indirect_dma source(%dma_start3A_239 : memref<320000xi32, #tpu.memory_space<vmem_shared>>) target(%arg11 : memref<16xi32, #tpu.memory_space<vmem>>) offsets(%sub3A_237 : vector<16xi32>) semaphore(%arg17 : memref<!tpu.dma_semaphore, #tpu.memory_space<semaphore_mem>>)
      %dma_wait3A_240 = arith.constant 0 : i32
      %dma_wait3A_241 = tpu.memref_slice %arg16[%dma_wait3A_240] : memref<320000xi32, #tpu.memory_space<vmem_shared>> -> memref<320000xi32, #tpu.memory_space<vmem_shared>>
      tpu.wait_indirect_dma semaphore(%arg17 : memref<!tpu.dma_semaphore, #tpu.memory_space<semaphore_mem>>) src(%dma_wait3A_241 : memref<320000xi32, #tpu.memory_space<vmem_shared>>) dst(%arg11 : memref<16xi32, #tpu.memory_space<vmem>>)
      %get3A_242 = arith.constant 0 : index
      %get3A_243 = tpu.vector_load %arg11[%get3A_242] {strides = array<i32>} : memref<16xi32, #tpu.memory_space<vmem>>, vector<16xi32>,
      %get3A_244 = vector.shape_cast %get3A_243 : vector<16xi32> to vector<16xi32>
      %le3A_245 = arith.constant 320000 : i32
      %le3A_246 = vector.broadcast %le3A_245 : i32 to vector<16xi32>
      %le3A_247 = arith.cmpi sle, %add3A_231, %le3A_246 : vector<16xi32>
      %lt3A_248 = arith.cmpi slt, %get3A_244, %add3A_58 : vector<16xi32>
      %and3A_249 = arith.andi %le3A_247, %lt3A_248 : vector<16xi1>
      %select_n3A_250 = arith.select %and3A_249, %add3A_231, %select_n3A_228 : vector<16xi1>, vector<16xi32>
      %add3A_251 = arith.constant 512 : i32
      %add3A_252 = vector.broadcast %add3A_251 : i32 to vector<16xi32>
      %add3A_253 = arith.addi %select_n3A_250, %add3A_252 : vector<16xi32>
      %min3A_254 = arith.constant 320000 : i32
      %min3A_255 = vector.broadcast %min3A_254 : i32 to vector<16xi32>
      %min3A_256 = arith.minsi %add3A_253, %min3A_255 : vector<16xi32>
      %sub3A_257 = arith.constant 1 : i32
      %sub3A_258 = vector.broadcast %sub3A_257 : i32 to vector<16xi32>
      %sub3A_259 = arith.subi %min3A_256, %sub3A_258 : vector<16xi32>
      %dma_start3A_260 = arith.constant 0 : i32
      %dma_start3A_261 = tpu.memref_slice %arg16[%dma_start3A_260] : memref<320000xi32, #tpu.memory_space<vmem_shared>> -> memref<320000xi32, #tpu.memory_space<vmem_shared>>
      tpu.enqueue_indirect_dma source(%dma_start3A_261 : memref<320000xi32, #tpu.memory_space<vmem_shared>>) target(%arg11 : memref<16xi32, #tpu.memory_space<vmem>>) offsets(%sub3A_259 : vector<16xi32>) semaphore(%arg17 : memref<!tpu.dma_semaphore, #tpu.memory_space<semaphore_mem>>)
      %dma_wait3A_262 = arith.constant 0 : i32
      %dma_wait3A_263 = tpu.memref_slice %arg16[%dma_wait3A_262] : memref<320000xi32, #tpu.memory_space<vmem_shared>> -> memref<320000xi32, #tpu.memory_space<vmem_shared>>
      tpu.wait_indirect_dma semaphore(%arg17 : memref<!tpu.dma_semaphore, #tpu.memory_space<semaphore_mem>>) src(%dma_wait3A_263 : memref<320000xi32, #tpu.memory_space<vmem_shared>>) dst(%arg11 : memref<16xi32, #tpu.memory_space<vmem>>)
      %get3A_264 = arith.constant 0 : index
      %get3A_265 = tpu.vector_load %arg11[%get3A_264] {strides = array<i32>} : memref<16xi32, #tpu.memory_space<vmem>>, vector<16xi32>,
      %get3A_266 = vector.shape_cast %get3A_265 : vector<16xi32> to vector<16xi32>
      %le3A_267 = arith.constant 320000 : i32
      %le3A_268 = vector.broadcast %le3A_267 : i32 to vector<16xi32>
      %le3A_269 = arith.cmpi sle, %add3A_253, %le3A_268 : vector<16xi32>
      %lt3A_270 = arith.cmpi slt, %get3A_266, %add3A_58 : vector<16xi32>
      %and3A_271 = arith.andi %le3A_269, %lt3A_270 : vector<16xi1>
      %select_n3A_272 = arith.select %and3A_271, %add3A_253, %select_n3A_250 : vector<16xi1>, vector<16xi32>
      %add3A_273 = arith.constant 256 : i32
      %add3A_274 = vector.broadcast %add3A_273 : i32 to vector<16xi32>
      %add3A_275 = arith.addi %select_n3A_272, %add3A_274 : vector<16xi32>
      %min3A_276 = arith.constant 320000 : i32
      %min3A_277 = vector.broadcast %min3A_276 : i32 to vector<16xi32>
      %min3A_278 = arith.minsi %add3A_275, %min3A_277 : vector<16xi32>
      %sub3A_279 = arith.constant 1 : i32
      %sub3A_280 = vector.broadcast %sub3A_279 : i32 to vector<16xi32>
      %sub3A_281 = arith.subi %min3A_278, %sub3A_280 : vector<16xi32>
      %dma_start3A_282 = arith.constant 0 : i32
      %dma_start3A_283 = tpu.memref_slice %arg16[%dma_start3A_282] : memref<320000xi32, #tpu.memory_space<vmem_shared>> -> memref<320000xi32, #tpu.memory_space<vmem_shared>>
      tpu.enqueue_indirect_dma source(%dma_start3A_283 : memref<320000xi32, #tpu.memory_space<vmem_shared>>) target(%arg11 : memref<16xi32, #tpu.memory_space<vmem>>) offsets(%sub3A_281 : vector<16xi32>) semaphore(%arg17 : memref<!tpu.dma_semaphore, #tpu.memory_space<semaphore_mem>>)
      %dma_wait3A_284 = arith.constant 0 : i32
      %dma_wait3A_285 = tpu.memref_slice %arg16[%dma_wait3A_284] : memref<320000xi32, #tpu.memory_space<vmem_shared>> -> memref<320000xi32, #tpu.memory_space<vmem_shared>>
      tpu.wait_indirect_dma semaphore(%arg17 : memref<!tpu.dma_semaphore, #tpu.memory_space<semaphore_mem>>) src(%dma_wait3A_285 : memref<320000xi32, #tpu.memory_space<vmem_shared>>) dst(%arg11 : memref<16xi32, #tpu.memory_space<vmem>>)
      %get3A_286 = arith.constant 0 : index
      %get3A_287 = tpu.vector_load %arg11[%get3A_286] {strides = array<i32>} : memref<16xi32, #tpu.memory_space<vmem>>, vector<16xi32>,
      %get3A_288 = vector.shape_cast %get3A_287 : vector<16xi32> to vector<16xi32>
      %le3A_289 = arith.constant 320000 : i32
      %le3A_290 = vector.broadcast %le3A_289 : i32 to vector<16xi32>
      %le3A_291 = arith.cmpi sle, %add3A_275, %le3A_290 : vector<16xi32>
      %lt3A_292 = arith.cmpi slt, %get3A_288, %add3A_58 : vector<16xi32>
      %and3A_293 = arith.andi %le3A_291, %lt3A_292 : vector<16xi1>
      %select_n3A_294 = arith.select %and3A_293, %add3A_275, %select_n3A_272 : vector<16xi1>, vector<16xi32>
      %add3A_295 = arith.constant 128 : i32
      %add3A_296 = vector.broadcast %add3A_295 : i32 to vector<16xi32>
      %add3A_297 = arith.addi %select_n3A_294, %add3A_296 : vector<16xi32>
      %min3A_298 = arith.constant 320000 : i32
      %min3A_299 = vector.broadcast %min3A_298 : i32 to vector<16xi32>
      %min3A_300 = arith.minsi %add3A_297, %min3A_299 : vector<16xi32>
      %sub3A_301 = arith.constant 1 : i32
      %sub3A_302 = vector.broadcast %sub3A_301 : i32 to vector<16xi32>
      %sub3A_303 = arith.subi %min3A_300, %sub3A_302 : vector<16xi32>
      %dma_start3A_304 = arith.constant 0 : i32
      %dma_start3A_305 = tpu.memref_slice %arg16[%dma_start3A_304] : memref<320000xi32, #tpu.memory_space<vmem_shared>> -> memref<320000xi32, #tpu.memory_space<vmem_shared>>
      tpu.enqueue_indirect_dma source(%dma_start3A_305 : memref<320000xi32, #tpu.memory_space<vmem_shared>>) target(%arg11 : memref<16xi32, #tpu.memory_space<vmem>>) offsets(%sub3A_303 : vector<16xi32>) semaphore(%arg17 : memref<!tpu.dma_semaphore, #tpu.memory_space<semaphore_mem>>)
      %dma_wait3A_306 = arith.constant 0 : i32
      %dma_wait3A_307 = tpu.memref_slice %arg16[%dma_wait3A_306] : memref<320000xi32, #tpu.memory_space<vmem_shared>> -> memref<320000xi32, #tpu.memory_space<vmem_shared>>
      tpu.wait_indirect_dma semaphore(%arg17 : memref<!tpu.dma_semaphore, #tpu.memory_space<semaphore_mem>>) src(%dma_wait3A_307 : memref<320000xi32, #tpu.memory_space<vmem_shared>>) dst(%arg11 : memref<16xi32, #tpu.memory_space<vmem>>)
      %get3A_308 = arith.constant 0 : index
      %get3A_309 = tpu.vector_load %arg11[%get3A_308] {strides = array<i32>} : memref<16xi32, #tpu.memory_space<vmem>>, vector<16xi32>,
      %get3A_310 = vector.shape_cast %get3A_309 : vector<16xi32> to vector<16xi32>
      %le3A_311 = arith.constant 320000 : i32
      %le3A_312 = vector.broadcast %le3A_311 : i32 to vector<16xi32>
      %le3A_313 = arith.cmpi sle, %add3A_297, %le3A_312 : vector<16xi32>
      %lt3A_314 = arith.cmpi slt, %get3A_310, %add3A_58 : vector<16xi32>
      %and3A_315 = arith.andi %le3A_313, %lt3A_314 : vector<16xi1>
      %select_n3A_316 = arith.select %and3A_315, %add3A_297, %select_n3A_294 : vector<16xi1>, vector<16xi32>
      %add3A_317 = arith.constant 64 : i32
      %add3A_318 = vector.broadcast %add3A_317 : i32 to vector<16xi32>
      %add3A_319 = arith.addi %select_n3A_316, %add3A_318 : vector<16xi32>
      %min3A_320 = arith.constant 320000 : i32
      %min3A_321 = vector.broadcast %min3A_320 : i32 to vector<16xi32>
      %min3A_322 = arith.minsi %add3A_319, %min3A_321 : vector<16xi32>
      %sub3A_323 = arith.constant 1 : i32
      %sub3A_324 = vector.broadcast %sub3A_323 : i32 to vector<16xi32>
      %sub3A_325 = arith.subi %min3A_322, %sub3A_324 : vector<16xi32>
      %dma_start3A_326 = arith.constant 0 : i32
      %dma_start3A_327 = tpu.memref_slice %arg16[%dma_start3A_326] : memref<320000xi32, #tpu.memory_space<vmem_shared>> -> memref<320000xi32, #tpu.memory_space<vmem_shared>>
      tpu.enqueue_indirect_dma source(%dma_start3A_327 : memref<320000xi32, #tpu.memory_space<vmem_shared>>) target(%arg11 : memref<16xi32, #tpu.memory_space<vmem>>) offsets(%sub3A_325 : vector<16xi32>) semaphore(%arg17 : memref<!tpu.dma_semaphore, #tpu.memory_space<semaphore_mem>>)
      %dma_wait3A_328 = arith.constant 0 : i32
      %dma_wait3A_329 = tpu.memref_slice %arg16[%dma_wait3A_328] : memref<320000xi32, #tpu.memory_space<vmem_shared>> -> memref<320000xi32, #tpu.memory_space<vmem_shared>>
      tpu.wait_indirect_dma semaphore(%arg17 : memref<!tpu.dma_semaphore, #tpu.memory_space<semaphore_mem>>) src(%dma_wait3A_329 : memref<320000xi32, #tpu.memory_space<vmem_shared>>) dst(%arg11 : memref<16xi32, #tpu.memory_space<vmem>>)
      %get3A_330 = arith.constant 0 : index
      %get3A_331 = tpu.vector_load %arg11[%get3A_330] {strides = array<i32>} : memref<16xi32, #tpu.memory_space<vmem>>, vector<16xi32>,
      %get3A_332 = vector.shape_cast %get3A_331 : vector<16xi32> to vector<16xi32>
      %le3A_333 = arith.constant 320000 : i32
      %le3A_334 = vector.broadcast %le3A_333 : i32 to vector<16xi32>
      %le3A_335 = arith.cmpi sle, %add3A_319, %le3A_334 : vector<16xi32>
      %lt3A_336 = arith.cmpi slt, %get3A_332, %add3A_58 : vector<16xi32>
      %and3A_337 = arith.andi %le3A_335, %lt3A_336 : vector<16xi1>
      %select_n3A_338 = arith.select %and3A_337, %add3A_319, %select_n3A_316 : vector<16xi1>, vector<16xi32>
      %add3A_339 = arith.constant 32 : i32
      %add3A_340 = vector.broadcast %add3A_339 : i32 to vector<16xi32>
      %add3A_341 = arith.addi %select_n3A_338, %add3A_340 : vector<16xi32>
      %min3A_342 = arith.constant 320000 : i32
      %min3A_343 = vector.broadcast %min3A_342 : i32 to vector<16xi32>
      %min3A_344 = arith.minsi %add3A_341, %min3A_343 : vector<16xi32>
      %sub3A_345 = arith.constant 1 : i32
      %sub3A_346 = vector.broadcast %sub3A_345 : i32 to vector<16xi32>
      %sub3A_347 = arith.subi %min3A_344, %sub3A_346 : vector<16xi32>
      %dma_start3A_348 = arith.constant 0 : i32
      %dma_start3A_349 = tpu.memref_slice %arg16[%dma_start3A_348] : memref<320000xi32, #tpu.memory_space<vmem_shared>> -> memref<320000xi32, #tpu.memory_space<vmem_shared>>
      tpu.enqueue_indirect_dma source(%dma_start3A_349 : memref<320000xi32, #tpu.memory_space<vmem_shared>>) target(%arg11 : memref<16xi32, #tpu.memory_space<vmem>>) offsets(%sub3A_347 : vector<16xi32>) semaphore(%arg17 : memref<!tpu.dma_semaphore, #tpu.memory_space<semaphore_mem>>)
      %dma_wait3A_350 = arith.constant 0 : i32
      %dma_wait3A_351 = tpu.memref_slice %arg16[%dma_wait3A_350] : memref<320000xi32, #tpu.memory_space<vmem_shared>> -> memref<320000xi32, #tpu.memory_space<vmem_shared>>
      tpu.wait_indirect_dma semaphore(%arg17 : memref<!tpu.dma_semaphore, #tpu.memory_space<semaphore_mem>>) src(%dma_wait3A_351 : memref<320000xi32, #tpu.memory_space<vmem_shared>>) dst(%arg11 : memref<16xi32, #tpu.memory_space<vmem>>)
      %get3A_352 = arith.constant 0 : index
      %get3A_353 = tpu.vector_load %arg11[%get3A_352] {strides = array<i32>} : memref<16xi32, #tpu.memory_space<vmem>>, vector<16xi32>,
      %get3A_354 = vector.shape_cast %get3A_353 : vector<16xi32> to vector<16xi32>
      %le3A_355 = arith.constant 320000 : i32
      %le3A_356 = vector.broadcast %le3A_355 : i32 to vector<16xi32>
      %le3A_357 = arith.cmpi sle, %add3A_341, %le3A_356 : vector<16xi32>
      %lt3A_358 = arith.cmpi slt, %get3A_354, %add3A_58 : vector<16xi32>
      %and3A_359 = arith.andi %le3A_357, %lt3A_358 : vector<16xi1>
      %select_n3A_360 = arith.select %and3A_359, %add3A_341, %select_n3A_338 : vector<16xi1>, vector<16xi32>
      %add3A_361 = arith.constant 16 : i32
      %add3A_362 = vector.broadcast %add3A_361 : i32 to vector<16xi32>
      %add3A_363 = arith.addi %select_n3A_360, %add3A_362 : vector<16xi32>
      %min3A_364 = arith.constant 320000 : i32
      %min3A_365 = vector.broadcast %min3A_364 : i32 to vector<16xi32>
      %min3A_366 = arith.minsi %add3A_363, %min3A_365 : vector<16xi32>
      %sub3A_367 = arith.constant 1 : i32
      %sub3A_368 = vector.broadcast %sub3A_367 : i32 to vector<16xi32>
      %sub3A_369 = arith.subi %min3A_366, %sub3A_368 : vector<16xi32>
      %dma_start3A_370 = arith.constant 0 : i32
      %dma_start3A_371 = tpu.memref_slice %arg16[%dma_start3A_370] : memref<320000xi32, #tpu.memory_space<vmem_shared>> -> memref<320000xi32, #tpu.memory_space<vmem_shared>>
      tpu.enqueue_indirect_dma source(%dma_start3A_371 : memref<320000xi32, #tpu.memory_space<vmem_shared>>) target(%arg11 : memref<16xi32, #tpu.memory_space<vmem>>) offsets(%sub3A_369 : vector<16xi32>) semaphore(%arg17 : memref<!tpu.dma_semaphore, #tpu.memory_space<semaphore_mem>>)
      %dma_wait3A_372 = arith.constant 0 : i32
      %dma_wait3A_373 = tpu.memref_slice %arg16[%dma_wait3A_372] : memref<320000xi32, #tpu.memory_space<vmem_shared>> -> memref<320000xi32, #tpu.memory_space<vmem_shared>>
      tpu.wait_indirect_dma semaphore(%arg17 : memref<!tpu.dma_semaphore, #tpu.memory_space<semaphore_mem>>) src(%dma_wait3A_373 : memref<320000xi32, #tpu.memory_space<vmem_shared>>) dst(%arg11 : memref<16xi32, #tpu.memory_space<vmem>>)
      %get3A_374 = arith.constant 0 : index
      %get3A_375 = tpu.vector_load %arg11[%get3A_374] {strides = array<i32>} : memref<16xi32, #tpu.memory_space<vmem>>, vector<16xi32>,
      %get3A_376 = vector.shape_cast %get3A_375 : vector<16xi32> to vector<16xi32>
      %le3A_377 = arith.constant 320000 : i32
      %le3A_378 = vector.broadcast %le3A_377 : i32 to vector<16xi32>
      %le3A_379 = arith.cmpi sle, %add3A_363, %le3A_378 : vector<16xi32>
      %lt3A_380 = arith.cmpi slt, %get3A_376, %add3A_58 : vector<16xi32>
      %and3A_381 = arith.andi %le3A_379, %lt3A_380 : vector<16xi1>
      %select_n3A_382 = arith.select %and3A_381, %add3A_363, %select_n3A_360 : vector<16xi1>, vector<16xi32>
      %add3A_383 = arith.constant 8 : i32
      %add3A_384 = vector.broadcast %add3A_383 : i32 to vector<16xi32>
      %add3A_385 = arith.addi %select_n3A_382, %add3A_384 : vector<16xi32>
      %min3A_386 = arith.constant 320000 : i32
      %min3A_387 = vector.broadcast %min3A_386 : i32 to vector<16xi32>
      %min3A_388 = arith.minsi %add3A_385, %min3A_387 : vector<16xi32>
      %sub3A_389 = arith.constant 1 : i32
      %sub3A_390 = vector.broadcast %sub3A_389 : i32 to vector<16xi32>
      %sub3A_391 = arith.subi %min3A_388, %sub3A_390 : vector<16xi32>
      %dma_start3A_392 = arith.constant 0 : i32
      %dma_start3A_393 = tpu.memref_slice %arg16[%dma_start3A_392] : memref<320000xi32, #tpu.memory_space<vmem_shared>> -> memref<320000xi32, #tpu.memory_space<vmem_shared>>
      tpu.enqueue_indirect_dma source(%dma_start3A_393 : memref<320000xi32, #tpu.memory_space<vmem_shared>>) target(%arg11 : memref<16xi32, #tpu.memory_space<vmem>>) offsets(%sub3A_391 : vector<16xi32>) semaphore(%arg17 : memref<!tpu.dma_semaphore, #tpu.memory_space<semaphore_mem>>)
      %dma_wait3A_394 = arith.constant 0 : i32
      %dma_wait3A_395 = tpu.memref_slice %arg16[%dma_wait3A_394] : memref<320000xi32, #tpu.memory_space<vmem_shared>> -> memref<320000xi32, #tpu.memory_space<vmem_shared>>
      tpu.wait_indirect_dma semaphore(%arg17 : memref<!tpu.dma_semaphore, #tpu.memory_space<semaphore_mem>>) src(%dma_wait3A_395 : memref<320000xi32, #tpu.memory_space<vmem_shared>>) dst(%arg11 : memref<16xi32, #tpu.memory_space<vmem>>)
      %get3A_396 = arith.constant 0 : index
      %get3A_397 = tpu.vector_load %arg11[%get3A_396] {strides = array<i32>} : memref<16xi32, #tpu.memory_space<vmem>>, vector<16xi32>,
      %get3A_398 = vector.shape_cast %get3A_397 : vector<16xi32> to vector<16xi32>
      %le3A_399 = arith.constant 320000 : i32
      %le3A_400 = vector.broadcast %le3A_399 : i32 to vector<16xi32>
      %le3A_401 = arith.cmpi sle, %add3A_385, %le3A_400 : vector<16xi32>
      %lt3A_402 = arith.cmpi slt, %get3A_398, %add3A_58 : vector<16xi32>
      %and3A_403 = arith.andi %le3A_401, %lt3A_402 : vector<16xi1>
      %select_n3A_404 = arith.select %and3A_403, %add3A_385, %select_n3A_382 : vector<16xi1>, vector<16xi32>
      %add3A_405 = arith.constant 4 : i32
      %add3A_406 = vector.broadcast %add3A_405 : i32 to vector<16xi32>
      %add3A_407 = arith.addi %select_n3A_404, %add3A_406 : vector<16xi32>
      %min3A_408 = arith.constant 320000 : i32
      %min3A_409 = vector.broadcast %min3A_408 : i32 to vector<16xi32>
      %min3A_410 = arith.minsi %add3A_407, %min3A_409 : vector<16xi32>
      %sub3A_411 = arith.constant 1 : i32
      %sub3A_412 = vector.broadcast %sub3A_411 : i32 to vector<16xi32>
      %sub3A_413 = arith.subi %min3A_410, %sub3A_412 : vector<16xi32>
      %dma_start3A_414 = arith.constant 0 : i32
      %dma_start3A_415 = tpu.memref_slice %arg16[%dma_start3A_414] : memref<320000xi32, #tpu.memory_space<vmem_shared>> -> memref<320000xi32, #tpu.memory_space<vmem_shared>>
      tpu.enqueue_indirect_dma source(%dma_start3A_415 : memref<320000xi32, #tpu.memory_space<vmem_shared>>) target(%arg11 : memref<16xi32, #tpu.memory_space<vmem>>) offsets(%sub3A_413 : vector<16xi32>) semaphore(%arg17 : memref<!tpu.dma_semaphore, #tpu.memory_space<semaphore_mem>>)
      %dma_wait3A_416 = arith.constant 0 : i32
      %dma_wait3A_417 = tpu.memref_slice %arg16[%dma_wait3A_416] : memref<320000xi32, #tpu.memory_space<vmem_shared>> -> memref<320000xi32, #tpu.memory_space<vmem_shared>>
      tpu.wait_indirect_dma semaphore(%arg17 : memref<!tpu.dma_semaphore, #tpu.memory_space<semaphore_mem>>) src(%dma_wait3A_417 : memref<320000xi32, #tpu.memory_space<vmem_shared>>) dst(%arg11 : memref<16xi32, #tpu.memory_space<vmem>>)
      %get3A_418 = arith.constant 0 : index
      %get3A_419 = tpu.vector_load %arg11[%get3A_418] {strides = array<i32>} : memref<16xi32, #tpu.memory_space<vmem>>, vector<16xi32>,
      %get3A_420 = vector.shape_cast %get3A_419 : vector<16xi32> to vector<16xi32>
      %le3A_421 = arith.constant 320000 : i32
      %le3A_422 = vector.broadcast %le3A_421 : i32 to vector<16xi32>
      %le3A_423 = arith.cmpi sle, %add3A_407, %le3A_422 : vector<16xi32>
      %lt3A_424 = arith.cmpi slt, %get3A_420, %add3A_58 : vector<16xi32>
      %and3A_425 = arith.andi %le3A_423, %lt3A_424 : vector<16xi1>
      %select_n3A_426 = arith.select %and3A_425, %add3A_407, %select_n3A_404 : vector<16xi1>, vector<16xi32>
      %add3A_427 = arith.constant 2 : i32
      %add3A_428 = vector.broadcast %add3A_427 : i32 to vector<16xi32>
      %add3A_429 = arith.addi %select_n3A_426, %add3A_428 : vector<16xi32>
      %min3A_430 = arith.constant 320000 : i32
      %min3A_431 = vector.broadcast %min3A_430 : i32 to vector<16xi32>
      %min3A_432 = arith.minsi %add3A_429, %min3A_431 : vector<16xi32>
      %sub3A_433 = arith.constant 1 : i32
      %sub3A_434 = vector.broadcast %sub3A_433 : i32 to vector<16xi32>
      %sub3A_435 = arith.subi %min3A_432, %sub3A_434 : vector<16xi32>
      %dma_start3A_436 = arith.constant 0 : i32
      %dma_start3A_437 = tpu.memref_slice %arg16[%dma_start3A_436] : memref<320000xi32, #tpu.memory_space<vmem_shared>> -> memref<320000xi32, #tpu.memory_space<vmem_shared>>
      tpu.enqueue_indirect_dma source(%dma_start3A_437 : memref<320000xi32, #tpu.memory_space<vmem_shared>>) target(%arg11 : memref<16xi32, #tpu.memory_space<vmem>>) offsets(%sub3A_435 : vector<16xi32>) semaphore(%arg17 : memref<!tpu.dma_semaphore, #tpu.memory_space<semaphore_mem>>)
      %dma_wait3A_438 = arith.constant 0 : i32
      %dma_wait3A_439 = tpu.memref_slice %arg16[%dma_wait3A_438] : memref<320000xi32, #tpu.memory_space<vmem_shared>> -> memref<320000xi32, #tpu.memory_space<vmem_shared>>
      tpu.wait_indirect_dma semaphore(%arg17 : memref<!tpu.dma_semaphore, #tpu.memory_space<semaphore_mem>>) src(%dma_wait3A_439 : memref<320000xi32, #tpu.memory_space<vmem_shared>>) dst(%arg11 : memref<16xi32, #tpu.memory_space<vmem>>)
      %get3A_440 = arith.constant 0 : index
      %get3A_441 = tpu.vector_load %arg11[%get3A_440] {strides = array<i32>} : memref<16xi32, #tpu.memory_space<vmem>>, vector<16xi32>,
      %get3A_442 = vector.shape_cast %get3A_441 : vector<16xi32> to vector<16xi32>
      %le3A_443 = arith.constant 320000 : i32
      %le3A_444 = vector.broadcast %le3A_443 : i32 to vector<16xi32>
      %le3A_445 = arith.cmpi sle, %add3A_429, %le3A_444 : vector<16xi32>
      %lt3A_446 = arith.cmpi slt, %get3A_442, %add3A_58 : vector<16xi32>
      %and3A_447 = arith.andi %le3A_445, %lt3A_446 : vector<16xi1>
      %select_n3A_448 = arith.select %and3A_447, %add3A_429, %select_n3A_426 : vector<16xi1>, vector<16xi32>
      %add3A_449 = arith.constant 1 : i32
      %add3A_450 = vector.broadcast %add3A_449 : i32 to vector<16xi32>
      %add3A_451 = arith.addi %select_n3A_448, %add3A_450 : vector<16xi32>
      %min3A_452 = arith.constant 320000 : i32
      %min3A_453 = vector.broadcast %min3A_452 : i32 to vector<16xi32>
      %min3A_454 = arith.minsi %add3A_451, %min3A_453 : vector<16xi32>
      %sub3A_455 = arith.constant 1 : i32
      %sub3A_456 = vector.broadcast %sub3A_455 : i32 to vector<16xi32>
      %sub3A_457 = arith.subi %min3A_454, %sub3A_456 : vector<16xi32>
      %dma_start3A_458 = arith.constant 0 : i32
      %dma_start3A_459 = tpu.memref_slice %arg16[%dma_start3A_458] : memref<320000xi32, #tpu.memory_space<vmem_shared>> -> memref<320000xi32, #tpu.memory_space<vmem_shared>>
      tpu.enqueue_indirect_dma source(%dma_start3A_459 : memref<320000xi32, #tpu.memory_space<vmem_shared>>) target(%arg11 : memref<16xi32, #tpu.memory_space<vmem>>) offsets(%sub3A_457 : vector<16xi32>) semaphore(%arg17 : memref<!tpu.dma_semaphore, #tpu.memory_space<semaphore_mem>>)
      %dma_wait3A_460 = arith.constant 0 : i32
      %dma_wait3A_461 = tpu.memref_slice %arg16[%dma_wait3A_460] : memref<320000xi32, #tpu.memory_space<vmem_shared>> -> memref<320000xi32, #tpu.memory_space<vmem_shared>>
      tpu.wait_indirect_dma semaphore(%arg17 : memref<!tpu.dma_semaphore, #tpu.memory_space<semaphore_mem>>) src(%dma_wait3A_461 : memref<320000xi32, #tpu.memory_space<vmem_shared>>) dst(%arg11 : memref<16xi32, #tpu.memory_space<vmem>>)
      %get3A_462 = arith.constant 0 : index
      %get3A_463 = tpu.vector_load %arg11[%get3A_462] {strides = array<i32>} : memref<16xi32, #tpu.memory_space<vmem>>, vector<16xi32>,
      %get3A_464 = vector.shape_cast %get3A_463 : vector<16xi32> to vector<16xi32>
      %le3A_465 = arith.constant 320000 : i32
      %le3A_466 = vector.broadcast %le3A_465 : i32 to vector<16xi32>
      %le3A_467 = arith.cmpi sle, %add3A_451, %le3A_466 : vector<16xi32>
      %lt3A_468 = arith.cmpi slt, %get3A_464, %add3A_58 : vector<16xi32>
      %and3A_469 = arith.andi %le3A_467, %lt3A_468 : vector<16xi1>
      %select_n3A_470 = arith.select %and3A_469, %add3A_451, %select_n3A_448 : vector<16xi1>, vector<16xi32>
      %mul3A_471 = arith.constant 16 : i32
      %mul3A_472 = arith.muli %scan3A_53, %mul3A_471 : i32
      %swap3A = arith.index_cast %mul3A_472 : i32 to index
      %swap3A_473 = tpu.vector_load %arg12[%swap3A] {strides = array<i32>} : memref<336xi32, #tpu.memory_space<vmem>>, vector<16xi32>,
      %swap3A_474 = vector.shape_cast %swap3A_473 : vector<16xi32> to vector<16xi32>
      %swap3A_475 = vector.shape_cast %select_n3A_470 : vector<16xi32> to vector<16xi32>
      tpu.vector_store %arg12[%swap3A], %swap3A_475 {strides = array<i32>} : memref<336xi32, #tpu.memory_space<vmem>>, vector<16xi32>,
    }
    %scan3A_41 = arith.constant 21 : i32
    %scan3A_42 = arith.constant 0 : i32
    %scan3A_43 = arith.constant 0 : i32
    %scan3A_44 = arith.constant 20 : i32
    %scan3A_45 = arith.addi %scan3A_43, %scan3A_44 : i32
    %scan3A_46 = arith.constant 1 : i32
    scf.for %scan3A_53 = %scan3A_43 to %scan3A_45 step %scan3A_46  : i32 {
      %mul3A_54 = arith.constant 16 : i32
      %mul3A_55 = arith.muli %scan3A_53, %mul3A_54 : i32
      %get3A = arith.index_cast %mul3A_55 : i32 to index
      %get3A_56 = tpu.vector_load %arg12[%get3A] {strides = array<i32>} : memref<336xi32, #tpu.memory_space<vmem>>, vector<16xi32>,
      %get3A_57 = vector.shape_cast %get3A_56 : vector<16xi32> to vector<16xi32>
      %mul3A_58 = arith.constant 16 : i32
      %mul3A_59 = arith.muli %scan3A_53, %mul3A_58 : i32
      %add3A_60 = arith.constant 1 : i32
      %add3A_61 = arith.addi %mul3A_59, %add3A_60 : i32
      %get3A_62 = arith.index_cast %add3A_61 : i32 to index
      %get3A_63 = tpu.vector_load %arg12[%get3A_62] {strides = array<i32>} : memref<336xi32, #tpu.memory_space<vmem>>, vector<16xi32>,
      %get3A_64 = vector.shape_cast %get3A_63 : vector<16xi32> to vector<16xi32>
      %sub3A = arith.subi %get3A_64, %get3A_57 : vector<16xi32>
      %convert_element_type3A = arith.sitofp %sub3A : vector<16xi32> to vector<16xf32>
      %mul3A_65 = arith.constant 16 : i32
      %mul3A_66 = arith.muli %scan3A_53, %mul3A_65 : i32
      %swap3A = arith.index_cast %mul3A_66 : i32 to index
      %swap3A_67 = tpu.vector_load %arg13[%swap3A] {strides = array<i32>} : memref<320xf32, #tpu.memory_space<vmem>>, vector<16xf32>,
      %swap3A_68 = vector.shape_cast %swap3A_67 : vector<16xf32> to vector<16xf32>
      %swap3A_69 = vector.shape_cast %convert_element_type3A : vector<16xf32> to vector<16xf32>
      tpu.vector_store %arg13[%swap3A], %swap3A_69 {strides = array<i32>} : memref<320xf32, #tpu.memory_space<vmem>>, vector<16xf32>,
    }
    %scan3A_47 = arith.constant 20 : i32
    "tpu.region"() ({
      %run_scoped3A = tpu.sem_alloc : memref<!tpu.dma_semaphore, #tpu.memory_space<semaphore_mem>>
      %dma_start3A_53 = arith.constant 0 : i32
      %dma_start3A_54 = tpu.memref_slice %arg6[%add3A, %dma_start3A_53] : memref<32x320xf32, #tpu.memory_space<hbm>> -> memref<1x320xf32, #tpu.memory_space<hbm>>
      %dma_start3A_55 = tpu.memref_squeeze %dma_start3A_54 : memref<1x320xf32, #tpu.memory_space<hbm>> -> memref<320xf32, #tpu.memory_space<hbm>>
      %dma_start3A_56 = arith.constant 0 : i32
      %dma_start3A_57 = tpu.memref_slice %arg6[%add3A, %dma_start3A_56] : memref<32x320xf32, #tpu.memory_space<hbm>> -> memref<1x320xf32, #tpu.memory_space<hbm>>
      %dma_start3A_58 = tpu.memref_squeeze %dma_start3A_57 : memref<1x320xf32, #tpu.memory_space<hbm>> -> memref<320xf32, #tpu.memory_space<hbm>>
      tpu.enqueue_dma source(%arg13 : memref<320xf32, #tpu.memory_space<vmem>>) target(%dma_start3A_58 : memref<320xf32, #tpu.memory_space<hbm>>) target_semaphore(%run_scoped3A : memref<!tpu.dma_semaphore, #tpu.memory_space<semaphore_mem>>)
      %dma_wait3A_59 = arith.constant 0 : i32
      %dma_wait3A_60 = tpu.memref_slice %arg6[%add3A, %dma_wait3A_59] : memref<32x320xf32, #tpu.memory_space<hbm>> -> memref<1x320xf32, #tpu.memory_space<hbm>>
      %dma_wait3A_61 = tpu.memref_squeeze %dma_wait3A_60 : memref<1x320xf32, #tpu.memory_space<hbm>> -> memref<320xf32, #tpu.memory_space<hbm>>
      %dma_wait3A_62 = arith.constant 0 : i32
      %dma_wait3A_63 = tpu.memref_slice %arg6[%add3A, %dma_wait3A_62] : memref<32x320xf32, #tpu.memory_space<hbm>> -> memref<1x320xf32, #tpu.memory_space<hbm>>
      %dma_wait3A_64 = tpu.memref_squeeze %dma_wait3A_63 : memref<1x320xf32, #tpu.memory_space<hbm>> -> memref<320xf32, #tpu.memory_space<hbm>>
      tpu.wait_dma2 semaphore(%run_scoped3A : memref<!tpu.dma_semaphore, #tpu.memory_space<semaphore_mem>>) src(%arg13 : memref<320xf32, #tpu.memory_space<vmem>>) dst(%dma_wait3A_64 : memref<320xf32, #tpu.memory_space<hbm>>)
      tpu.yield
    }) : () -> ()
    %barrier3A_48 = arith.constant 0 : index
    tpu.barrier barrier_id(%barrier3A_48)
    %mul3A_49 = arith.constant 640 : i32
    %mul3A_50 = arith.muli %arg1, %mul3A_49 : i32
    %mul3A_51 = arith.constant 640 : i32
    %mul3A_52 = arith.muli %arg1, %mul3A_51 : i32
    "tpu.region"() ({
      %run_scoped3A = tpu.sem_alloc : memref<!tpu.dma_semaphore, #tpu.memory_space<semaphore_mem>>
      %dma_start3A_53 = arith.constant 0 : i32
      %dma_start3A_54 = tpu.memref_slice %arg5[%arg0, %mul3A_52, %dma_start3A_53] : memref<2x10240x128xf32, #tpu.memory_space<hbm>> -> memref<1x640x128xf32, #tpu.memory_space<hbm>>
      %dma_start3A_55 = tpu.memref_squeeze %dma_start3A_54 : memref<1x640x128xf32, #tpu.memory_space<hbm>> -> memref<640x128xf32, #tpu.memory_space<hbm>>
      %dma_start3A_56 = arith.constant 0 : i32
      %dma_start3A_57 = tpu.memref_slice %arg15[%mul3A_50, %dma_start3A_56] : memref<10240x128xf32, #tpu.memory_space<vmem_shared>> -> memref<640x128xf32, #tpu.memory_space<vmem_shared>>
      tpu.enqueue_dma source(%dma_start3A_57 : memref<640x128xf32, #tpu.memory_space<vmem_shared>>) target(%dma_start3A_55 : memref<640x128xf32, #tpu.memory_space<hbm>>) target_semaphore(%run_scoped3A : memref<!tpu.dma_semaphore, #tpu.memory_space<semaphore_mem>>)
      %dma_wait3A_58 = arith.constant 0 : i32
      %dma_wait3A_59 = tpu.memref_slice %arg5[%arg0, %mul3A_52, %dma_wait3A_58] : memref<2x10240x128xf32, #tpu.memory_space<hbm>> -> memref<1x640x128xf32, #tpu.memory_space<hbm>>
      %dma_wait3A_60 = tpu.memref_squeeze %dma_wait3A_59 : memref<1x640x128xf32, #tpu.memory_space<hbm>> -> memref<640x128xf32, #tpu.memory_space<hbm>>
      %dma_wait3A_61 = arith.constant 0 : i32
      %dma_wait3A_62 = tpu.memref_slice %arg15[%mul3A_50, %dma_wait3A_61] : memref<10240x128xf32, #tpu.memory_space<vmem_shared>> -> memref<640x128xf32, #tpu.memory_space<vmem_shared>>
      tpu.wait_dma2 semaphore(%run_scoped3A : memref<!tpu.dma_semaphore, #tpu.memory_space<semaphore_mem>>) src(%dma_wait3A_62 : memref<640x128xf32, #tpu.memory_space<vmem_shared>>) dst(%dma_wait3A_60 : memref<640x128xf32, #tpu.memory_space<hbm>>)
      tpu.yield
    }) : () -> ()
    return
  }
}

#map = affine_map<(d0, d1) -> (0, 0)>
#map1 = affine_map<(d0, d1) -> (0)>
module attributes {stable_mosaic.version = 14 : i64} {
  func.func @_subtract(%arg0: i32, %arg1: i32, %arg2: memref<320000x128xf32, #tpu.memory_space<hbm>>, %arg3: memref<320000xi32, #tpu.memory_space<hbm>>, %arg4: memref<10240x128xf32, #tpu.memory_space<hbm>>, %arg5: memref<320000x128xf32, #tpu.memory_space<hbm>>, %arg6: memref<80x128xf32, #tpu.memory_space<vmem>>, %arg7: memref<80x128xf32, #tpu.memory_space<vmem>>, %arg8: memref<80x128xf32, #tpu.memory_space<vmem>>, %arg9: memref<80x128xf32, #tpu.memory_space<vmem>>, %arg10: memref<80x128xf32, #tpu.memory_space<vmem>>, %arg11: memref<80x128xf32, #tpu.memory_space<vmem>>, %arg12: memref<80xi32, #tpu.memory_space<vmem>>, %arg13: memref<80xi32, #tpu.memory_space<vmem>>, %arg14: memref<!tpu.dma_semaphore, #tpu.memory_space<semaphore_mem>>, %arg15: memref<!tpu.dma_semaphore, #tpu.memory_space<semaphore_mem>>, %arg16: memref<!tpu.dma_semaphore, #tpu.memory_space<semaphore_mem>>, %arg17: memref<!tpu.dma_semaphore, #tpu.memory_space<semaphore_mem>>, %arg18: memref<!tpu.dma_semaphore, #tpu.memory_space<semaphore_mem>>, %arg19: memref<!tpu.dma_semaphore, #tpu.memory_space<semaphore_mem>>) attributes {dimension_semantics = [#tpu.dimension_semantics<core_parallel>, #tpu.dimension_semantics<subcore_parallel>], iteration_bounds = array<i64: 2, 16>, scalar_prefetch = 0 : i64, scratch_operands = 14 : i64, tpu.core_type = #tpu.core_type<sc_vector_subcore>, window_params = [{transform_indices = #map}, {transform_indices = #map1}, {transform_indices = #map}, {transform_indices = #map}]} {
    %mul3A = arith.constant 16 : i32
    %mul3A_0 = arith.muli %arg0, %mul3A : i32
    %add3A = arith.addi %mul3A_0, %arg1 : i32
    %mul3A_1 = arith.constant 10000 : i32
    %mul3A_2 = arith.muli %add3A, %mul3A_1 : i32
    %add3A_3 = arith.constant 0 : i32
    %add3A_4 = arith.addi %mul3A_2, %add3A_3 : i32
    "tpu.region"() ({
      %run_scoped3A = tpu.sem_alloc : memref<!tpu.dma_semaphore, #tpu.memory_space<semaphore_mem>>
      %dma_start3A_59 = tpu.memref_slice %arg3[%add3A_4] : memref<320000xi32, #tpu.memory_space<hbm>> -> memref<80xi32, #tpu.memory_space<hbm>>
      %dma_start3A_60 = tpu.memref_slice %arg3[%add3A_4] : memref<320000xi32, #tpu.memory_space<hbm>> -> memref<80xi32, #tpu.memory_space<hbm>>
      tpu.enqueue_dma source(%dma_start3A_60 : memref<80xi32, #tpu.memory_space<hbm>>) target(%arg12 : memref<80xi32, #tpu.memory_space<vmem>>) target_semaphore(%run_scoped3A : memref<!tpu.dma_semaphore, #tpu.memory_space<semaphore_mem>>)
      %dma_wait3A_61 = tpu.memref_slice %arg3[%add3A_4] : memref<320000xi32, #tpu.memory_space<hbm>> -> memref<80xi32, #tpu.memory_space<hbm>>
      %dma_wait3A_62 = tpu.memref_slice %arg3[%add3A_4] : memref<320000xi32, #tpu.memory_space<hbm>> -> memref<80xi32, #tpu.memory_space<hbm>>
      tpu.wait_dma2 semaphore(%run_scoped3A : memref<!tpu.dma_semaphore, #tpu.memory_space<semaphore_mem>>) src(%dma_wait3A_62 : memref<80xi32, #tpu.memory_space<hbm>>) dst(%arg12 : memref<80xi32, #tpu.memory_space<vmem>>)
      tpu.yield
    }) : () -> ()
    %dma_start3A = arith.constant 0 : i32
    %dma_start3A_5 = tpu.memref_slice %arg2[%add3A_4, %dma_start3A] : memref<320000x128xf32, #tpu.memory_space<hbm>> -> memref<80x128xf32, #tpu.memory_space<hbm>>
    %dma_start3A_6 = arith.constant 0 : i32
    %dma_start3A_7 = tpu.memref_slice %arg2[%add3A_4, %dma_start3A_6] : memref<320000x128xf32, #tpu.memory_space<hbm>> -> memref<80x128xf32, #tpu.memory_space<hbm>>
    tpu.enqueue_dma source(%dma_start3A_7 : memref<80x128xf32, #tpu.memory_space<hbm>>) target(%arg6 : memref<80x128xf32, #tpu.memory_space<vmem>>) target_semaphore(%arg14 : memref<!tpu.dma_semaphore, #tpu.memory_space<semaphore_mem>>)
    %dma_start3A_8 = arith.constant 0 : i32
    %dma_start3A_9 = arith.constant 0 : i32
    %dma_start3A_10 = tpu.memref_slice %arg4[%dma_start3A_8, %dma_start3A_9] : memref<10240x128xf32, #tpu.memory_space<hbm>> -> memref<10240x128xf32, #tpu.memory_space<hbm>>
    tpu.enqueue_indirect_dma source(%dma_start3A_10 : memref<10240x128xf32, #tpu.memory_space<hbm>>) target(%arg8 : memref<80x128xf32, #tpu.memory_space<vmem>>) offsets(%arg12 : memref<80xi32, #tpu.memory_space<vmem>>) semaphore(%arg16 : memref<!tpu.dma_semaphore, #tpu.memory_space<semaphore_mem>>)
    %add3A_11 = arith.constant 80 : i32
    %add3A_12 = arith.addi %mul3A_2, %add3A_11 : i32
    "tpu.region"() ({
      %run_scoped3A = tpu.sem_alloc : memref<!tpu.dma_semaphore, #tpu.memory_space<semaphore_mem>>
      %dma_start3A_59 = tpu.memref_slice %arg3[%add3A_12] : memref<320000xi32, #tpu.memory_space<hbm>> -> memref<80xi32, #tpu.memory_space<hbm>>
      %dma_start3A_60 = tpu.memref_slice %arg3[%add3A_12] : memref<320000xi32, #tpu.memory_space<hbm>> -> memref<80xi32, #tpu.memory_space<hbm>>
      tpu.enqueue_dma source(%dma_start3A_60 : memref<80xi32, #tpu.memory_space<hbm>>) target(%arg13 : memref<80xi32, #tpu.memory_space<vmem>>) target_semaphore(%run_scoped3A : memref<!tpu.dma_semaphore, #tpu.memory_space<semaphore_mem>>)
      %dma_wait3A_61 = tpu.memref_slice %arg3[%add3A_12] : memref<320000xi32, #tpu.memory_space<hbm>> -> memref<80xi32, #tpu.memory_space<hbm>>
      %dma_wait3A_62 = tpu.memref_slice %arg3[%add3A_12] : memref<320000xi32, #tpu.memory_space<hbm>> -> memref<80xi32, #tpu.memory_space<hbm>>
      tpu.wait_dma2 semaphore(%run_scoped3A : memref<!tpu.dma_semaphore, #tpu.memory_space<semaphore_mem>>) src(%dma_wait3A_62 : memref<80xi32, #tpu.memory_space<hbm>>) dst(%arg13 : memref<80xi32, #tpu.memory_space<vmem>>)
      tpu.yield
    }) : () -> ()
    %dma_start3A_13 = arith.constant 0 : i32
    %dma_start3A_14 = tpu.memref_slice %arg2[%add3A_12, %dma_start3A_13] : memref<320000x128xf32, #tpu.memory_space<hbm>> -> memref<80x128xf32, #tpu.memory_space<hbm>>
    %dma_start3A_15 = arith.constant 0 : i32
    %dma_start3A_16 = tpu.memref_slice %arg2[%add3A_12, %dma_start3A_15] : memref<320000x128xf32, #tpu.memory_space<hbm>> -> memref<80x128xf32, #tpu.memory_space<hbm>>
    tpu.enqueue_dma source(%dma_start3A_16 : memref<80x128xf32, #tpu.memory_space<hbm>>) target(%arg7 : memref<80x128xf32, #tpu.memory_space<vmem>>) target_semaphore(%arg15 : memref<!tpu.dma_semaphore, #tpu.memory_space<semaphore_mem>>)
    %dma_start3A_17 = arith.constant 0 : i32
    %dma_start3A_18 = arith.constant 0 : i32
    %dma_start3A_19 = tpu.memref_slice %arg4[%dma_start3A_17, %dma_start3A_18] : memref<10240x128xf32, #tpu.memory_space<hbm>> -> memref<10240x128xf32, #tpu.memory_space<hbm>>
    tpu.enqueue_indirect_dma source(%dma_start3A_19 : memref<10240x128xf32, #tpu.memory_space<hbm>>) target(%arg9 : memref<80x128xf32, #tpu.memory_space<vmem>>) offsets(%arg13 : memref<80xi32, #tpu.memory_space<vmem>>) semaphore(%arg17 : memref<!tpu.dma_semaphore, #tpu.memory_space<semaphore_mem>>)
    %scan3A = arith.constant 0 : i32
    %scan3A_20 = arith.constant 0 : i32
    %scan3A_21 = arith.constant 62 : i32
    %scan3A_22 = arith.addi %scan3A_20, %scan3A_21 : i32
    %scan3A_23 = arith.constant 1 : i32
    scf.for %scan3A_59 = %scan3A_20 to %scan3A_22 step %scan3A_23  : i32 {
      %mul3A_60 = arith.constant 2 : i32
      %mul3A_61 = arith.muli %scan3A_59, %mul3A_60 : i32
      %add3A_62 = arith.constant 0 : i32
      %add3A_63 = arith.addi %mul3A_61, %add3A_62 : i32
      %mul3A_64 = arith.constant 80 : i32
      %mul3A_65 = arith.muli %add3A_63, %mul3A_64 : i32
      %add3A_66 = arith.addi %mul3A_2, %mul3A_65 : i32
      %dma_wait3A_67 = arith.constant 0 : i32
      %dma_wait3A_68 = tpu.memref_slice %arg2[%add3A_66, %dma_wait3A_67] : memref<320000x128xf32, #tpu.memory_space<hbm>> -> memref<80x128xf32, #tpu.memory_space<hbm>>
      %dma_wait3A_69 = arith.constant 0 : i32
      %dma_wait3A_70 = tpu.memref_slice %arg2[%add3A_66, %dma_wait3A_69] : memref<320000x128xf32, #tpu.memory_space<hbm>> -> memref<80x128xf32, #tpu.memory_space<hbm>>
      tpu.wait_dma2 semaphore(%arg14 : memref<!tpu.dma_semaphore, #tpu.memory_space<semaphore_mem>>) src(%dma_wait3A_70 : memref<80x128xf32, #tpu.memory_space<hbm>>) dst(%arg6 : memref<80x128xf32, #tpu.memory_space<vmem>>)
      %dma_wait3A_71 = arith.constant 0 : i32
      %dma_wait3A_72 = arith.constant 0 : i32
      %dma_wait3A_73 = tpu.memref_slice %arg4[%dma_wait3A_71, %dma_wait3A_72] : memref<10240x128xf32, #tpu.memory_space<hbm>> -> memref<10240x128xf32, #tpu.memory_space<hbm>>
      tpu.wait_indirect_dma semaphore(%arg16 : memref<!tpu.dma_semaphore, #tpu.memory_space<semaphore_mem>>) src(%dma_wait3A_73 : memref<10240x128xf32, #tpu.memory_space<hbm>>) dst(%arg8 : memref<80x128xf32, #tpu.memory_space<vmem>>)
      %ge3A = arith.constant 2 : i32
      %ge3A_74 = arith.cmpi sge, %add3A_63, %ge3A : i32
      %convert_element_type3A = arith.extui %ge3A_74 : i1 to i32
      %cond3A = arith.constant 0 : i32
      %cond3A_75 = arith.cmpi ne, %convert_element_type3A, %cond3A : i32
      scf.if %cond3A_75 {
        %sub3A = arith.constant 2 : i32
        %sub3A_128 = arith.subi %add3A_63, %sub3A : i32
        %mul3A_129 = arith.constant 80 : i32
        %mul3A_130 = arith.muli %sub3A_128, %mul3A_129 : i32
        %add3A_131 = arith.addi %mul3A_2, %mul3A_130 : i32
        %dma_wait3A_132 = arith.constant 0 : i32
        %dma_wait3A_133 = tpu.memref_slice %arg5[%add3A_131, %dma_wait3A_132] : memref<320000x128xf32, #tpu.memory_space<hbm>> -> memref<80x128xf32, #tpu.memory_space<hbm>>
        %dma_wait3A_134 = arith.constant 0 : i32
        %dma_wait3A_135 = tpu.memref_slice %arg5[%add3A_131, %dma_wait3A_134] : memref<320000x128xf32, #tpu.memory_space<hbm>> -> memref<80x128xf32, #tpu.memory_space<hbm>>
        tpu.wait_dma2 semaphore(%arg18 : memref<!tpu.dma_semaphore, #tpu.memory_space<semaphore_mem>>) src(%arg10 : memref<80x128xf32, #tpu.memory_space<vmem>>) dst(%dma_wait3A_135 : memref<80x128xf32, #tpu.memory_space<hbm>>)
      } else {
      }
      %scan3A_76 = arith.constant 0 : i32
      %scan3A_77 = arith.constant 0 : i32
      %scan3A_78 = arith.constant 80 : i32
      %scan3A_79 = arith.addi %scan3A_77, %scan3A_78 : i32
      %scan3A_80 = arith.constant 1 : i32
      scf.for %scan3A_128 = %scan3A_77 to %scan3A_79 step %scan3A_80  : i32 {
        %get3A = arith.index_cast %scan3A_128 : i32 to index
        %get3A_129 = arith.constant 0 : index
        %get3A_130 = tpu.vector_load %arg6[%get3A, %get3A_129] {strides = array<i32>} : memref<80x128xf32, #tpu.memory_space<vmem>>, vector<1x16xf32>,
        %get3A_131 = vector.shape_cast %get3A_130 : vector<1x16xf32> to vector<16xf32>
        %get3A_132 = arith.index_cast %scan3A_128 : i32 to index
        %get3A_133 = arith.constant 0 : index
        %get3A_134 = tpu.vector_load %arg8[%get3A_132, %get3A_133] {strides = array<i32>} : memref<80x128xf32, #tpu.memory_space<vmem>>, vector<1x16xf32>,
        %get3A_135 = vector.shape_cast %get3A_134 : vector<1x16xf32> to vector<16xf32>
        %sub3A = arith.subf %get3A_131, %get3A_135 : vector<16xf32>
        %swap3A = arith.index_cast %scan3A_128 : i32 to index
        %swap3A_136 = arith.constant 0 : index
        %swap3A_137 = tpu.vector_load %arg10[%swap3A, %swap3A_136] {strides = array<i32>} : memref<80x128xf32, #tpu.memory_space<vmem>>, vector<1x16xf32>,
        %swap3A_138 = vector.shape_cast %swap3A_137 : vector<1x16xf32> to vector<16xf32>
        %swap3A_139 = vector.shape_cast %sub3A : vector<16xf32> to vector<1x16xf32>
        tpu.vector_store %arg10[%swap3A, %swap3A_136], %swap3A_139 {strides = array<i32>} : memref<80x128xf32, #tpu.memory_space<vmem>>, vector<1x16xf32>,
        %get3A_140 = arith.index_cast %scan3A_128 : i32 to index
        %get3A_141 = arith.constant 16 : index
        %get3A_142 = tpu.vector_load %arg6[%get3A_140, %get3A_141] {strides = array<i32>} : memref<80x128xf32, #tpu.memory_space<vmem>>, vector<1x16xf32>,
        %get3A_143 = vector.shape_cast %get3A_142 : vector<1x16xf32> to vector<16xf32>
        %get3A_144 = arith.index_cast %scan3A_128 : i32 to index
        %get3A_145 = arith.constant 16 : index
        %get3A_146 = tpu.vector_load %arg8[%get3A_144, %get3A_145] {strides = array<i32>} : memref<80x128xf32, #tpu.memory_space<vmem>>, vector<1x16xf32>,
        %get3A_147 = vector.shape_cast %get3A_146 : vector<1x16xf32> to vector<16xf32>
        %sub3A_148 = arith.subf %get3A_143, %get3A_147 : vector<16xf32>
        %swap3A_149 = arith.index_cast %scan3A_128 : i32 to index
        %swap3A_150 = arith.constant 16 : index
        %swap3A_151 = tpu.vector_load %arg10[%swap3A_149, %swap3A_150] {strides = array<i32>} : memref<80x128xf32, #tpu.memory_space<vmem>>, vector<1x16xf32>,
        %swap3A_152 = vector.shape_cast %swap3A_151 : vector<1x16xf32> to vector<16xf32>
        %swap3A_153 = vector.shape_cast %sub3A_148 : vector<16xf32> to vector<1x16xf32>
        tpu.vector_store %arg10[%swap3A_149, %swap3A_150], %swap3A_153 {strides = array<i32>} : memref<80x128xf32, #tpu.memory_space<vmem>>, vector<1x16xf32>,
        %get3A_154 = arith.index_cast %scan3A_128 : i32 to index
        %get3A_155 = arith.constant 32 : index
        %get3A_156 = tpu.vector_load %arg6[%get3A_154, %get3A_155] {strides = array<i32>} : memref<80x128xf32, #tpu.memory_space<vmem>>, vector<1x16xf32>,
        %get3A_157 = vector.shape_cast %get3A_156 : vector<1x16xf32> to vector<16xf32>
        %get3A_158 = arith.index_cast %scan3A_128 : i32 to index
        %get3A_159 = arith.constant 32 : index
        %get3A_160 = tpu.vector_load %arg8[%get3A_158, %get3A_159] {strides = array<i32>} : memref<80x128xf32, #tpu.memory_space<vmem>>, vector<1x16xf32>,
        %get3A_161 = vector.shape_cast %get3A_160 : vector<1x16xf32> to vector<16xf32>
        %sub3A_162 = arith.subf %get3A_157, %get3A_161 : vector<16xf32>
        %swap3A_163 = arith.index_cast %scan3A_128 : i32 to index
        %swap3A_164 = arith.constant 32 : index
        %swap3A_165 = tpu.vector_load %arg10[%swap3A_163, %swap3A_164] {strides = array<i32>} : memref<80x128xf32, #tpu.memory_space<vmem>>, vector<1x16xf32>,
        %swap3A_166 = vector.shape_cast %swap3A_165 : vector<1x16xf32> to vector<16xf32>
        %swap3A_167 = vector.shape_cast %sub3A_162 : vector<16xf32> to vector<1x16xf32>
        tpu.vector_store %arg10[%swap3A_163, %swap3A_164], %swap3A_167 {strides = array<i32>} : memref<80x128xf32, #tpu.memory_space<vmem>>, vector<1x16xf32>,
        %get3A_168 = arith.index_cast %scan3A_128 : i32 to index
        %get3A_169 = arith.constant 48 : index
        %get3A_170 = tpu.vector_load %arg6[%get3A_168, %get3A_169] {strides = array<i32>} : memref<80x128xf32, #tpu.memory_space<vmem>>, vector<1x16xf32>,
        %get3A_171 = vector.shape_cast %get3A_170 : vector<1x16xf32> to vector<16xf32>
        %get3A_172 = arith.index_cast %scan3A_128 : i32 to index
        %get3A_173 = arith.constant 48 : index
        %get3A_174 = tpu.vector_load %arg8[%get3A_172, %get3A_173] {strides = array<i32>} : memref<80x128xf32, #tpu.memory_space<vmem>>, vector<1x16xf32>,
        %get3A_175 = vector.shape_cast %get3A_174 : vector<1x16xf32> to vector<16xf32>
        %sub3A_176 = arith.subf %get3A_171, %get3A_175 : vector<16xf32>
        %swap3A_177 = arith.index_cast %scan3A_128 : i32 to index
        %swap3A_178 = arith.constant 48 : index
        %swap3A_179 = tpu.vector_load %arg10[%swap3A_177, %swap3A_178] {strides = array<i32>} : memref<80x128xf32, #tpu.memory_space<vmem>>, vector<1x16xf32>,
        %swap3A_180 = vector.shape_cast %swap3A_179 : vector<1x16xf32> to vector<16xf32>
        %swap3A_181 = vector.shape_cast %sub3A_176 : vector<16xf32> to vector<1x16xf32>
        tpu.vector_store %arg10[%swap3A_177, %swap3A_178], %swap3A_181 {strides = array<i32>} : memref<80x128xf32, #tpu.memory_space<vmem>>, vector<1x16xf32>,
        %get3A_182 = arith.index_cast %scan3A_128 : i32 to index
        %get3A_183 = arith.constant 64 : index
        %get3A_184 = tpu.vector_load %arg6[%get3A_182, %get3A_183] {strides = array<i32>} : memref<80x128xf32, #tpu.memory_space<vmem>>, vector<1x16xf32>,
        %get3A_185 = vector.shape_cast %get3A_184 : vector<1x16xf32> to vector<16xf32>
        %get3A_186 = arith.index_cast %scan3A_128 : i32 to index
        %get3A_187 = arith.constant 64 : index
        %get3A_188 = tpu.vector_load %arg8[%get3A_186, %get3A_187] {strides = array<i32>} : memref<80x128xf32, #tpu.memory_space<vmem>>, vector<1x16xf32>,
        %get3A_189 = vector.shape_cast %get3A_188 : vector<1x16xf32> to vector<16xf32>
        %sub3A_190 = arith.subf %get3A_185, %get3A_189 : vector<16xf32>
        %swap3A_191 = arith.index_cast %scan3A_128 : i32 to index
        %swap3A_192 = arith.constant 64 : index
        %swap3A_193 = tpu.vector_load %arg10[%swap3A_191, %swap3A_192] {strides = array<i32>} : memref<80x128xf32, #tpu.memory_space<vmem>>, vector<1x16xf32>,
        %swap3A_194 = vector.shape_cast %swap3A_193 : vector<1x16xf32> to vector<16xf32>
        %swap3A_195 = vector.shape_cast %sub3A_190 : vector<16xf32> to vector<1x16xf32>
        tpu.vector_store %arg10[%swap3A_191, %swap3A_192], %swap3A_195 {strides = array<i32>} : memref<80x128xf32, #tpu.memory_space<vmem>>, vector<1x16xf32>,
        %get3A_196 = arith.index_cast %scan3A_128 : i32 to index
        %get3A_197 = arith.constant 80 : index
        %get3A_198 = tpu.vector_load %arg6[%get3A_196, %get3A_197] {strides = array<i32>} : memref<80x128xf32, #tpu.memory_space<vmem>>, vector<1x16xf32>,
        %get3A_199 = vector.shape_cast %get3A_198 : vector<1x16xf32> to vector<16xf32>
        %get3A_200 = arith.index_cast %scan3A_128 : i32 to index
        %get3A_201 = arith.constant 80 : index
        %get3A_202 = tpu.vector_load %arg8[%get3A_200, %get3A_201] {strides = array<i32>} : memref<80x128xf32, #tpu.memory_space<vmem>>, vector<1x16xf32>,
        %get3A_203 = vector.shape_cast %get3A_202 : vector<1x16xf32> to vector<16xf32>
        %sub3A_204 = arith.subf %get3A_199, %get3A_203 : vector<16xf32>
        %swap3A_205 = arith.index_cast %scan3A_128 : i32 to index
        %swap3A_206 = arith.constant 80 : index
        %swap3A_207 = tpu.vector_load %arg10[%swap3A_205, %swap3A_206] {strides = array<i32>} : memref<80x128xf32, #tpu.memory_space<vmem>>, vector<1x16xf32>,
        %swap3A_208 = vector.shape_cast %swap3A_207 : vector<1x16xf32> to vector<16xf32>
        %swap3A_209 = vector.shape_cast %sub3A_204 : vector<16xf32> to vector<1x16xf32>
        tpu.vector_store %arg10[%swap3A_205, %swap3A_206], %swap3A_209 {strides = array<i32>} : memref<80x128xf32, #tpu.memory_space<vmem>>, vector<1x16xf32>,
        %get3A_210 = arith.index_cast %scan3A_128 : i32 to index
        %get3A_211 = arith.constant 96 : index
        %get3A_212 = tpu.vector_load %arg6[%get3A_210, %get3A_211] {strides = array<i32>} : memref<80x128xf32, #tpu.memory_space<vmem>>, vector<1x16xf32>,
        %get3A_213 = vector.shape_cast %get3A_212 : vector<1x16xf32> to vector<16xf32>
        %get3A_214 = arith.index_cast %scan3A_128 : i32 to index
        %get3A_215 = arith.constant 96 : index
        %get3A_216 = tpu.vector_load %arg8[%get3A_214, %get3A_215] {strides = array<i32>} : memref<80x128xf32, #tpu.memory_space<vmem>>, vector<1x16xf32>,
        %get3A_217 = vector.shape_cast %get3A_216 : vector<1x16xf32> to vector<16xf32>
        %sub3A_218 = arith.subf %get3A_213, %get3A_217 : vector<16xf32>
        %swap3A_219 = arith.index_cast %scan3A_128 : i32 to index
        %swap3A_220 = arith.constant 96 : index
        %swap3A_221 = tpu.vector_load %arg10[%swap3A_219, %swap3A_220] {strides = array<i32>} : memref<80x128xf32, #tpu.memory_space<vmem>>, vector<1x16xf32>,
        %swap3A_222 = vector.shape_cast %swap3A_221 : vector<1x16xf32> to vector<16xf32>
        %swap3A_223 = vector.shape_cast %sub3A_218 : vector<16xf32> to vector<1x16xf32>
        tpu.vector_store %arg10[%swap3A_219, %swap3A_220], %swap3A_223 {strides = array<i32>} : memref<80x128xf32, #tpu.memory_space<vmem>>, vector<1x16xf32>,
        %get3A_224 = arith.index_cast %scan3A_128 : i32 to index
        %get3A_225 = arith.constant 112 : index
        %get3A_226 = tpu.vector_load %arg6[%get3A_224, %get3A_225] {strides = array<i32>} : memref<80x128xf32, #tpu.memory_space<vmem>>, vector<1x16xf32>,
        %get3A_227 = vector.shape_cast %get3A_226 : vector<1x16xf32> to vector<16xf32>
        %get3A_228 = arith.index_cast %scan3A_128 : i32 to index
        %get3A_229 = arith.constant 112 : index
        %get3A_230 = tpu.vector_load %arg8[%get3A_228, %get3A_229] {strides = array<i32>} : memref<80x128xf32, #tpu.memory_space<vmem>>, vector<1x16xf32>,
        %get3A_231 = vector.shape_cast %get3A_230 : vector<1x16xf32> to vector<16xf32>
        %sub3A_232 = arith.subf %get3A_227, %get3A_231 : vector<16xf32>
        %swap3A_233 = arith.index_cast %scan3A_128 : i32 to index
        %swap3A_234 = arith.constant 112 : index
        %swap3A_235 = tpu.vector_load %arg10[%swap3A_233, %swap3A_234] {strides = array<i32>} : memref<80x128xf32, #tpu.memory_space<vmem>>, vector<1x16xf32>,
        %swap3A_236 = vector.shape_cast %swap3A_235 : vector<1x16xf32> to vector<16xf32>
        %swap3A_237 = vector.shape_cast %sub3A_232 : vector<16xf32> to vector<1x16xf32>
        tpu.vector_store %arg10[%swap3A_233, %swap3A_234], %swap3A_237 {strides = array<i32>} : memref<80x128xf32, #tpu.memory_space<vmem>>, vector<1x16xf32>,
      }
      %scan3A_81 = arith.constant 80 : i32
      %dma_start3A_82 = arith.constant 0 : i32
      %dma_start3A_83 = tpu.memref_slice %arg5[%add3A_66, %dma_start3A_82] : memref<320000x128xf32, #tpu.memory_space<hbm>> -> memref<80x128xf32, #tpu.memory_space<hbm>>
      %dma_start3A_84 = arith.constant 0 : i32
      %dma_start3A_85 = tpu.memref_slice %arg5[%add3A_66, %dma_start3A_84] : memref<320000x128xf32, #tpu.memory_space<hbm>> -> memref<80x128xf32, #tpu.memory_space<hbm>>
      tpu.enqueue_dma source(%arg10 : memref<80x128xf32, #tpu.memory_space<vmem>>) target(%dma_start3A_85 : memref<80x128xf32, #tpu.memory_space<hbm>>) target_semaphore(%arg18 : memref<!tpu.dma_semaphore, #tpu.memory_space<semaphore_mem>>)
      %add3A_86 = arith.constant 2 : i32
      %add3A_87 = arith.addi %add3A_63, %add3A_86 : i32
      %lt3A = arith.constant 125 : i32
      %lt3A_88 = arith.cmpi slt, %add3A_87, %lt3A : i32
      %convert_element_type3A_89 = arith.extui %lt3A_88 : i1 to i32
      %cond3A_90 = arith.constant 0 : i32
      %cond3A_91 = arith.cmpi ne, %convert_element_type3A_89, %cond3A_90 : i32
      scf.if %cond3A_91 {
        %add3A_128 = arith.constant 2 : i32
        %add3A_129 = arith.addi %add3A_63, %add3A_128 : i32
        %mul3A_130 = arith.constant 80 : i32
        %mul3A_131 = arith.muli %add3A_129, %mul3A_130 : i32
        %add3A_132 = arith.addi %mul3A_2, %mul3A_131 : i32
        "tpu.region"() ({
          %run_scoped3A = tpu.sem_alloc : memref<!tpu.dma_semaphore, #tpu.memory_space<semaphore_mem>>
          %dma_start3A_140 = tpu.memref_slice %arg3[%add3A_132] : memref<320000xi32, #tpu.memory_space<hbm>> -> memref<80xi32, #tpu.memory_space<hbm>>
          %dma_start3A_141 = tpu.memref_slice %arg3[%add3A_132] : memref<320000xi32, #tpu.memory_space<hbm>> -> memref<80xi32, #tpu.memory_space<hbm>>
          tpu.enqueue_dma source(%dma_start3A_141 : memref<80xi32, #tpu.memory_space<hbm>>) target(%arg12 : memref<80xi32, #tpu.memory_space<vmem>>) target_semaphore(%run_scoped3A : memref<!tpu.dma_semaphore, #tpu.memory_space<semaphore_mem>>)
          %dma_wait3A_142 = tpu.memref_slice %arg3[%add3A_132] : memref<320000xi32, #tpu.memory_space<hbm>> -> memref<80xi32, #tpu.memory_space<hbm>>
          %dma_wait3A_143 = tpu.memref_slice %arg3[%add3A_132] : memref<320000xi32, #tpu.memory_space<hbm>> -> memref<80xi32, #tpu.memory_space<hbm>>
          tpu.wait_dma2 semaphore(%run_scoped3A : memref<!tpu.dma_semaphore, #tpu.memory_space<semaphore_mem>>) src(%dma_wait3A_143 : memref<80xi32, #tpu.memory_space<hbm>>) dst(%arg12 : memref<80xi32, #tpu.memory_space<vmem>>)
          tpu.yield
        }) : () -> ()
        %dma_start3A_133 = arith.constant 0 : i32
        %dma_start3A_134 = tpu.memref_slice %arg2[%add3A_132, %dma_start3A_133] : memref<320000x128xf32, #tpu.memory_space<hbm>> -> memref<80x128xf32, #tpu.memory_space<hbm>>
        %dma_start3A_135 = arith.constant 0 : i32
        %dma_start3A_136 = tpu.memref_slice %arg2[%add3A_132, %dma_start3A_135] : memref<320000x128xf32, #tpu.memory_space<hbm>> -> memref<80x128xf32, #tpu.memory_space<hbm>>
        tpu.enqueue_dma source(%dma_start3A_136 : memref<80x128xf32, #tpu.memory_space<hbm>>) target(%arg6 : memref<80x128xf32, #tpu.memory_space<vmem>>) target_semaphore(%arg14 : memref<!tpu.dma_semaphore, #tpu.memory_space<semaphore_mem>>)
        %dma_start3A_137 = arith.constant 0 : i32
        %dma_start3A_138 = arith.constant 0 : i32
        %dma_start3A_139 = tpu.memref_slice %arg4[%dma_start3A_137, %dma_start3A_138] : memref<10240x128xf32, #tpu.memory_space<hbm>> -> memref<10240x128xf32, #tpu.memory_space<hbm>>
        tpu.enqueue_indirect_dma source(%dma_start3A_139 : memref<10240x128xf32, #tpu.memory_space<hbm>>) target(%arg8 : memref<80x128xf32, #tpu.memory_space<vmem>>) offsets(%arg12 : memref<80xi32, #tpu.memory_space<vmem>>) semaphore(%arg16 : memref<!tpu.dma_semaphore, #tpu.memory_space<semaphore_mem>>)
      } else {
      }
      %mul3A_92 = arith.constant 2 : i32
      %mul3A_93 = arith.muli %scan3A_59, %mul3A_92 : i32
      %add3A_94 = arith.constant 1 : i32
      %add3A_95 = arith.addi %mul3A_93, %add3A_94 : i32
      %mul3A_96 = arith.constant 80 : i32
      %mul3A_97 = arith.muli %add3A_95, %mul3A_96 : i32
      %add3A_98 = arith.addi %mul3A_2, %mul3A_97 : i32
      %dma_wait3A_99 = arith.constant 0 : i32
      %dma_wait3A_100 = tpu.memref_slice %arg2[%add3A_98, %dma_wait3A_99] : memref<320000x128xf32, #tpu.memory_space<hbm>> -> memref<80x128xf32, #tpu.memory_space<hbm>>
      %dma_wait3A_101 = arith.constant 0 : i32
      %dma_wait3A_102 = tpu.memref_slice %arg2[%add3A_98, %dma_wait3A_101] : memref<320000x128xf32, #tpu.memory_space<hbm>> -> memref<80x128xf32, #tpu.memory_space<hbm>>
      tpu.wait_dma2 semaphore(%arg15 : memref<!tpu.dma_semaphore, #tpu.memory_space<semaphore_mem>>) src(%dma_wait3A_102 : memref<80x128xf32, #tpu.memory_space<hbm>>) dst(%arg7 : memref<80x128xf32, #tpu.memory_space<vmem>>)
      %dma_wait3A_103 = arith.constant 0 : i32
      %dma_wait3A_104 = arith.constant 0 : i32
      %dma_wait3A_105 = tpu.memref_slice %arg4[%dma_wait3A_103, %dma_wait3A_104] : memref<10240x128xf32, #tpu.memory_space<hbm>> -> memref<10240x128xf32, #tpu.memory_space<hbm>>
      tpu.wait_indirect_dma semaphore(%arg17 : memref<!tpu.dma_semaphore, #tpu.memory_space<semaphore_mem>>) src(%dma_wait3A_105 : memref<10240x128xf32, #tpu.memory_space<hbm>>) dst(%arg9 : memref<80x128xf32, #tpu.memory_space<vmem>>)
      %ge3A_106 = arith.constant 2 : i32
      %ge3A_107 = arith.cmpi sge, %add3A_95, %ge3A_106 : i32
      %convert_element_type3A_108 = arith.extui %ge3A_107 : i1 to i32
      %cond3A_109 = arith.constant 0 : i32
      %cond3A_110 = arith.cmpi ne, %convert_element_type3A_108, %cond3A_109 : i32
      scf.if %cond3A_110 {
        %sub3A = arith.constant 2 : i32
        %sub3A_128 = arith.subi %add3A_95, %sub3A : i32
        %mul3A_129 = arith.constant 80 : i32
        %mul3A_130 = arith.muli %sub3A_128, %mul3A_129 : i32
        %add3A_131 = arith.addi %mul3A_2, %mul3A_130 : i32
        %dma_wait3A_132 = arith.constant 0 : i32
        %dma_wait3A_133 = tpu.memref_slice %arg5[%add3A_131, %dma_wait3A_132] : memref<320000x128xf32, #tpu.memory_space<hbm>> -> memref<80x128xf32, #tpu.memory_space<hbm>>
        %dma_wait3A_134 = arith.constant 0 : i32
        %dma_wait3A_135 = tpu.memref_slice %arg5[%add3A_131, %dma_wait3A_134] : memref<320000x128xf32, #tpu.memory_space<hbm>> -> memref<80x128xf32, #tpu.memory_space<hbm>>
        tpu.wait_dma2 semaphore(%arg19 : memref<!tpu.dma_semaphore, #tpu.memory_space<semaphore_mem>>) src(%arg11 : memref<80x128xf32, #tpu.memory_space<vmem>>) dst(%dma_wait3A_135 : memref<80x128xf32, #tpu.memory_space<hbm>>)
      } else {
      }
      %scan3A_111 = arith.constant 0 : i32
      %scan3A_112 = arith.constant 0 : i32
      %scan3A_113 = arith.constant 80 : i32
      %scan3A_114 = arith.addi %scan3A_112, %scan3A_113 : i32
      %scan3A_115 = arith.constant 1 : i32
      scf.for %scan3A_128 = %scan3A_112 to %scan3A_114 step %scan3A_115  : i32 {
        %get3A = arith.index_cast %scan3A_128 : i32 to index
        %get3A_129 = arith.constant 0 : index
        %get3A_130 = tpu.vector_load %arg7[%get3A, %get3A_129] {strides = array<i32>} : memref<80x128xf32, #tpu.memory_space<vmem>>, vector<1x16xf32>,
        %get3A_131 = vector.shape_cast %get3A_130 : vector<1x16xf32> to vector<16xf32>
        %get3A_132 = arith.index_cast %scan3A_128 : i32 to index
        %get3A_133 = arith.constant 0 : index
        %get3A_134 = tpu.vector_load %arg9[%get3A_132, %get3A_133] {strides = array<i32>} : memref<80x128xf32, #tpu.memory_space<vmem>>, vector<1x16xf32>,
        %get3A_135 = vector.shape_cast %get3A_134 : vector<1x16xf32> to vector<16xf32>
        %sub3A = arith.subf %get3A_131, %get3A_135 : vector<16xf32>
        %swap3A = arith.index_cast %scan3A_128 : i32 to index
        %swap3A_136 = arith.constant 0 : index
        %swap3A_137 = tpu.vector_load %arg11[%swap3A, %swap3A_136] {strides = array<i32>} : memref<80x128xf32, #tpu.memory_space<vmem>>, vector<1x16xf32>,
        %swap3A_138 = vector.shape_cast %swap3A_137 : vector<1x16xf32> to vector<16xf32>
        %swap3A_139 = vector.shape_cast %sub3A : vector<16xf32> to vector<1x16xf32>
        tpu.vector_store %arg11[%swap3A, %swap3A_136], %swap3A_139 {strides = array<i32>} : memref<80x128xf32, #tpu.memory_space<vmem>>, vector<1x16xf32>,
        %get3A_140 = arith.index_cast %scan3A_128 : i32 to index
        %get3A_141 = arith.constant 16 : index
        %get3A_142 = tpu.vector_load %arg7[%get3A_140, %get3A_141] {strides = array<i32>} : memref<80x128xf32, #tpu.memory_space<vmem>>, vector<1x16xf32>,
        %get3A_143 = vector.shape_cast %get3A_142 : vector<1x16xf32> to vector<16xf32>
        %get3A_144 = arith.index_cast %scan3A_128 : i32 to index
        %get3A_145 = arith.constant 16 : index
        %get3A_146 = tpu.vector_load %arg9[%get3A_144, %get3A_145] {strides = array<i32>} : memref<80x128xf32, #tpu.memory_space<vmem>>, vector<1x16xf32>,
        %get3A_147 = vector.shape_cast %get3A_146 : vector<1x16xf32> to vector<16xf32>
        %sub3A_148 = arith.subf %get3A_143, %get3A_147 : vector<16xf32>
        %swap3A_149 = arith.index_cast %scan3A_128 : i32 to index
        %swap3A_150 = arith.constant 16 : index
        %swap3A_151 = tpu.vector_load %arg11[%swap3A_149, %swap3A_150] {strides = array<i32>} : memref<80x128xf32, #tpu.memory_space<vmem>>, vector<1x16xf32>,
        %swap3A_152 = vector.shape_cast %swap3A_151 : vector<1x16xf32> to vector<16xf32>
        %swap3A_153 = vector.shape_cast %sub3A_148 : vector<16xf32> to vector<1x16xf32>
        tpu.vector_store %arg11[%swap3A_149, %swap3A_150], %swap3A_153 {strides = array<i32>} : memref<80x128xf32, #tpu.memory_space<vmem>>, vector<1x16xf32>,
        %get3A_154 = arith.index_cast %scan3A_128 : i32 to index
        %get3A_155 = arith.constant 32 : index
        %get3A_156 = tpu.vector_load %arg7[%get3A_154, %get3A_155] {strides = array<i32>} : memref<80x128xf32, #tpu.memory_space<vmem>>, vector<1x16xf32>,
        %get3A_157 = vector.shape_cast %get3A_156 : vector<1x16xf32> to vector<16xf32>
        %get3A_158 = arith.index_cast %scan3A_128 : i32 to index
        %get3A_159 = arith.constant 32 : index
        %get3A_160 = tpu.vector_load %arg9[%get3A_158, %get3A_159] {strides = array<i32>} : memref<80x128xf32, #tpu.memory_space<vmem>>, vector<1x16xf32>,
        %get3A_161 = vector.shape_cast %get3A_160 : vector<1x16xf32> to vector<16xf32>
        %sub3A_162 = arith.subf %get3A_157, %get3A_161 : vector<16xf32>
        %swap3A_163 = arith.index_cast %scan3A_128 : i32 to index
        %swap3A_164 = arith.constant 32 : index
        %swap3A_165 = tpu.vector_load %arg11[%swap3A_163, %swap3A_164] {strides = array<i32>} : memref<80x128xf32, #tpu.memory_space<vmem>>, vector<1x16xf32>,
        %swap3A_166 = vector.shape_cast %swap3A_165 : vector<1x16xf32> to vector<16xf32>
        %swap3A_167 = vector.shape_cast %sub3A_162 : vector<16xf32> to vector<1x16xf32>
        tpu.vector_store %arg11[%swap3A_163, %swap3A_164], %swap3A_167 {strides = array<i32>} : memref<80x128xf32, #tpu.memory_space<vmem>>, vector<1x16xf32>,
        %get3A_168 = arith.index_cast %scan3A_128 : i32 to index
        %get3A_169 = arith.constant 48 : index
        %get3A_170 = tpu.vector_load %arg7[%get3A_168, %get3A_169] {strides = array<i32>} : memref<80x128xf32, #tpu.memory_space<vmem>>, vector<1x16xf32>,
        %get3A_171 = vector.shape_cast %get3A_170 : vector<1x16xf32> to vector<16xf32>
        %get3A_172 = arith.index_cast %scan3A_128 : i32 to index
        %get3A_173 = arith.constant 48 : index
        %get3A_174 = tpu.vector_load %arg9[%get3A_172, %get3A_173] {strides = array<i32>} : memref<80x128xf32, #tpu.memory_space<vmem>>, vector<1x16xf32>,
        %get3A_175 = vector.shape_cast %get3A_174 : vector<1x16xf32> to vector<16xf32>
        %sub3A_176 = arith.subf %get3A_171, %get3A_175 : vector<16xf32>
        %swap3A_177 = arith.index_cast %scan3A_128 : i32 to index
        %swap3A_178 = arith.constant 48 : index
        %swap3A_179 = tpu.vector_load %arg11[%swap3A_177, %swap3A_178] {strides = array<i32>} : memref<80x128xf32, #tpu.memory_space<vmem>>, vector<1x16xf32>,
        %swap3A_180 = vector.shape_cast %swap3A_179 : vector<1x16xf32> to vector<16xf32>
        %swap3A_181 = vector.shape_cast %sub3A_176 : vector<16xf32> to vector<1x16xf32>
        tpu.vector_store %arg11[%swap3A_177, %swap3A_178], %swap3A_181 {strides = array<i32>} : memref<80x128xf32, #tpu.memory_space<vmem>>, vector<1x16xf32>,
        %get3A_182 = arith.index_cast %scan3A_128 : i32 to index
        %get3A_183 = arith.constant 64 : index
        %get3A_184 = tpu.vector_load %arg7[%get3A_182, %get3A_183] {strides = array<i32>} : memref<80x128xf32, #tpu.memory_space<vmem>>, vector<1x16xf32>,
        %get3A_185 = vector.shape_cast %get3A_184 : vector<1x16xf32> to vector<16xf32>
        %get3A_186 = arith.index_cast %scan3A_128 : i32 to index
        %get3A_187 = arith.constant 64 : index
        %get3A_188 = tpu.vector_load %arg9[%get3A_186, %get3A_187] {strides = array<i32>} : memref<80x128xf32, #tpu.memory_space<vmem>>, vector<1x16xf32>,
        %get3A_189 = vector.shape_cast %get3A_188 : vector<1x16xf32> to vector<16xf32>
        %sub3A_190 = arith.subf %get3A_185, %get3A_189 : vector<16xf32>
        %swap3A_191 = arith.index_cast %scan3A_128 : i32 to index
        %swap3A_192 = arith.constant 64 : index
        %swap3A_193 = tpu.vector_load %arg11[%swap3A_191, %swap3A_192] {strides = array<i32>} : memref<80x128xf32, #tpu.memory_space<vmem>>, vector<1x16xf32>,
        %swap3A_194 = vector.shape_cast %swap3A_193 : vector<1x16xf32> to vector<16xf32>
        %swap3A_195 = vector.shape_cast %sub3A_190 : vector<16xf32> to vector<1x16xf32>
        tpu.vector_store %arg11[%swap3A_191, %swap3A_192], %swap3A_195 {strides = array<i32>} : memref<80x128xf32, #tpu.memory_space<vmem>>, vector<1x16xf32>,
        %get3A_196 = arith.index_cast %scan3A_128 : i32 to index
        %get3A_197 = arith.constant 80 : index
        %get3A_198 = tpu.vector_load %arg7[%get3A_196, %get3A_197] {strides = array<i32>} : memref<80x128xf32, #tpu.memory_space<vmem>>, vector<1x16xf32>,
        %get3A_199 = vector.shape_cast %get3A_198 : vector<1x16xf32> to vector<16xf32>
        %get3A_200 = arith.index_cast %scan3A_128 : i32 to index
        %get3A_201 = arith.constant 80 : index
        %get3A_202 = tpu.vector_load %arg9[%get3A_200, %get3A_201] {strides = array<i32>} : memref<80x128xf32, #tpu.memory_space<vmem>>, vector<1x16xf32>,
        %get3A_203 = vector.shape_cast %get3A_202 : vector<1x16xf32> to vector<16xf32>
        %sub3A_204 = arith.subf %get3A_199, %get3A_203 : vector<16xf32>
        %swap3A_205 = arith.index_cast %scan3A_128 : i32 to index
        %swap3A_206 = arith.constant 80 : index
        %swap3A_207 = tpu.vector_load %arg11[%swap3A_205, %swap3A_206] {strides = array<i32>} : memref<80x128xf32, #tpu.memory_space<vmem>>, vector<1x16xf32>,
        %swap3A_208 = vector.shape_cast %swap3A_207 : vector<1x16xf32> to vector<16xf32>
        %swap3A_209 = vector.shape_cast %sub3A_204 : vector<16xf32> to vector<1x16xf32>
        tpu.vector_store %arg11[%swap3A_205, %swap3A_206], %swap3A_209 {strides = array<i32>} : memref<80x128xf32, #tpu.memory_space<vmem>>, vector<1x16xf32>,
        %get3A_210 = arith.index_cast %scan3A_128 : i32 to index
        %get3A_211 = arith.constant 96 : index
        %get3A_212 = tpu.vector_load %arg7[%get3A_210, %get3A_211] {strides = array<i32>} : memref<80x128xf32, #tpu.memory_space<vmem>>, vector<1x16xf32>,
        %get3A_213 = vector.shape_cast %get3A_212 : vector<1x16xf32> to vector<16xf32>
        %get3A_214 = arith.index_cast %scan3A_128 : i32 to index
        %get3A_215 = arith.constant 96 : index
        %get3A_216 = tpu.vector_load %arg9[%get3A_214, %get3A_215] {strides = array<i32>} : memref<80x128xf32, #tpu.memory_space<vmem>>, vector<1x16xf32>,
        %get3A_217 = vector.shape_cast %get3A_216 : vector<1x16xf32> to vector<16xf32>
        %sub3A_218 = arith.subf %get3A_213, %get3A_217 : vector<16xf32>
        %swap3A_219 = arith.index_cast %scan3A_128 : i32 to index
        %swap3A_220 = arith.constant 96 : index
        %swap3A_221 = tpu.vector_load %arg11[%swap3A_219, %swap3A_220] {strides = array<i32>} : memref<80x128xf32, #tpu.memory_space<vmem>>, vector<1x16xf32>,
        %swap3A_222 = vector.shape_cast %swap3A_221 : vector<1x16xf32> to vector<16xf32>
        %swap3A_223 = vector.shape_cast %sub3A_218 : vector<16xf32> to vector<1x16xf32>
        tpu.vector_store %arg11[%swap3A_219, %swap3A_220], %swap3A_223 {strides = array<i32>} : memref<80x128xf32, #tpu.memory_space<vmem>>, vector<1x16xf32>,
        %get3A_224 = arith.index_cast %scan3A_128 : i32 to index
        %get3A_225 = arith.constant 112 : index
        %get3A_226 = tpu.vector_load %arg7[%get3A_224, %get3A_225] {strides = array<i32>} : memref<80x128xf32, #tpu.memory_space<vmem>>, vector<1x16xf32>,
        %get3A_227 = vector.shape_cast %get3A_226 : vector<1x16xf32> to vector<16xf32>
        %get3A_228 = arith.index_cast %scan3A_128 : i32 to index
        %get3A_229 = arith.constant 112 : index
        %get3A_230 = tpu.vector_load %arg9[%get3A_228, %get3A_229] {strides = array<i32>} : memref<80x128xf32, #tpu.memory_space<vmem>>, vector<1x16xf32>,
        %get3A_231 = vector.shape_cast %get3A_230 : vector<1x16xf32> to vector<16xf32>
        %sub3A_232 = arith.subf %get3A_227, %get3A_231 : vector<16xf32>
        %swap3A_233 = arith.index_cast %scan3A_128 : i32 to index
        %swap3A_234 = arith.constant 112 : index
        %swap3A_235 = tpu.vector_load %arg11[%swap3A_233, %swap3A_234] {strides = array<i32>} : memref<80x128xf32, #tpu.memory_space<vmem>>, vector<1x16xf32>,
        %swap3A_236 = vector.shape_cast %swap3A_235 : vector<1x16xf32> to vector<16xf32>
        %swap3A_237 = vector.shape_cast %sub3A_232 : vector<16xf32> to vector<1x16xf32>
        tpu.vector_store %arg11[%swap3A_233, %swap3A_234], %swap3A_237 {strides = array<i32>} : memref<80x128xf32, #tpu.memory_space<vmem>>, vector<1x16xf32>,
      }
      %scan3A_116 = arith.constant 80 : i32
      %dma_start3A_117 = arith.constant 0 : i32
      %dma_start3A_118 = tpu.memref_slice %arg5[%add3A_98, %dma_start3A_117] : memref<320000x128xf32, #tpu.memory_space<hbm>> -> memref<80x128xf32, #tpu.memory_space<hbm>>
      %dma_start3A_119 = arith.constant 0 : i32
      %dma_start3A_120 = tpu.memref_slice %arg5[%add3A_98, %dma_start3A_119] : memref<320000x128xf32, #tpu.memory_space<hbm>> -> memref<80x128xf32, #tpu.memory_space<hbm>>
      tpu.enqueue_dma source(%arg11 : memref<80x128xf32, #tpu.memory_space<vmem>>) target(%dma_start3A_120 : memref<80x128xf32, #tpu.memory_space<hbm>>) target_semaphore(%arg19 : memref<!tpu.dma_semaphore, #tpu.memory_space<semaphore_mem>>)
      %add3A_121 = arith.constant 2 : i32
      %add3A_122 = arith.addi %add3A_95, %add3A_121 : i32
      %lt3A_123 = arith.constant 125 : i32
      %lt3A_124 = arith.cmpi slt, %add3A_122, %lt3A_123 : i32
      %convert_element_type3A_125 = arith.extui %lt3A_124 : i1 to i32
      %cond3A_126 = arith.constant 0 : i32
      %cond3A_127 = arith.cmpi ne, %convert_element_type3A_125, %cond3A_126 : i32
      scf.if %cond3A_127 {
        %add3A_128 = arith.constant 2 : i32
        %add3A_129 = arith.addi %add3A_95, %add3A_128 : i32
        %mul3A_130 = arith.constant 80 : i32
        %mul3A_131 = arith.muli %add3A_129, %mul3A_130 : i32
        %add3A_132 = arith.addi %mul3A_2, %mul3A_131 : i32
        "tpu.region"() ({
          %run_scoped3A = tpu.sem_alloc : memref<!tpu.dma_semaphore, #tpu.memory_space<semaphore_mem>>
          %dma_start3A_140 = tpu.memref_slice %arg3[%add3A_132] : memref<320000xi32, #tpu.memory_space<hbm>> -> memref<80xi32, #tpu.memory_space<hbm>>
          %dma_start3A_141 = tpu.memref_slice %arg3[%add3A_132] : memref<320000xi32, #tpu.memory_space<hbm>> -> memref<80xi32, #tpu.memory_space<hbm>>
          tpu.enqueue_dma source(%dma_start3A_141 : memref<80xi32, #tpu.memory_space<hbm>>) target(%arg13 : memref<80xi32, #tpu.memory_space<vmem>>) target_semaphore(%run_scoped3A : memref<!tpu.dma_semaphore, #tpu.memory_space<semaphore_mem>>)
          %dma_wait3A_142 = tpu.memref_slice %arg3[%add3A_132] : memref<320000xi32, #tpu.memory_space<hbm>> -> memref<80xi32, #tpu.memory_space<hbm>>
          %dma_wait3A_143 = tpu.memref_slice %arg3[%add3A_132] : memref<320000xi32, #tpu.memory_space<hbm>> -> memref<80xi32, #tpu.memory_space<hbm>>
          tpu.wait_dma2 semaphore(%run_scoped3A : memref<!tpu.dma_semaphore, #tpu.memory_space<semaphore_mem>>) src(%dma_wait3A_143 : memref<80xi32, #tpu.memory_space<hbm>>) dst(%arg13 : memref<80xi32, #tpu.memory_space<vmem>>)
          tpu.yield
        }) : () -> ()
        %dma_start3A_133 = arith.constant 0 : i32
        %dma_start3A_134 = tpu.memref_slice %arg2[%add3A_132, %dma_start3A_133] : memref<320000x128xf32, #tpu.memory_space<hbm>> -> memref<80x128xf32, #tpu.memory_space<hbm>>
        %dma_start3A_135 = arith.constant 0 : i32
        %dma_start3A_136 = tpu.memref_slice %arg2[%add3A_132, %dma_start3A_135] : memref<320000x128xf32, #tpu.memory_space<hbm>> -> memref<80x128xf32, #tpu.memory_space<hbm>>
        tpu.enqueue_dma source(%dma_start3A_136 : memref<80x128xf32, #tpu.memory_space<hbm>>) target(%arg7 : memref<80x128xf32, #tpu.memory_space<vmem>>) target_semaphore(%arg15 : memref<!tpu.dma_semaphore, #tpu.memory_space<semaphore_mem>>)
        %dma_start3A_137 = arith.constant 0 : i32
        %dma_start3A_138 = arith.constant 0 : i32
        %dma_start3A_139 = tpu.memref_slice %arg4[%dma_start3A_137, %dma_start3A_138] : memref<10240x128xf32, #tpu.memory_space<hbm>> -> memref<10240x128xf32, #tpu.memory_space<hbm>>
        tpu.enqueue_indirect_dma source(%dma_start3A_139 : memref<10240x128xf32, #tpu.memory_space<hbm>>) target(%arg9 : memref<80x128xf32, #tpu.memory_space<vmem>>) offsets(%arg13 : memref<80xi32, #tpu.memory_space<vmem>>) semaphore(%arg17 : memref<!tpu.dma_semaphore, #tpu.memory_space<semaphore_mem>>)
      } else {
      }
    }
    %scan3A_24 = arith.constant 62 : i32
    %add3A_25 = arith.constant 9920 : i32
    %add3A_26 = arith.addi %mul3A_2, %add3A_25 : i32
    %dma_wait3A = arith.constant 0 : i32
    %dma_wait3A_27 = tpu.memref_slice %arg2[%add3A_26, %dma_wait3A] : memref<320000x128xf32, #tpu.memory_space<hbm>> -> memref<80x128xf32, #tpu.memory_space<hbm>>
    %dma_wait3A_28 = arith.constant 0 : i32
    %dma_wait3A_29 = tpu.memref_slice %arg2[%add3A_26, %dma_wait3A_28] : memref<320000x128xf32, #tpu.memory_space<hbm>> -> memref<80x128xf32, #tpu.memory_space<hbm>>
    tpu.wait_dma2 semaphore(%arg14 : memref<!tpu.dma_semaphore, #tpu.memory_space<semaphore_mem>>) src(%dma_wait3A_29 : memref<80x128xf32, #tpu.memory_space<hbm>>) dst(%arg6 : memref<80x128xf32, #tpu.memory_space<vmem>>)
    %dma_wait3A_30 = arith.constant 0 : i32
    %dma_wait3A_31 = arith.constant 0 : i32
    %dma_wait3A_32 = tpu.memref_slice %arg4[%dma_wait3A_30, %dma_wait3A_31] : memref<10240x128xf32, #tpu.memory_space<hbm>> -> memref<10240x128xf32, #tpu.memory_space<hbm>>
    tpu.wait_indirect_dma semaphore(%arg16 : memref<!tpu.dma_semaphore, #tpu.memory_space<semaphore_mem>>) src(%dma_wait3A_32 : memref<10240x128xf32, #tpu.memory_space<hbm>>) dst(%arg8 : memref<80x128xf32, #tpu.memory_space<vmem>>)
    %add3A_33 = arith.constant 9760 : i32
    %add3A_34 = arith.addi %mul3A_2, %add3A_33 : i32
    %dma_wait3A_35 = arith.constant 0 : i32
    %dma_wait3A_36 = tpu.memref_slice %arg5[%add3A_34, %dma_wait3A_35] : memref<320000x128xf32, #tpu.memory_space<hbm>> -> memref<80x128xf32, #tpu.memory_space<hbm>>
    %dma_wait3A_37 = arith.constant 0 : i32
    %dma_wait3A_38 = tpu.memref_slice %arg5[%add3A_34, %dma_wait3A_37] : memref<320000x128xf32, #tpu.memory_space<hbm>> -> memref<80x128xf32, #tpu.memory_space<hbm>>
    tpu.wait_dma2 semaphore(%arg18 : memref<!tpu.dma_semaphore, #tpu.memory_space<semaphore_mem>>) src(%arg10 : memref<80x128xf32, #tpu.memory_space<vmem>>) dst(%dma_wait3A_38 : memref<80x128xf32, #tpu.memory_space<hbm>>)
    %scan3A_39 = arith.constant 0 : i32
    %scan3A_40 = arith.constant 0 : i32
    %scan3A_41 = arith.constant 80 : i32
    %scan3A_42 = arith.addi %scan3A_40, %scan3A_41 : i32
    %scan3A_43 = arith.constant 1 : i32
    scf.for %scan3A_59 = %scan3A_40 to %scan3A_42 step %scan3A_43  : i32 {
      %get3A = arith.index_cast %scan3A_59 : i32 to index
      %get3A_60 = arith.constant 0 : index
      %get3A_61 = tpu.vector_load %arg6[%get3A, %get3A_60] {strides = array<i32>} : memref<80x128xf32, #tpu.memory_space<vmem>>, vector<1x16xf32>,
      %get3A_62 = vector.shape_cast %get3A_61 : vector<1x16xf32> to vector<16xf32>
      %get3A_63 = arith.index_cast %scan3A_59 : i32 to index
      %get3A_64 = arith.constant 0 : index
      %get3A_65 = tpu.vector_load %arg8[%get3A_63, %get3A_64] {strides = array<i32>} : memref<80x128xf32, #tpu.memory_space<vmem>>, vector<1x16xf32>,
      %get3A_66 = vector.shape_cast %get3A_65 : vector<1x16xf32> to vector<16xf32>
      %sub3A = arith.subf %get3A_62, %get3A_66 : vector<16xf32>
      %swap3A = arith.index_cast %scan3A_59 : i32 to index
      %swap3A_67 = arith.constant 0 : index
      %swap3A_68 = tpu.vector_load %arg10[%swap3A, %swap3A_67] {strides = array<i32>} : memref<80x128xf32, #tpu.memory_space<vmem>>, vector<1x16xf32>,
      %swap3A_69 = vector.shape_cast %swap3A_68 : vector<1x16xf32> to vector<16xf32>
      %swap3A_70 = vector.shape_cast %sub3A : vector<16xf32> to vector<1x16xf32>
      tpu.vector_store %arg10[%swap3A, %swap3A_67], %swap3A_70 {strides = array<i32>} : memref<80x128xf32, #tpu.memory_space<vmem>>, vector<1x16xf32>,
      %get3A_71 = arith.index_cast %scan3A_59 : i32 to index
      %get3A_72 = arith.constant 16 : index
      %get3A_73 = tpu.vector_load %arg6[%get3A_71, %get3A_72] {strides = array<i32>} : memref<80x128xf32, #tpu.memory_space<vmem>>, vector<1x16xf32>,
      %get3A_74 = vector.shape_cast %get3A_73 : vector<1x16xf32> to vector<16xf32>
      %get3A_75 = arith.index_cast %scan3A_59 : i32 to index
      %get3A_76 = arith.constant 16 : index
      %get3A_77 = tpu.vector_load %arg8[%get3A_75, %get3A_76] {strides = array<i32>} : memref<80x128xf32, #tpu.memory_space<vmem>>, vector<1x16xf32>,
      %get3A_78 = vector.shape_cast %get3A_77 : vector<1x16xf32> to vector<16xf32>
      %sub3A_79 = arith.subf %get3A_74, %get3A_78 : vector<16xf32>
      %swap3A_80 = arith.index_cast %scan3A_59 : i32 to index
      %swap3A_81 = arith.constant 16 : index
      %swap3A_82 = tpu.vector_load %arg10[%swap3A_80, %swap3A_81] {strides = array<i32>} : memref<80x128xf32, #tpu.memory_space<vmem>>, vector<1x16xf32>,
      %swap3A_83 = vector.shape_cast %swap3A_82 : vector<1x16xf32> to vector<16xf32>
      %swap3A_84 = vector.shape_cast %sub3A_79 : vector<16xf32> to vector<1x16xf32>
      tpu.vector_store %arg10[%swap3A_80, %swap3A_81], %swap3A_84 {strides = array<i32>} : memref<80x128xf32, #tpu.memory_space<vmem>>, vector<1x16xf32>,
      %get3A_85 = arith.index_cast %scan3A_59 : i32 to index
      %get3A_86 = arith.constant 32 : index
      %get3A_87 = tpu.vector_load %arg6[%get3A_85, %get3A_86] {strides = array<i32>} : memref<80x128xf32, #tpu.memory_space<vmem>>, vector<1x16xf32>,
      %get3A_88 = vector.shape_cast %get3A_87 : vector<1x16xf32> to vector<16xf32>
      %get3A_89 = arith.index_cast %scan3A_59 : i32 to index
      %get3A_90 = arith.constant 32 : index
      %get3A_91 = tpu.vector_load %arg8[%get3A_89, %get3A_90] {strides = array<i32>} : memref<80x128xf32, #tpu.memory_space<vmem>>, vector<1x16xf32>,
      %get3A_92 = vector.shape_cast %get3A_91 : vector<1x16xf32> to vector<16xf32>
      %sub3A_93 = arith.subf %get3A_88, %get3A_92 : vector<16xf32>
      %swap3A_94 = arith.index_cast %scan3A_59 : i32 to index
      %swap3A_95 = arith.constant 32 : index
      %swap3A_96 = tpu.vector_load %arg10[%swap3A_94, %swap3A_95] {strides = array<i32>} : memref<80x128xf32, #tpu.memory_space<vmem>>, vector<1x16xf32>,
      %swap3A_97 = vector.shape_cast %swap3A_96 : vector<1x16xf32> to vector<16xf32>
      %swap3A_98 = vector.shape_cast %sub3A_93 : vector<16xf32> to vector<1x16xf32>
      tpu.vector_store %arg10[%swap3A_94, %swap3A_95], %swap3A_98 {strides = array<i32>} : memref<80x128xf32, #tpu.memory_space<vmem>>, vector<1x16xf32>,
      %get3A_99 = arith.index_cast %scan3A_59 : i32 to index
      %get3A_100 = arith.constant 48 : index
      %get3A_101 = tpu.vector_load %arg6[%get3A_99, %get3A_100] {strides = array<i32>} : memref<80x128xf32, #tpu.memory_space<vmem>>, vector<1x16xf32>,
      %get3A_102 = vector.shape_cast %get3A_101 : vector<1x16xf32> to vector<16xf32>
      %get3A_103 = arith.index_cast %scan3A_59 : i32 to index
      %get3A_104 = arith.constant 48 : index
      %get3A_105 = tpu.vector_load %arg8[%get3A_103, %get3A_104] {strides = array<i32>} : memref<80x128xf32, #tpu.memory_space<vmem>>, vector<1x16xf32>,
      %get3A_106 = vector.shape_cast %get3A_105 : vector<1x16xf32> to vector<16xf32>
      %sub3A_107 = arith.subf %get3A_102, %get3A_106 : vector<16xf32>
      %swap3A_108 = arith.index_cast %scan3A_59 : i32 to index
      %swap3A_109 = arith.constant 48 : index
      %swap3A_110 = tpu.vector_load %arg10[%swap3A_108, %swap3A_109] {strides = array<i32>} : memref<80x128xf32, #tpu.memory_space<vmem>>, vector<1x16xf32>,
      %swap3A_111 = vector.shape_cast %swap3A_110 : vector<1x16xf32> to vector<16xf32>
      %swap3A_112 = vector.shape_cast %sub3A_107 : vector<16xf32> to vector<1x16xf32>
      tpu.vector_store %arg10[%swap3A_108, %swap3A_109], %swap3A_112 {strides = array<i32>} : memref<80x128xf32, #tpu.memory_space<vmem>>, vector<1x16xf32>,
      %get3A_113 = arith.index_cast %scan3A_59 : i32 to index
      %get3A_114 = arith.constant 64 : index
      %get3A_115 = tpu.vector_load %arg6[%get3A_113, %get3A_114] {strides = array<i32>} : memref<80x128xf32, #tpu.memory_space<vmem>>, vector<1x16xf32>,
      %get3A_116 = vector.shape_cast %get3A_115 : vector<1x16xf32> to vector<16xf32>
      %get3A_117 = arith.index_cast %scan3A_59 : i32 to index
      %get3A_118 = arith.constant 64 : index
      %get3A_119 = tpu.vector_load %arg8[%get3A_117, %get3A_118] {strides = array<i32>} : memref<80x128xf32, #tpu.memory_space<vmem>>, vector<1x16xf32>,
      %get3A_120 = vector.shape_cast %get3A_119 : vector<1x16xf32> to vector<16xf32>
      %sub3A_121 = arith.subf %get3A_116, %get3A_120 : vector<16xf32>
      %swap3A_122 = arith.index_cast %scan3A_59 : i32 to index
      %swap3A_123 = arith.constant 64 : index
      %swap3A_124 = tpu.vector_load %arg10[%swap3A_122, %swap3A_123] {strides = array<i32>} : memref<80x128xf32, #tpu.memory_space<vmem>>, vector<1x16xf32>,
      %swap3A_125 = vector.shape_cast %swap3A_124 : vector<1x16xf32> to vector<16xf32>
      %swap3A_126 = vector.shape_cast %sub3A_121 : vector<16xf32> to vector<1x16xf32>
      tpu.vector_store %arg10[%swap3A_122, %swap3A_123], %swap3A_126 {strides = array<i32>} : memref<80x128xf32, #tpu.memory_space<vmem>>, vector<1x16xf32>,
      %get3A_127 = arith.index_cast %scan3A_59 : i32 to index
      %get3A_128 = arith.constant 80 : index
      %get3A_129 = tpu.vector_load %arg6[%get3A_127, %get3A_128] {strides = array<i32>} : memref<80x128xf32, #tpu.memory_space<vmem>>, vector<1x16xf32>,
      %get3A_130 = vector.shape_cast %get3A_129 : vector<1x16xf32> to vector<16xf32>
      %get3A_131 = arith.index_cast %scan3A_59 : i32 to index
      %get3A_132 = arith.constant 80 : index
      %get3A_133 = tpu.vector_load %arg8[%get3A_131, %get3A_132] {strides = array<i32>} : memref<80x128xf32, #tpu.memory_space<vmem>>, vector<1x16xf32>,
      %get3A_134 = vector.shape_cast %get3A_133 : vector<1x16xf32> to vector<16xf32>
      %sub3A_135 = arith.subf %get3A_130, %get3A_134 : vector<16xf32>
      %swap3A_136 = arith.index_cast %scan3A_59 : i32 to index
      %swap3A_137 = arith.constant 80 : index
      %swap3A_138 = tpu.vector_load %arg10[%swap3A_136, %swap3A_137] {strides = array<i32>} : memref<80x128xf32, #tpu.memory_space<vmem>>, vector<1x16xf32>,
      %swap3A_139 = vector.shape_cast %swap3A_138 : vector<1x16xf32> to vector<16xf32>
      %swap3A_140 = vector.shape_cast %sub3A_135 : vector<16xf32> to vector<1x16xf32>
      tpu.vector_store %arg10[%swap3A_136, %swap3A_137], %swap3A_140 {strides = array<i32>} : memref<80x128xf32, #tpu.memory_space<vmem>>, vector<1x16xf32>,
      %get3A_141 = arith.index_cast %scan3A_59 : i32 to index
      %get3A_142 = arith.constant 96 : index
      %get3A_143 = tpu.vector_load %arg6[%get3A_141, %get3A_142] {strides = array<i32>} : memref<80x128xf32, #tpu.memory_space<vmem>>, vector<1x16xf32>,
      %get3A_144 = vector.shape_cast %get3A_143 : vector<1x16xf32> to vector<16xf32>
      %get3A_145 = arith.index_cast %scan3A_59 : i32 to index
      %get3A_146 = arith.constant 96 : index
      %get3A_147 = tpu.vector_load %arg8[%get3A_145, %get3A_146] {strides = array<i32>} : memref<80x128xf32, #tpu.memory_space<vmem>>, vector<1x16xf32>,
      %get3A_148 = vector.shape_cast %get3A_147 : vector<1x16xf32> to vector<16xf32>
      %sub3A_149 = arith.subf %get3A_144, %get3A_148 : vector<16xf32>
      %swap3A_150 = arith.index_cast %scan3A_59 : i32 to index
      %swap3A_151 = arith.constant 96 : index
      %swap3A_152 = tpu.vector_load %arg10[%swap3A_150, %swap3A_151] {strides = array<i32>} : memref<80x128xf32, #tpu.memory_space<vmem>>, vector<1x16xf32>,
      %swap3A_153 = vector.shape_cast %swap3A_152 : vector<1x16xf32> to vector<16xf32>
      %swap3A_154 = vector.shape_cast %sub3A_149 : vector<16xf32> to vector<1x16xf32>
      tpu.vector_store %arg10[%swap3A_150, %swap3A_151], %swap3A_154 {strides = array<i32>} : memref<80x128xf32, #tpu.memory_space<vmem>>, vector<1x16xf32>,
      %get3A_155 = arith.index_cast %scan3A_59 : i32 to index
      %get3A_156 = arith.constant 112 : index
      %get3A_157 = tpu.vector_load %arg6[%get3A_155, %get3A_156] {strides = array<i32>} : memref<80x128xf32, #tpu.memory_space<vmem>>, vector<1x16xf32>,
      %get3A_158 = vector.shape_cast %get3A_157 : vector<1x16xf32> to vector<16xf32>
      %get3A_159 = arith.index_cast %scan3A_59 : i32 to index
      %get3A_160 = arith.constant 112 : index
      %get3A_161 = tpu.vector_load %arg8[%get3A_159, %get3A_160] {strides = array<i32>} : memref<80x128xf32, #tpu.memory_space<vmem>>, vector<1x16xf32>,
      %get3A_162 = vector.shape_cast %get3A_161 : vector<1x16xf32> to vector<16xf32>
      %sub3A_163 = arith.subf %get3A_158, %get3A_162 : vector<16xf32>
      %swap3A_164 = arith.index_cast %scan3A_59 : i32 to index
      %swap3A_165 = arith.constant 112 : index
      %swap3A_166 = tpu.vector_load %arg10[%swap3A_164, %swap3A_165] {strides = array<i32>} : memref<80x128xf32, #tpu.memory_space<vmem>>, vector<1x16xf32>,
      %swap3A_167 = vector.shape_cast %swap3A_166 : vector<1x16xf32> to vector<16xf32>
      %swap3A_168 = vector.shape_cast %sub3A_163 : vector<16xf32> to vector<1x16xf32>
      tpu.vector_store %arg10[%swap3A_164, %swap3A_165], %swap3A_168 {strides = array<i32>} : memref<80x128xf32, #tpu.memory_space<vmem>>, vector<1x16xf32>,
    }
    %scan3A_44 = arith.constant 80 : i32
    %dma_start3A_45 = arith.constant 0 : i32
    %dma_start3A_46 = tpu.memref_slice %arg5[%add3A_26, %dma_start3A_45] : memref<320000x128xf32, #tpu.memory_space<hbm>> -> memref<80x128xf32, #tpu.memory_space<hbm>>
    %dma_start3A_47 = arith.constant 0 : i32
    %dma_start3A_48 = tpu.memref_slice %arg5[%add3A_26, %dma_start3A_47] : memref<320000x128xf32, #tpu.memory_space<hbm>> -> memref<80x128xf32, #tpu.memory_space<hbm>>
    tpu.enqueue_dma source(%arg10 : memref<80x128xf32, #tpu.memory_space<vmem>>) target(%dma_start3A_48 : memref<80x128xf32, #tpu.memory_space<hbm>>) target_semaphore(%arg18 : memref<!tpu.dma_semaphore, #tpu.memory_space<semaphore_mem>>)
    %dma_wait3A_49 = arith.constant 0 : i32
    %dma_wait3A_50 = tpu.memref_slice %arg5[%add3A_26, %dma_wait3A_49] : memref<320000x128xf32, #tpu.memory_space<hbm>> -> memref<80x128xf32, #tpu.memory_space<hbm>>
    %dma_wait3A_51 = arith.constant 0 : i32
    %dma_wait3A_52 = tpu.memref_slice %arg5[%add3A_26, %dma_wait3A_51] : memref<320000x128xf32, #tpu.memory_space<hbm>> -> memref<80x128xf32, #tpu.memory_space<hbm>>
    tpu.wait_dma2 semaphore(%arg18 : memref<!tpu.dma_semaphore, #tpu.memory_space<semaphore_mem>>) src(%arg10 : memref<80x128xf32, #tpu.memory_space<vmem>>) dst(%dma_wait3A_52 : memref<80x128xf32, #tpu.memory_space<hbm>>)
    %add3A_53 = arith.constant 9840 : i32
    %add3A_54 = arith.addi %mul3A_2, %add3A_53 : i32
    %dma_wait3A_55 = arith.constant 0 : i32
    %dma_wait3A_56 = tpu.memref_slice %arg5[%add3A_54, %dma_wait3A_55] : memref<320000x128xf32, #tpu.memory_space<hbm>> -> memref<80x128xf32, #tpu.memory_space<hbm>>
    %dma_wait3A_57 = arith.constant 0 : i32
    %dma_wait3A_58 = tpu.memref_slice %arg5[%add3A_54, %dma_wait3A_57] : memref<320000x128xf32, #tpu.memory_space<hbm>> -> memref<80x128xf32, #tpu.memory_space<hbm>>
    tpu.wait_dma2 semaphore(%arg19 : memref<!tpu.dma_semaphore, #tpu.memory_space<semaphore_mem>>) src(%arg11 : memref<80x128xf32, #tpu.memory_space<vmem>>) dst(%dma_wait3A_58 : memref<80x128xf32, #tpu.memory_space<hbm>>)
    return
  }
}

module attributes {stable_mosaic.version = 14 : i64} {
  func.func @_combine_body(%arg0: memref<2x10240x128xf32, #tpu.memory_space<vmem>>, %arg1: memref<10240xf32, #tpu.memory_space<vmem>>, %arg2: memref<10240x128xf32, #tpu.memory_space<vmem>>) attributes {dimension_semantics = [], scalar_prefetch = 0 : i64, scratch_operands = 0 : i64, tpu.core_type = #tpu.core_type<tc>} {
    %get3A = arith.constant 0 : index
    %get3A_0 = arith.constant 0 : index
    %get3A_1 = arith.constant 0 : index
    %get3A_2 = vector.load %arg0[%get3A, %get3A_0, %get3A_1] : memref<2x10240x128xf32, #tpu.memory_space<vmem>>, vector<1x10240x128xf32>
    %get3A_3 = vector.shape_cast %get3A_2 : vector<1x10240x128xf32> to vector<10240x128xf32>
    %get3A_4 = arith.constant 1 : index
    %get3A_5 = arith.constant 0 : index
    %get3A_6 = arith.constant 0 : index
    %get3A_7 = vector.load %arg0[%get3A_4, %get3A_5, %get3A_6] : memref<2x10240x128xf32, #tpu.memory_space<vmem>>, vector<1x10240x128xf32>
    %get3A_8 = vector.shape_cast %get3A_7 : vector<1x10240x128xf32> to vector<10240x128xf32>
    %add3A = arith.addf %get3A_3, %get3A_8 : vector<10240x128xf32>
    %get3A_9 = arith.constant 0 : index
    %get3A_10 = vector.load %arg1[%get3A_9] : memref<10240xf32, #tpu.memory_space<vmem>>, vector<10240xf32>
    %max3A = arith.constant 1.000000e+00 : f32
    %max3A_11 = vector.broadcast %max3A : f32 to vector<10240xf32>
    %max3A_12 = arith.maximumf %get3A_10, %max3A_11 : vector<10240xf32>
    %broadcast_in_dim3A = vector.shape_cast %max3A_12 : vector<10240xf32> to vector<10240x1xf32>
    %div3A = vector.broadcast %broadcast_in_dim3A : vector<10240x1xf32> to vector<10240x128xf32>
    %div3A_13 = arith.divf %add3A, %div3A : vector<10240x128xf32>
    %swap3A = arith.constant 0 : index
    %swap3A_14 = arith.constant 0 : index
    %swap3A_15 = vector.load %arg2[%swap3A, %swap3A_14] : memref<10240x128xf32, #tpu.memory_space<vmem>>, vector<10240x128xf32>
    tpu.vector_store %arg2[%swap3A, %swap3A_14], %div3A_13 {strides = array<i32>} : memref<10240x128xf32, #tpu.memory_space<vmem>>, vector<10240x128xf32>,
    return
  }
}

</mosaic_0001>

<sc_bundles>
// kernel: kernel.5.cloned.1.call-start
scs
__scs_entry_jumppad:
0x0: {  	(pc) =	sbr.rel $0x88, $3  }
0x1: {  	(tag) =	ssettag $0x0;
	lr =	simm.s32 $0x1  }
0x2: {  	[smem:$0x3F9F] =	sst lr;
	_ =	strace $0xD0000000  }
0x3: {  	_ = 	snop  }
0x4: {  	_ = 	snop  }
0x5: {  	_ = 	snop  }
0x6: {  	_ = 	snop  }
0x7: {  	_ = 	snop  }
__scs_overlays_trampoline_lowered:
0x8: {  	[smem:$0x3FAE] =	sst s0  }
0x9: {  	[smem:$0x3FAF] =	sst s1  }
0xa: {  	[smem:$0x3FB0] =	sst s2  }
0xb: {  	[smem:$0x3FB1] =	sst s3  }
0xc: {  	[smem:$0x3FB2] =	sst s4  }
0xd: {  	[smem:$0x3FB3] =	sst s5  }
0xe: {  	[smem:$0x3FB4] =	sst s6  }
0xf: {  	[smem:$0x3FB5] =	sst s7  }
0x10: {  	[smem:$0x3FB6] =	sst s8  }
0x11: {  	[smem:$0x3FB7] =	sst s9;
	s0 =	simm.s32 @!p0 $0x0  }
0x12: {  	s1 =	sld [smem:$0x3F9D];
	s0 =	simm.s32 @p0 $0x1  }
0x13: {  	[smem:$0x3FB8] =	sst s0;
	s0 =	simm.s32 @!p1 $0x0  }
0x14: {  	s2 =	sld [smem:$0x3F9C];
	s0 =	simm.s32 @p1 $0x1  }
0x15: {  	[smem:$0x3FB9] =	sst s0;
	s0 =	simm.s32 @!p2 $0x0  }
0x16: {  	s3 =	sld [smem:$0x3FDB];
	s0 =	simm.s32 @p2 $0x1  }
0x17: {  	s4 =	simm.s32 $0x1BF5;
	[smem:$0x3FBB] =	sst s0  }
0x18: {  	s0 =	sld [smem:$0x3F9E];
	_ =	swait.ge [sflag:s4], $0x0  }
0x19: {  	s7 =	sld [smem:$0x3F9F]  }
0x1a: {  	s8 =	sadd.s32 $0xFFFFE003, lr  }
0x1b: {  	s9 =	sadd.s32 $0xFFFFFEF7, lr;
	s5 =	simm.s32 $0xFFFFFFFF;
	p2 =	slt.u32 s8, $0xFFFFF086  }
0x1c: {  	p1 =	slt.u32 s9, $0xF7A;
	s5 =	simm.s32 @!p2 $0x0  }
0x1d: {  	s5 =	simm.s32 @p1 $0x1;
	p0 =	seq.s32 s7, s2  }
0x1e: {  	s7 =	smul.u32 @!p0 $0xF7A, s2;
	p2 =	seq.s32 @!p0 s5, $0x0  }
0x1f: {  	s9 =	smul.u32 $0xF7A, s1;
	s8 =	simm.s32 @!p0 $0x1BF5;
	p2 =	por !p2, p0  }
0x20: {  	[sflag:s8] =	ssyncset.s32 @!p0 $0xFFFFF086;
	s6 =	sadd.s32 @!p0 s3, s7;
	s7 =	simm.s32 @!p0 $0x108  }
0x21: {  	s3 =	sadd.s32 s3, s9;
	s6 =	sadd.s32 @!p0 $0x88, s6;
	s7 =	simm.s32 @p2 $0x1082  }
0x22: {  	[simem:s7], [sflag:s8] =	dma.local @!p0 [hbm:s6], $0xF7A  }
0x23: {  	s9 =	sor.u32 $0xD0000000, s2;
	s6 =	simm.s32 $0x108;
	_ =	swait.ge @!p0 [sflag:s8], $0x0  }
0x24: {  	s3 =	sadd.s32 $0x88, s3;
	s6 =	simm.s32 @!p1 $0x1082;
	[sflag:s4] =	ssyncset.s32 $0xFFFFF086  }
0x25: {  	[simem:s6], [sflag:s4] =	dma.local [hbm:s3], $0xF7A  }
0x26: {  	[smem:$0x3F9F] =	sst s1;
	(tag) =	ssettag s2;
	_ =	strace s9  }
0x27: {  	s1 =	sld [smem:$0x3FAF]  }
0x28: {  	s2 =	sld [smem:$0x3FB0]  }
0x29: {  	s4 =	sld [smem:$0x3FB2]  }
0x2a: {  	p0 =	seq.s32 s5, $0x0;
	s5 =	sld [smem:$0x3FB3]  }
0x2b: {  	s6 =	sld [smem:$0x3FB4]  }
0x2c: {  	s7 =	sld [smem:$0x3FB5]  }
0x2d: {  	s3 =	simm.s32 $0x108;
	s8 =	sld [smem:$0x3FB6]  }
0x2e: {  	s3 =	simm.s32 @!p0 $0x1082;
	s9 =	sld [smem:$0x3FB7]  }
0x2f: {  	lr =	sadd.s32 s0, s3;
	s0 =	sld [smem:$0x3FAE]  }
0x30: {  	s3 =	sld [smem:$0x3FB1]  }
0x31: {  	[smem:$0x3FBA] =	sst s10  }
0x32: {  	s10 =	sld [smem:$0x3FB8];
	_ =	sdelay $0x3  }
0x33: {  	p0 =	seq.s32 s10, $0x1;
	s10 =	sld [smem:$0x3FBA];
	_ =	sdelay $0x3  }
0x34: {  	[smem:$0x3FBA] =	sst s10  }
0x35: {  	s10 =	sld [smem:$0x3FB9];
	_ =	sdelay $0x3  }
0x36: {  	p1 =	seq.s32 s10, $0x1;
	s10 =	sld [smem:$0x3FBA];
	_ =	sdelay $0x3  }
0x37: {  	[smem:$0x3FBA] =	sst s10  }
0x38: {  	s10 =	sld [smem:$0x3FBB]  }
0x39: {  	_ = 	snop;
	(pc) =	sbr.ind lr, $3  }
0x3a: {  	_ = 	snop  }
0x3b: {  	_ = 	snop  }
0x3c: {  	p2 =	seq.s32 s10, $0x1;
	s10 =	sld [smem:$0x3FBA]  }
0x3d: {  	_ =	shalt  }
0x3e: {  	_ =	shalt  }
0x3f: {  	_ =	shalt  }
0x40: {  	_ =	shalt  }
0x41: {  	_ =	shalt  }
0x42: {  	_ =	shalt  }
0x43: {  	_ =	shalt  }
0x44: {  	_ =	shalt  }
0x45: {  	_ =	shalt  }
0x46: {  	_ =	shalt  }
0x47: {  	_ =	shalt  }
0x48: {  	_ =	shalt  }
0x49: {  	_ =	shalt  }
0x4a: {  	_ =	shalt  }
0x4b: {  	_ =	shalt  }
0x4c: {  	_ =	shalt  }
0x4d: {  	_ =	shalt  }
0x4e: {  	_ =	shalt  }
0x4f: {  	_ =	shalt  }
0x50: {  	_ =	shalt  }
0x51: {  	_ =	shalt  }
0x52: {  	_ =	shalt  }
0x53: {  	_ =	shalt  }
0x54: {  	_ =	shalt  }
0x55: {  	_ =	shalt  }
0x56: {  	_ =	shalt  }
0x57: {  	_ =	shalt  }
0x58: {  	_ =	shalt  }
0x59: {  	_ =	shalt  }
0x5a: {  	_ =	shalt  }
0x5b: {  	_ =	shalt  }
0x5c: {  	_ =	shalt  }
0x5d: {  	_ =	shalt  }
0x5e: {  	_ =	shalt  }
0x5f: {  	_ =	shalt  }
0x60: {  	_ =	shalt  }
0x61: {  	_ =	shalt  }
0x62: {  	_ =	shalt  }
0x63: {  	_ =	shalt  }
0x64: {  	_ =	shalt  }
0x65: {  	_ =	shalt  }
0x66: {  	_ =	shalt  }
0x67: {  	_ =	shalt  }
0x68: {  	_ =	shalt  }
0x69: {  	_ =	shalt  }
0x6a: {  	_ =	shalt  }
0x6b: {  	_ =	shalt  }
0x6c: {  	_ =	shalt  }
0x6d: {  	_ =	shalt  }
0x6e: {  	_ =	shalt  }
0x6f: {  	_ =	shalt  }
0x70: {  	_ =	shalt  }
0x71: {  	_ =	shalt  }
0x72: {  	_ =	shalt  }
0x73: {  	_ =	shalt  }
0x74: {  	_ =	shalt  }
0x75: {  	_ =	shalt  }
0x76: {  	_ =	shalt  }
0x77: {  	_ =	shalt  }
0x78: {  	_ =	shalt  }
0x79: {  	_ =	shalt  }
0x7a: {  	_ =	shalt  }
0x7b: {  	_ =	shalt  }
0x7c: {  	_ =	shalt  }
0x7d: {  	_ =	shalt  }
0x7e: {  	_ =	shalt  }
0x7f: {  	_ =	shalt  }
0x80: {  	_ =	shalt  }
0x81: {  	_ =	shalt  }
0x82: {  	_ =	shalt  }
0x83: {  	_ =	shalt  }
0x84: {  	_ =	shalt  }
0x85: {  	_ =	shalt  }
0x86: {  	_ =	shalt  }
0x87: {  	_ =	shalt  }
.Lfunc_end0:
.L_simem_size_0:
called_computation_lowered:
.L_overlay_start_0:
0x88: {  	s2 =	sld [smem:$0x3FD9]  }
0x89: {  	s3 =	sld [smem:$0x3FFE];
	_ =	sdelay $0x1  }
0x8a: {  	s1 =	srdreg.scid  }
0x8b: {  	s0 =	sand.u32 $0x1, s1  }
0x8c: {  	s17 =	sshll.u32 s0, $0xA;
	s2 =	sadd.s32 s3, s2  }
0x8d: {  	s2 =	sadd.s32 s2, s17  }
0x8e: {  	[smem:$0x3FC6] =	sst s2  }
0x8f: {  	_ = 	snop  }
0x90: {  	s2 =	sld [smem:$0x3FC9]  }
0x91: {  	s18 =	sld [smem:$0x3FC8]  }
0x92: {  	s4 =	sld [smem:$0x3FD0];
	(tm) =	ssettm $0x1  }
0x93: {  	s5 =	sld [smem:$0x3FFB];
	_ =	sdelay $0x3  }
0x94: {  	_ =	strace s5  }
0x95: {  	s5 =	sld [smem:$0x3FFC];
	_ =	sdelay $0x3  }
0x96: {  	_ =	strace s5  }
0x97: {  	s5 =	sld [smem:$0x3FFD];
	_ =	sdelay $0x3  }
0x98: {  	_ =	strace s5  }
0x99: {  	_ =	strace $0x8FFFFFFF  }
0x9a: {  	s19 =	sld [smem:$0x3FDB];
	_ =	sdelay $0x1  }
0x9b: {  	s6 =	simm.s32 $_scs_section_size  }
0x9c: {  	s7 =	simm.s32 $_size__tile_overlayer_lowered;
	s8 =	simm.s32 $_tile_overlayer_lowered  }
0x9d: {  	s22 =	simm.s32 $0x1BFF;
	s21 =	sshll.u32 s8, $0x1;
	s5 =	sadd.s32 s6, s19  }
0x9e: {  	s9 =	simm.s32 $0x0;
	s20 =	sshll.u32 s7, $0x1;
	s7 =	sadd.s32 s21, s5  }
0x9f: {  	[timem:s9], [sflag:s22] =	dma.local [hbm:s7], s20  }
0xa0: {  	_ =	swait.ge [sflag:s22], s20  }
0xa1: {  	s6 =	ssub.s32 $0x0, s20;
	[sflag:s22] =	ssyncset.done $0x0  }
0xa2: {  	[sflag:s22] =	ssyncadd.s32 s6;
	_ =	sdelay $0x1  }
0xa3: {  	s23 =	simm.s32 $0x1B8B  }
0xa4: {  	_ =	swait.ge [sflag:s23], $0x1  }
0xa5: {  	[sflag:s23] =	ssyncset.done $0x0  }
0xa6: {  	s25 =	simm.s32 $0x1B8E;
	s24 =	sld [smem:$0x3FFE];
	[sflag:s23] =	ssyncadd.s32 $0xFFFFFFFF  }
0xa7: {  	s26 =	simm.s32 $execute0_lowered;
	[smem:$0x3FD2] =	sst s25  }
0xa8: {  	s7 =	sshll.u32 s26, $0x1;
	_ =	strace $0x80000046;
	[dreg:$0x1] =	wrdreg $0xFFFFFFFF  }
0xa9: {  	s28 =	simm.s32 $_size_execute0_lowered;
	s5 =	sadd.s32 s5, s7;
	[dreg:$0x0] =	wrdreg $0x0  }
0xaa: {  	s7 =	sshll.u32 s28, $0x1;
	[dreg:$0x2] =	wrdreg s5  }
0xab: {  	[dreg:$0x3] =	wrdreg s7  }
0xac: {  	[dreg:$0x4] =	wrdreg $0xC0  }
0xad: {  	_ =	task [dreg:s9], $0x5FFFF  }
0xae: {  	[dreg:$0x1] =	wrdreg $0xFFFFFFFF  }
0xaf: {  	[dreg:$0x0] =	wrdreg $0x60  }
0xb0: {  	[dreg:$0x2] =	wrdreg s2  }
0xb1: {  	[dreg:$0x3] =	wrdreg s18  }
0xb2: {  	[dreg:$0x4] =	wrdreg s24  }
0xb3: {  	[dreg:$0x5] =	wrdreg s4  }
0xb4: {  	[dreg:$0x6] =	wrdreg $0x5C800  }
0xb5: {  	[dreg:$0x7] =	wrdreg $0x19C800  }
0xb6: {  	[dreg:$0x8] =	wrdreg $0x9  }
0xb7: {  	_ =	task.clear_ibuf [dreg:s9], $0x9FFFF;
	_ =	strace $0x90000046  }
0xb8: {  	s29 =	simm.s32 $0x9;
	_ =	strace $0x80000048  }
0xb9: {  	_ =	swait.ge [sflag:s29], $0x1  }
0xba: {  	[sflag:s29] =	ssyncadd.s32 $0xFFFFFFFF  }
0xbb: {  	_ =	strace $0x90000048  }
0xbc: {  	_ =	sfence  }
0xbd: {  	s30 =	sld [smem:$0x0];
	_ =	sdelay $0x2  }
0xbe: {  	s31 =	sshll.u32 s1, $0xD;
	s1 =	sshrl.u32 s1, $0x2  }
0xbf: {  	s3 =	sand.u32 $0x4000, s31;
	s1 =	sadd.s32 s1, s30  }
0xc0: {  	s0 =	sor.u32 s3, s0;
	s1 =	sshll.u32 s1, $0x11  }
0xc1: {  	s0 =	sor.u32 s1, s0  }
0xc2: {  	s0 =	sadd.s32 $0x8F2B, s0  }
0xc3: {  	[sflag:s0] =	ssyncadd.remote.s32 $0x1  }
0xc4: {  	_ =	sfence.sel $0xFFFF  }
0xc5: {  	[dreg:$0x0] =	wrdreg $0xFFFFFFFF;
	(pc) =	sbr.abs _section_cstart, $3  }
0xc6: {  	[dreg:$0x1] =	wrdreg $0xFFFFFFFF  }
0xc7: {  	_ =	task.clear_ibuf [dreg:s9], $0x2FFFF;
	_ =	strace $0x9FFFFFFF  }
0xc8: {  	(tm) =	ssettm $0x7FFFFFFF  }
0xc9: {  	_ =	shalt  }
tec
execute0_lowered:
.L_overlay_start_1:
0x0: {  	(tag) =	ssettag $0x1  }
0x1: {  	s1 =	rddreg [dreg:$0x0]  }
0x2: {  	s0 =	rddreg [dreg:$0x1];
	s17 =	stileid.u32  }
0x3: {  	s2 =	rddreg [dreg:$0x2];
	s10 =	smul.u32 $0x14000, s17  }
0x4: {  	s3 =	srdreg.scid;
	s13 =	smul.u32 $0x50000, s17  }
0x5: {  	s6 =	rddreg [dreg:$0x3];
	s7 =	sand.u32 $0x1, s3;
	s21 =	smul.u32 $0x2710, s17  }
0x6: {  	s4 =	rddreg [dreg:$0x5];
	s16 =	smul.u32 $0x140000, s7  }
0x7: {  	s3 =	rddreg [dreg:$0x4];
	s11 =	sshll.u32 s17, $0x7;
	s31 =	smul.u32 $0x271000, s7  }
0x8: {  	s25 =	sshll.u32 s17, $0x6;
	s5 =	sshll.u32 s7, $0x4;
	s18 =	smul.u32 $0x27100, s7  }
0x9: {  	s11 =	sand.u32 $0x380, s11;
	s22 =	ssub.s32 $0x2, s7;
	s7 =	smul.u32 $0x1400, s7  }
0xa: {  	s9 =	sor.u32 s17, s5;
	s5 =	simm.s32 $0x0;
	s12 =	sshrl.u32 s10, $0x3  }
0xb: {  	s23 =	sshrl.u32 s22, $0x1;
	s24 =	sshrl.u32 s13, $0x2;
	s13 =	smul.u32 $0x4E20, s17  }
0xc: {  	s8 =	sshrl.u32 s9, $0x3;
	[smem:$0x7FF] =	sst s5;
	s14 =	smul.u32 $0x2710, s9  }
0xd: {  	s12 =	sadd.s32 s12, s2;
	s9 =	smul.u32 $0x27100, s9;
	s10 =	sadd.s32 s10, s16  }
0xe: {  	s8 =	smul.u32 $0xC00, s8;
	_ =	strace $0x80000047;
	s12 =	sadd.s32 $0x1000, s12  }
0xf: {  	s30 =	sshrl.u32 s10, $0x3;
	s19 =	sshrl.u32 s13, $0x3;
	[dreg:$0x8] =	wrdreg s12  }
0x10: {  	s26 =	sshrl.u32 s14, $0x3;
	s15 =	sadd.s32 $0x50, s14;
	s9 =	sadd.s32 s1, s9  }
0x11: {  	s8 =	sor.u32 s11, s8;
	s11 =	ssub.s32 s22, s23;
	s12 =	sadd.s32 s0, s26  }
0x12: {  	s28 =	sshrl.u32 s15, $0x3;
	s29 =	sshll.u32 s15, $0x4;
	s15 =	smul.u32 $0x27100, s17  }
0x13: {  	[dreg:$0xa] =	wrdreg s9;
	s22 =	sadd.s32 $0x7D0, s13;
	s23 =	smul.u32 $0x140, s17  }
0x14: {  	s8 =	sshrl.u32 s8, $0x3;
	[dreg:$0x9] =	wrdreg s12;
	s9 =	sadd.s32 s0, s28  }
0x15: {  	s12 =	sadd.s32 s6, s30;
	s16 =	smax.u32 s11, $0x1;
	[dreg:$0xb] =	wrdreg s9  }
0x16: {  	s26 =	sadd.s32 s22, s4;
	s2 =	sadd.s32 s8, s2;
	[dreg:$0xe] =	wrdreg s12  }
0x17: {  	s8 =	sadd.s32 s24, s3;
	s9 =	sadd.s32 s1, s29;
	[dreg:$0xf] =	wrdreg s16  }
0x18: {  	s12 =	sadd.s32 $0x26C0, s14;
	s24 =	sshrl.u32 s22, $0x3;
	[dreg:$0x14] =	wrdreg s26  }
0x19: {  	s29 =	sadd.s32 $0x1770, s13;
	s16 =	sadd.s32 $0x2710, s13;
	[dreg:$0x7] =	wrdreg s8  }
0x1a: {  	s26 =	sadd.s32 s13, s4;
	s8 =	sor.u32 $0x1C04, s25;
	[dreg:$0xc] =	wrdreg s9  }
0x1b: {  	s2 =	sadd.s32 $0x29000, s2;
	s20 =	sshll.u32 s12, $0x4;
	s9 =	sadd.s32 s0, s19  }
0x1c: {  	s6 =	sadd.s32 s0, s24;
	s25 =	sadd.s32 $0xFA0, s13;
	s30 =	sshrl.u32 s29, $0x3  }
0x1d: {  	s14 =	sadd.s32 s29, s4;
	s19 =	sadd.s32 $0x2EE0, s13;
	[smem:$0x7FC] =	sst s26  }
0x1e: {  	s12 =	sshrl.u32 s12, $0x3;
	s26 =	simm.s32 $0x0;
	[dreg:$0xd] =	wrdreg s2  }
0x1f: {  	s11 =	sadd.s32 s1, s20;
	s1 =	sadd.s32 s31, s1;
	[dreg:$0x11] =	wrdreg s9  }
0x20: {  	[dreg:$0x12] =	wrdreg s6;
	s28 =	sshrl.u32 s25, $0x3;
	s31 =	sadd.s32 $0x1F40, s13  }
0x21: {  	s10 =	sadd.s32 s0, s30;
	[dreg:$0x18] =	wrdreg s14;
	s20 =	sshrl.u32 s19, $0x3  }
0x22: {  	s24 =	sadd.s32 s19, s4;
	s12 =	sadd.s32 s0, s12;
	s19 =	simm.s32 $0x2  }
0x23: {  	[dreg:$0x10] =	wrdreg s11;
	s2 =	sadd.s32 s15, s1;
	s15 =	sadd.s32 s21, s18  }
0x24: {  	s1 =	sadd.s32 s23, s7;
	s6 =	sadd.s32 s0, s28;
	[dreg:$0x17] =	wrdreg s10  }
0x25: {  	s11 =	sshrl.u32 s31, $0x3;
	s17 =	sadd.s32 s31, s4;
	[dreg:$0x1e] =	wrdreg s24  }
0x26: {  	s18 =	sshrl.u32 s16, $0x3;
	s21 =	sadd.s32 $0x36B0, s13;
	[dreg:$0x13] =	wrdreg s1  }
0x27: {  	s22 =	sadd.s32 s0, s20;
	s28 =	sadd.s32 $0x4650, s13;
	[dreg:$0x15] =	wrdreg s6  }
0x28: {  	s20 =	simm.s32 $0x5080;
	s24 =	simm.s32 $0x5100;
	[dreg:$0x1a] =	wrdreg s17  }
0x29: {  	s1 =	sadd.s32 s25, s4;
	s6 =	sadd.s32 s0, s18;
	[dreg:$0x1d] =	wrdreg s22  }
0x2a: {  	s23 =	sshrl.u32 s21, $0x3;
	s25 =	sadd.s32 $0x3E80, s13;
	s30 =	sadd.s32 s21, s4  }
0x2b: {  	s13 =	sshrl.u32 s28, $0x3;
	s31 =	sadd.s32 $0xF0, s15;
	s2 =	sadd.s32 $0xF00, s2  }
0x2c: {  	s15 =	sadd.s32 $0xA0, s15;
	s17 =	simm.s32 $0x5480;
	s18 =	simm.s32 $0x5000  }
0x2d: {  	s21 =	simm.s32 $0x2800;
	s22 =	simm.s32 $0x50;
	[dreg:$0x16] =	wrdreg s1  }
0x2e: {  	s1 =	sadd.s32 s0, s11;
	[dreg:$0x1b] =	wrdreg s6;
	s29 =	sshrl.u32 s25, $0x3  }
0x2f: {  	v1 =	vimm.s32 $0x3FFFF;
	[smem:$0x7FD] =	sst s30;
	s9 =	sadd.s32 s25, s4;
	s10 =	sadd.s32 s0, s13  }
0x30: {  	s11 =	sadd.s32 s28, s4;
	s13 =	sshrl.u32 s31, $0x3;
	s25 =	simm.s32 $0x1  }
0x31: {  	[dreg:$0x19] =	wrdreg s1;
	s1 =	sadd.s32 s16, s4;
	s7 =	sadd.s32 s0, s29  }
0x32: {  	s14 =	sadd.s32 s13, s0;
	[dreg:$0x1c] =	wrdreg s1;
	s1 =	sadd.s32 s0, s23  }
0x33: {  	v0 =	vlaneseq.u32;
	vm0 =	vmmov $0xffff;
	v2 =	vimm.s32 $0x0;
	s16 =	simm.s32 $0x4;
	s23 =	simm.s32 $0x3;
	[dreg:$0x1f] =	wrdreg s1  }
.LBB2_1:
0x34: {  	s1 =	rddreg [dreg:$0x7]  }
0x35: {  	s13 =	rddreg [dreg:$0x8];
	s28 =	sshrl.u32 s1, $0x3  }
0x36: {  	[spmem:s28], [sflag:s8] =	dma.local [hbm:s13], $0x2800  }
0x37: {  	_ =	swait.ge [sflag:s16], $0x2800  }
0x38: {  	[sflag:s16] =	ssyncset.done $0x0  }
0x39: {  	s6 =	rddreg [dreg:$0x11];
	[sflag:s16] =	ssyncadd.s32 $0xFFFFD800  }
0x3a: {  	[tilespmem:s17], [sflag:$0x4] =	stream.linear.gather [hbm4b:s6+s5], $0x7D0, $0x38;
	[tilespmem:$0x1EAA0] =	vst v63  }
0x3b: {  	_ =	swait.ge [sflag:s16], $0x7D0  }
0x3c: {  	s13 =	sld [smem:$0x7FC]  }
0x3d: {  	[sflag:s16] =	ssyncset.done $0x0  }
0x3e: {  	[sflag:s16] =	ssyncadd.s32 $0xFFFFF830  }
0x3f: {  	[spmem:s13] =	stream.linear.scatter [tilespmem:s17], [sflag:$0x4], $0x7D0, $0x38;
	[tilespmem:$0x1EAA0] =	vst v63  }
0x40: {  	_ =	swait.ge [sflag:s16], $0x7D0  }
0x41: {  	[sflag:s16] =	ssyncset.done $0x0  }
0x42: {  	s6 =	rddreg [dreg:$0x12];
	[sflag:s16] =	ssyncadd.s32 $0xFFFFF830  }
0x43: {  	[tilespmem:s17], [sflag:$0x4] =	stream.linear.gather [hbm4b:s6+s5], $0x7D0, $0x38;
	[tilespmem:$0x1EAA0] =	vst v63  }
0x44: {  	_ =	swait.ge [sflag:s16], $0x7D0  }
0x45: {  	[sflag:s16] =	ssyncset.done $0x0  }
0x46: {  	s13 =	rddreg [dreg:$0x14];
	[sflag:s16] =	ssyncadd.s32 $0xFFFFF830  }
0x47: {  	[spmem:s13] =	stream.linear.scatter [tilespmem:s17], [sflag:$0x4], $0x7D0, $0x38;
	[tilespmem:$0x1EAA0] =	vst v63  }
0x48: {  	_ =	swait.ge [sflag:s16], $0x7D0  }
0x49: {  	[sflag:s16] =	ssyncset.done $0x0  }
0x4a: {  	s6 =	rddreg [dreg:$0x15];
	[sflag:s16] =	ssyncadd.s32 $0xFFFFF830  }
0x4b: {  	[tilespmem:s17], [sflag:$0x4] =	stream.linear.gather [hbm4b:s6+s5], $0x7D0, $0x38;
	[tilespmem:$0x1EAA0] =	vst v63  }
0x4c: {  	_ =	swait.ge [sflag:s16], $0x7D0  }
0x4d: {  	[sflag:s16] =	ssyncset.done $0x0  }
0x4e: {  	s13 =	rddreg [dreg:$0x16];
	[sflag:s16] =	ssyncadd.s32 $0xFFFFF830  }
0x4f: {  	[spmem:s13] =	stream.linear.scatter [tilespmem:s17], [sflag:$0x4], $0x7D0, $0x38;
	[tilespmem:$0x1EAA0] =	vst v63  }
0x50: {  	_ =	swait.ge [sflag:s16], $0x7D0  }
0x51: {  	[sflag:s16] =	ssyncset.done $0x0  }
0x52: {  	s6 =	rddreg [dreg:$0x17];
	[sflag:s16] =	ssyncadd.s32 $0xFFFFF830  }
0x53: {  	[tilespmem:s17], [sflag:$0x4] =	stream.linear.gather [hbm4b:s6+s5], $0x7D0, $0x38;
	[tilespmem:$0x1EAA0] =	vst v63  }
0x54: {  	_ =	swait.ge [sflag:s16], $0x7D0  }
0x55: {  	[sflag:s16] =	ssyncset.done $0x0  }
0x56: {  	s13 =	rddreg [dreg:$0x18];
	[sflag:s16] =	ssyncadd.s32 $0xFFFFF830  }
0x57: {  	[spmem:s13] =	stream.linear.scatter [tilespmem:s17], [sflag:$0x4], $0x7D0, $0x38;
	[tilespmem:$0x1EAA0] =	vst v63  }
0x58: {  	_ =	swait.ge [sflag:s16], $0x7D0  }
0x59: {  	[sflag:s16] =	ssyncset.done $0x0  }
0x5a: {  	s6 =	rddreg [dreg:$0x19];
	[sflag:s16] =	ssyncadd.s32 $0xFFFFF830  }
0x5b: {  	[tilespmem:s17], [sflag:$0x4] =	stream.linear.gather [hbm4b:s6+s5], $0x7D0, $0x38;
	[tilespmem:$0x1EAA0] =	vst v63  }
0x5c: {  	_ =	swait.ge [sflag:s16], $0x7D0  }
0x5d: {  	[sflag:s16] =	ssyncset.done $0x0  }
0x5e: {  	s13 =	rddreg [dreg:$0x1a];
	[sflag:s16] =	ssyncadd.s32 $0xFFFFF830  }
0x5f: {  	[spmem:s13] =	stream.linear.scatter [tilespmem:s17], [sflag:$0x4], $0x7D0, $0x38;
	[tilespmem:$0x1EAA0] =	vst v63  }
0x60: {  	_ =	swait.ge [sflag:s16], $0x7D0  }
0x61: {  	[sflag:s16] =	ssyncset.done $0x0  }
0x62: {  	s6 =	rddreg [dreg:$0x1b];
	[sflag:s16] =	ssyncadd.s32 $0xFFFFF830  }
0x63: {  	[tilespmem:s17], [sflag:$0x4] =	stream.linear.gather [hbm4b:s6+s5], $0x7D0, $0x38;
	[tilespmem:$0x1EAA0] =	vst v63  }
0x64: {  	_ =	swait.ge [sflag:s16], $0x7D0  }
0x65: {  	[sflag:s16] =	ssyncset.done $0x0  }
0x66: {  	s13 =	rddreg [dreg:$0x1c];
	[sflag:s16] =	ssyncadd.s32 $0xFFFFF830  }
0x67: {  	[spmem:s13] =	stream.linear.scatter [tilespmem:s17], [sflag:$0x4], $0x7D0, $0x38;
	[tilespmem:$0x1EAA0] =	vst v63  }
0x68: {  	_ =	swait.ge [sflag:s16], $0x7D0  }
0x69: {  	[sflag:s16] =	ssyncset.done $0x0  }
0x6a: {  	s6 =	rddreg [dreg:$0x1d];
	[sflag:s16] =	ssyncadd.s32 $0xFFFFF830  }
0x6b: {  	[tilespmem:s17], [sflag:$0x4] =	stream.linear.gather [hbm4b:s6+s5], $0x7D0, $0x38;
	[tilespmem:$0x1EAA0] =	vst v63  }
0x6c: {  	_ =	swait.ge [sflag:s16], $0x7D0  }
0x6d: {  	[sflag:s16] =	ssyncset.done $0x0  }
0x6e: {  	s13 =	rddreg [dreg:$0x1e];
	[sflag:s16] =	ssyncadd.s32 $0xFFFFF830  }
0x6f: {  	[spmem:s13] =	stream.linear.scatter [tilespmem:s17], [sflag:$0x4], $0x7D0, $0x38;
	[tilespmem:$0x1EAA0] =	vst v63  }
0x70: {  	_ =	swait.ge [sflag:s16], $0x7D0  }
0x71: {  	[sflag:s16] =	ssyncset.done $0x0  }
0x72: {  	s6 =	rddreg [dreg:$0x1f];
	[sflag:s16] =	ssyncadd.s32 $0xFFFFF830  }
0x73: {  	[tilespmem:s17], [sflag:$0x4] =	stream.linear.gather [hbm4b:s6+s5], $0x7D0, $0x38;
	[tilespmem:$0x1EAA0] =	vst v63  }
0x74: {  	_ =	swait.ge [sflag:s16], $0x7D0  }
0x75: {  	s13 =	sld [smem:$0x7FD]  }
0x76: {  	[sflag:s16] =	ssyncset.done $0x0  }
0x77: {  	[sflag:s16] =	ssyncadd.s32 $0xFFFFF830  }
0x78: {  	[spmem:s13] =	stream.linear.scatter [tilespmem:s17], [sflag:$0x4], $0x7D0, $0x38;
	[tilespmem:$0x1EAA0] =	vst v63  }
0x79: {  	_ =	swait.ge [sflag:s16], $0x7D0  }
0x7a: {  	[sflag:s16] =	ssyncset.done $0x0  }
0x7b: {  	[sflag:s16] =	ssyncadd.s32 $0xFFFFF830  }
0x7c: {  	[tilespmem:s17], [sflag:$0x4] =	stream.linear.gather [hbm4b:s7+s5], $0x7D0, $0x38;
	[tilespmem:$0x1EAA0] =	vst v63  }
0x7d: {  	_ =	swait.ge [sflag:s16], $0x7D0  }
0x7e: {  	[sflag:s16] =	ssyncset.done $0x0  }
0x7f: {  	[sflag:s16] =	ssyncadd.s32 $0xFFFFF830  }
0x80: {  	[spmem:s9] =	stream.linear.scatter [tilespmem:s17], [sflag:$0x4], $0x7D0, $0x38;
	[tilespmem:$0x1EAA0] =	vst v63  }
0x81: {  	_ =	swait.ge [sflag:s16], $0x7D0  }
0x82: {  	[sflag:s16] =	ssyncset.done $0x0  }
0x83: {  	[sflag:s16] =	ssyncadd.s32 $0xFFFFF830  }
0x84: {  	[tilespmem:s17], [sflag:$0x4] =	stream.linear.gather [hbm4b:s10+s5], $0x7D0, $0x38;
	[tilespmem:$0x1EAA0] =	vst v63  }
0x85: {  	_ =	swait.ge [sflag:s16], $0x7D0  }
0x86: {  	[sflag:s16] =	ssyncset.done $0x0  }
0x87: {  	[sflag:s16] =	ssyncadd.s32 $0xFFFFF830  }
0x88: {  	[spmem:s11] =	stream.linear.scatter [tilespmem:s17], [sflag:$0x4], $0x7D0, $0x38;
	[tilespmem:$0x1EAA0] =	vst v63  }
0x89: {  	_ =	swait.ge [sflag:s16], $0x7D0  }
0x8a: {  	[sflag:s16] =	ssyncset.done $0x0  }
0x8b: {  	[sflag:s16] =	ssyncadd.s32 $0xFFFFF830  }
0x8c: {  	[bflag:$0x0] =	sbarrier.arrive $0xFFFF  }
0x8d: {  	s6 =	rddreg [dreg:$0x9]  }
0x8e: {  	[tilespmem:s18], [sflag:$0x4] =	stream.linear.gather [hbm4b:s6+s5], $0x50, $0x38;
	[tilespmem:$0x1EAA0] =	vst v63  }
0x8f: {  	_ =	swait.ge [sflag:s16], $0x50  }
0x90: {  	[sflag:s16] =	ssyncset.done $0x0  }
0x91: {  	s13 =	rddreg [dreg:$0xa];
	[sflag:s16] =	ssyncadd.s32 $0xFFFFFFB0  }
0x92: {  	[tilespmem:s5], [sflag:$0x2] =	stream.linear.gather [hbm4b:s13+s5], $0x2800, $0x38;
	[tilespmem:$0x1EAA0] =	vst v63  }
0x93: {  	s6 =	rddreg [dreg:$0xb]  }
0x94: {  	[tilespmem:s20], [sflag:$0x4] =	stream.linear.gather [hbm4b:s6+s5], $0x50, $0x38;
	[tilespmem:$0x1EAA0] =	vst v63  }
0x95: {  	_ =	swait.ge [sflag:s16], $0x50  }
0x96: {  	[sflag:s16] =	ssyncset.done $0x0  }
0x97: {  	s13 =	rddreg [dreg:$0xc];
	[sflag:s16] =	ssyncadd.s32 $0xFFFFFFB0  }
0x98: {  	[tilespmem:s21], [sflag:$0x3] =	stream.linear.gather [hbm4b:s13+s5], $0x2800, $0x38;
	[tilespmem:$0x1EAA0] =	vst v63  }
0x99: {  	_ =	swait.ge [sflag:s19], $0x2800  }
0x9a: {  	[sflag:s19] =	ssyncset.done $0x0  }
0x9b: {  	[sflag:s19] =	ssyncadd.s32 $0xFFFFD800  }
0x9c: {  	[spmem:s3] =	stream.indirect.scatter.add.f32 [tilespmem:s5], [sflag:$0x4], $0x80, s18, s22, $0xb8;
	[tilespmem:$0x1EAA0] =	vst v63  }
0x9d: {  	_ =	swait.ge [sflag:s16], $0x2800  }
0x9e: {  	s13 =	sshrl.u32 s15, $0x3;
	[sflag:s16] =	ssyncset.done $0x0  }
0x9f: {  	s13 =	sadd.s32 s0, s13;
	[sflag:s16] =	ssyncadd.s32 $0xFFFFD800  }
0xa0: {  	[tilespmem:s18], [sflag:$0x4] =	stream.linear.gather [hbm4b:s13+s5], $0x50, $0x38;
	[tilespmem:$0x1EAA0] =	vst v63  }
0xa1: {  	_ =	swait.ge [sflag:s16], $0x50  }
0xa2: {  	[sflag:s16] =	ssyncset.done $0x0  }
0xa3: {  	s1 =	sadd.s32 $0xFFFFFB00, s2;
	[sflag:s16] =	ssyncadd.s32 $0xFFFFFFB0  }
0xa4: {  	[tilespmem:s5], [sflag:$0x2] =	stream.linear.gather [hbm4b:s1+s5], $0x2800, $0x38;
	[tilespmem:$0x1EAA0] =	vst v63  }
0xa5: {  	_ =	swait.ge [sflag:s23], $0x2800  }
0xa6: {  	[sflag:s23] =	ssyncset.done $0x0  }
0xa7: {  	[sflag:s23] =	ssyncadd.s32 $0xFFFFD800  }
0xa8: {  	[spmem:s3] =	stream.indirect.scatter.add.f32 [tilespmem:s21], [sflag:$0x4], $0x80, s20, s22, $0xb8;
	[tilespmem:$0x1EAA0] =	vst v63  }
0xa9: {  	_ =	swait.ge [sflag:s16], $0x2800  }
0xaa: {  	[sflag:s16] =	ssyncset.done $0x0  }
0xab: {  	s6 =	sadd.s32 $0x0, s14;
	[sflag:s16] =	ssyncadd.s32 $0xFFFFD800  }
0xac: {  	[tilespmem:s20], [sflag:$0x4] =	stream.linear.gather [hbm4b:s6+s5], $0x50, $0x38;
	[tilespmem:$0x1EAA0] =	vst v63  }
0xad: {  	_ =	swait.ge [sflag:s16], $0x50  }
0xae: {  	s29 =	simm.s32 $0x14;
	s30 =	sadd.s32 $0xA00, s2;
	[sflag:s16] =	ssyncset.done $0x0  }
0xaf: {  	s31 =	sadd.s32 $0xA0, s15;
	s13 =	smov.u32 s2;
	[sflag:s16] =	ssyncadd.s32 $0xFFFFFFB0  }
.LBB2_2:
0xb0: {  	[tilespmem:s21], [sflag:$0x3] =	stream.linear.gather [hbm4b:s13+s5], $0x2800, $0x38;
	[tilespmem:$0x1EAA0] =	vst v63  }
0xb1: {  	s1 =	smov.u32 s29;
	s13 =	smov.u32 s30  }
0xb2: {  	p0 =	sne.s32 s29, $0x4B0;
	s29 =	sadd.s32 $0x14, s29;
	_ =	swait.ge [sflag:s19], $0x2800  }
0xb3: {  	[sflag:s19] =	ssyncset.done $0x0  }
0xb4: {  	[sflag:s19] =	ssyncadd.s32 $0xFFFFD800  }
0xb5: {  	[spmem:s3] =	stream.indirect.scatter.add.f32 [tilespmem:s5], [sflag:$0x4], $0x80, s18, s22, $0xb8;
	[tilespmem:$0x1EAA0] =	vst v63  }
0xb6: {  	_ =	swait.ge [sflag:s16], $0x2800  }
0xb7: {  	s6 =	sshrl.u32 s31, $0x3;
	[sflag:s16] =	ssyncset.done $0x0  }
0xb8: {  	s6 =	sadd.s32 s0, s6;
	[sflag:s16] =	ssyncadd.s32 $0xFFFFD800  }
0xb9: {  	[tilespmem:s18], [sflag:$0x4] =	stream.linear.gather [hbm4b:s6+s5], $0x50, $0x38;
	[tilespmem:$0x1EAA0] =	vst v63  }
0xba: {  	_ =	swait.ge [sflag:s16], $0x50  }
0xbb: {  	[sflag:s16] =	ssyncset.done $0x0  }
0xbc: {  	s6 =	sadd.s32 $0xFFFFFB00, s30;
	[sflag:s16] =	ssyncadd.s32 $0xFFFFFFB0  }
0xbd: {  	[tilespmem:s5], [sflag:$0x2] =	stream.linear.gather [hbm4b:s6+s5], $0x2800, $0x38;
	[tilespmem:$0x1EAA0] =	vst v63  }
0xbe: {  	_ =	swait.ge [sflag:s23], $0x2800  }
0xbf: {  	[sflag:s23] =	ssyncset.done $0x0  }
0xc0: {  	[sflag:s23] =	ssyncadd.s32 $0xFFFFD800  }
0xc1: {  	[spmem:s3] =	stream.indirect.scatter.add.f32 [tilespmem:s21], [sflag:$0x4], $0x80, s20, s22, $0xb8;
	[tilespmem:$0x1EAA0] =	vst v63  }
0xc2: {  	_ =	swait.ge [sflag:s16], $0x2800  }
0xc3: {  	[sflag:s16] =	ssyncset.done $0x0  }
.Ltmp0:
0xc4: {  	s1 =	sadd.s32 s1, s14;
	[sflag:s16] =	ssyncadd.s32 $0xFFFFD800;
	(pc) =	sbr.rel @p0 .LBB2_2-.Ltmp0, $4  }
0xc5: {  	[tilespmem:s20], [sflag:$0x4] =	stream.linear.gather [hbm4b:s1+s5], $0x50, $0x38;
	[tilespmem:$0x1EAA0] =	vst v63  }
0xc6: {  	_ =	swait.ge [sflag:s16], $0x50  }
0xc7: {  	[sflag:s16] =	ssyncset.done $0x0  }
0xc8: {  	s31 =	sadd.s32 $0xA0, s31;
	s30 =	sadd.s32 $0xA00, s30;
	[sflag:s16] =	ssyncadd.s32 $0xFFFFFFB0  }
0xc9: {  	[tilespmem:s21], [sflag:$0x3] =	stream.linear.gather [hbm4b:s13+s5], $0x2800, $0x38;
	[tilespmem:$0x1EAA0] =	vst v63  }
0xca: {  	_ =	swait.ge [sflag:s19], $0x2800  }
0xcb: {  	[sflag:s19] =	ssyncset.done $0x0  }
0xcc: {  	s29 =	simm.s32 $0x0;
	[sflag:s19] =	ssyncadd.s32 $0xFFFFD800  }
0xcd: {  	[spmem:s3] =	stream.indirect.scatter.add.f32 [tilespmem:s29], [sflag:$0x4], $0x80, s18, s22, $0xb8;
	[tilespmem:$0x1EAA0] =	vst v63  }
0xce: {  	_ =	swait.ge [sflag:s16], $0x2800  }
0xcf: {  	[sflag:s16] =	ssyncset.done $0x0  }
0xd0: {  	[sflag:s16] =	ssyncadd.s32 $0xFFFFD800  }
0xd1: {  	[tilespmem:s18], [sflag:$0x4] =	stream.linear.gather [hbm4b:s12+s29], $0x50, $0x38;
	[tilespmem:$0x1EAA0] =	vst v63  }
0xd2: {  	_ =	swait.ge [sflag:s16], $0x50  }
0xd3: {  	[sflag:s16] =	ssyncset.done $0x0  }
0xd4: {  	s1 =	rddreg [dreg:$0x10];
	[sflag:s16] =	ssyncadd.s32 $0xFFFFFFB0  }
0xd5: {  	[tilespmem:s29], [sflag:$0x2] =	stream.linear.gather [hbm4b:s1+s29], $0x2800, $0x38;
	[tilespmem:$0x1EAA0] =	vst v63  }
0xd6: {  	_ =	swait.ge [sflag:s23], $0x2800  }
0xd7: {  	[sflag:s23] =	ssyncset.done $0x0  }
0xd8: {  	[sflag:s23] =	ssyncadd.s32 $0xFFFFD800  }
0xd9: {  	[spmem:s3] =	stream.indirect.scatter.add.f32 [tilespmem:s21], [sflag:$0x4], $0x80, s20, s22, $0xb8;
	[tilespmem:$0x1EAA0] =	vst v63  }
0xda: {  	_ =	swait.ge [sflag:s16], $0x2800  }
0xdb: {  	[sflag:s16] =	ssyncset.done $0x0  }
0xdc: {  	[sflag:s16] =	ssyncadd.s32 $0xFFFFD800  }
0xdd: {  	_ =	swait.ge [sflag:s19], $0x2800  }
0xde: {  	[sflag:s19] =	ssyncset.done $0x0  }
0xdf: {  	[sflag:s19] =	ssyncadd.s32 $0xFFFFD800  }
0xe0: {  	[spmem:s3] =	stream.indirect.scatter.add.f32 [tilespmem:s29], [sflag:$0x4], $0x80, s18, s22, $0xb8;
	[tilespmem:$0x1EAA0] =	vst v63  }
0xe1: {  	_ =	swait.ge [sflag:s16], $0x2800  }
0xe2: {  	[sflag:s16] =	ssyncset.done $0x0  }
0xe3: {  	s30 =	rddreg [dreg:$0x13];
	[sflag:s16] =	ssyncadd.s32 $0xFFFFD800  }
.LBB2_4:
0xe4: {  	[tilespmem:s24], [sflag:$0x1] =	stream.indirect_vreg.gather [spmem:s4], $0x1, v1, vm0, $0xb8;
	[tilespmem:$0x1EAA0] =	vst v63  }
0xe5: {  	_ =	swait.ge [sflag:s25], $0x10  }
0xe6: {  	[sflag:s25] =	ssyncset.done $0x0  }
0xe7: {  	[sflag:s25] =	ssyncadd.s32 $0xFFFFFFF0  }
0xe8: {  	v4 =	vld [tilespmem:$0x5100];
	_ =	sdelay $0x3  }
0xe9: {  	v3 =	vor.u32 s30, v0  }
0xea: {  	vm1 =	vlt.s32 v4, v3  }
0xeb: {  	v4 =	vsel vm1, $0x40000, v2  }
0xec: {  	v5 =	vor.u32 $0x20000, v4  }
0xed: {  	v6 =	vmin.u32 v5, $0x4E200  }
0xee: {  	v6 =	vadd.s32 $0xFFFFFFFF, v6;
	_ =	sdelay $0x4  }
0xef: {  	[tilespmem:s24], [sflag:$0x1] =	stream.indirect_vreg.gather [spmem:s4], $0x1, v6, vm0, $0xb8;
	[tilespmem:$0x1EAA0] =	vst v63  }
0xf0: {  	_ =	swait.ge [sflag:s25], $0x10  }
0xf1: {  	[sflag:s25] =	ssyncset.done $0x0  }
0xf2: {  	[sflag:s25] =	ssyncadd.s32 $0xFFFFFFF0  }
0xf3: {  	v29 =	vld [tilespmem:$0x5100];
	_ =	sdelay $0x4  }
0xf4: {  	vm1 =	vlt.u32 v5, $0x4E201;
	vm2 =	vlt.s32 v29, v3  }
0xf5: {  	vm1 =	vmand vm1, vm2  }
0xf6: {  	v4 =	vsel vm1, v5, v4  }
0xf7: {  	v5 =	vor.u32 $0x10000, v4  }
0xf8: {  	v30 =	vmin.u32 v5, $0x4E200  }
0xf9: {  	v6 =	vadd.s32 $0xFFFFFFFF, v30;
	_ =	sdelay $0x4  }
0xfa: {  	[tilespmem:s24], [sflag:$0x1] =	stream.indirect_vreg.gather [spmem:s4], $0x1, v6, vm0, $0xb8;
	[tilespmem:$0x1EAA0] =	vst v63  }
0xfb: {  	_ =	swait.ge [sflag:s25], $0x10  }
0xfc: {  	[sflag:s25] =	ssyncset.done $0x0  }
0xfd: {  	[sflag:s25] =	ssyncadd.s32 $0xFFFFFFF0  }
0xfe: {  	v31 =	vld [tilespmem:$0x5100];
	_ =	sdelay $0x4  }
0xff: {  	vm1 =	vlt.u32 v5, $0x4E201;
	vm2 =	vlt.s32 v31, v3  }
0x100: {  	vm1 =	vmand vm1, vm2  }
0x101: {  	v4 =	vsel vm1, v5, v4  }
0x102: {  	v5 =	vor.u32 $0x8000, v4  }
0x103: {  	v32 =	vmin.u32 v5, $0x4E200  }
0x104: {  	v6 =	vadd.s32 $0xFFFFFFFF, v32;
	_ =	sdelay $0x4  }
0x105: {  	[tilespmem:s24], [sflag:$0x1] =	stream.indirect_vreg.gather [spmem:s4], $0x1, v6, vm0, $0xb8;
	[tilespmem:$0x1EAA0] =	vst v63  }
0x106: {  	_ =	swait.ge [sflag:s25], $0x10  }
0x107: {  	[sflag:s25] =	ssyncset.done $0x0  }
0x108: {  	[sflag:s25] =	ssyncadd.s32 $0xFFFFFFF0  }
0x109: {  	v33 =	vld [tilespmem:$0x5100];
	_ =	sdelay $0x4  }
0x10a: {  	vm1 =	vlt.u32 v5, $0x4E201;
	vm2 =	vlt.s32 v33, v3  }
0x10b: {  	vm1 =	vmand vm1, vm2  }
0x10c: {  	v4 =	vsel vm1, v5, v4  }
0x10d: {  	v5 =	vadd.s32 $0x4000, v4  }
0x10e: {  	v34 =	vmin.u32 v5, $0x4E200  }
0x10f: {  	v6 =	vadd.s32 $0xFFFFFFFF, v34;
	_ =	sdelay $0x4  }
0x110: {  	[tilespmem:s24], [sflag:$0x1] =	stream.indirect_vreg.gather [spmem:s4], $0x1, v6, vm0, $0xb8;
	[tilespmem:$0x1EAA0] =	vst v63  }
0x111: {  	_ =	swait.ge [sflag:s25], $0x10  }
0x112: {  	[sflag:s25] =	ssyncset.done $0x0  }
0x113: {  	[sflag:s25] =	ssyncadd.s32 $0xFFFFFFF0  }
0x114: {  	v35 =	vld [tilespmem:$0x5100];
	_ =	sdelay $0x4  }
0x115: {  	vm1 =	vlt.u32 v4, $0x4A201;
	vm2 =	vlt.s32 v35, v3  }
0x116: {  	vm1 =	vmand vm1, vm2  }
0x117: {  	v4 =	vsel vm1, v5, v4  }
0x118: {  	v5 =	vadd.s32 $0x2000, v4  }
0x119: {  	v36 =	vmin.u32 v5, $0x4E200  }
0x11a: {  	v6 =	vadd.s32 $0xFFFFFFFF, v36;
	_ =	sdelay $0x4  }
0x11b: {  	[tilespmem:s24], [sflag:$0x1] =	stream.indirect_vreg.gather [spmem:s4], $0x1, v6, vm0, $0xb8;
	[tilespmem:$0x1EAA0] =	vst v63  }
0x11c: {  	_ =	swait.ge [sflag:s25], $0x10  }
0x11d: {  	[sflag:s25] =	ssyncset.done $0x0  }
0x11e: {  	[sflag:s25] =	ssyncadd.s32 $0xFFFFFFF0  }
0x11f: {  	v37 =	vld [tilespmem:$0x5100];
	_ =	sdelay $0x4  }
0x120: {  	vm1 =	vlt.u32 v4, $0x4C201;
	vm2 =	vlt.s32 v37, v3  }
0x121: {  	vm1 =	vmand vm1, vm2  }
0x122: {  	v4 =	vsel vm1, v5, v4  }
0x123: {  	v5 =	vadd.s32 $0x1000, v4  }
0x124: {  	v38 =	vmin.u32 v5, $0x4E200  }
0x125: {  	v6 =	vadd.s32 $0xFFFFFFFF, v38;
	_ =	sdelay $0x4  }
0x126: {  	[tilespmem:s24], [sflag:$0x1] =	stream.indirect_vreg.gather [spmem:s4], $0x1, v6, vm0, $0xb8;
	[tilespmem:$0x1EAA0] =	vst v63  }
0x127: {  	_ =	swait.ge [sflag:s25], $0x10  }
0x128: {  	[sflag:s25] =	ssyncset.done $0x0  }
0x129: {  	[sflag:s25] =	ssyncadd.s32 $0xFFFFFFF0  }
0x12a: {  	v39 =	vld [tilespmem:$0x5100];
	_ =	sdelay $0x4  }
0x12b: {  	vm1 =	vlt.u32 v4, $0x4D201;
	vm2 =	vlt.s32 v39, v3  }
0x12c: {  	vm1 =	vmand vm1, vm2  }
0x12d: {  	v4 =	vsel vm1, v5, v4  }
0x12e: {  	v5 =	vadd.s32 $0x800, v4  }
0x12f: {  	v40 =	vmin.u32 v5, $0x4E200  }
0x130: {  	v6 =	vadd.s32 $0xFFFFFFFF, v40;
	_ =	sdelay $0x4  }
0x131: {  	[tilespmem:s24], [sflag:$0x1] =	stream.indirect_vreg.gather [spmem:s4], $0x1, v6, vm0, $0xb8;
	[tilespmem:$0x1EAA0] =	vst v63  }
0x132: {  	_ =	swait.ge [sflag:s25], $0x10  }
0x133: {  	[sflag:s25] =	ssyncset.done $0x0  }
0x134: {  	[sflag:s25] =	ssyncadd.s32 $0xFFFFFFF0  }
0x135: {  	v41 =	vld [tilespmem:$0x5100];
	_ =	sdelay $0x4  }
0x136: {  	vm1 =	vlt.u32 v4, $0x4DA01;
	vm2 =	vlt.s32 v41, v3  }
0x137: {  	vm1 =	vmand vm1, vm2  }
0x138: {  	v4 =	vsel vm1, v5, v4  }
0x139: {  	v5 =	vadd.s32 $0x400, v4  }
0x13a: {  	v42 =	vmin.u32 v5, $0x4E200  }
0x13b: {  	v6 =	vadd.s32 $0xFFFFFFFF, v42;
	_ =	sdelay $0x4  }
0x13c: {  	[tilespmem:s24], [sflag:$0x1] =	stream.indirect_vreg.gather [spmem:s4], $0x1, v6, vm0, $0xb8;
	[tilespmem:$0x1EAA0] =	vst v63  }
0x13d: {  	_ =	swait.ge [sflag:s25], $0x10  }
0x13e: {  	[sflag:s25] =	ssyncset.done $0x0  }
0x13f: {  	[sflag:s25] =	ssyncadd.s32 $0xFFFFFFF0  }
0x140: {  	v43 =	vld [tilespmem:$0x5100];
	_ =	sdelay $0x4  }
0x141: {  	vm1 =	vlt.u32 v4, $0x4DE01;
	vm2 =	vlt.s32 v43, v3  }
0x142: {  	vm1 =	vmand vm1, vm2  }
0x143: {  	v4 =	vsel vm1, v5, v4  }
0x144: {  	v5 =	vadd.s32 $0x200, v4  }
0x145: {  	v44 =	vmin.u32 v5, $0x4E200  }
0x146: {  	v6 =	vadd.s32 $0xFFFFFFFF, v44;
	_ =	sdelay $0x4  }
0x147: {  	[tilespmem:s24], [sflag:$0x1] =	stream.indirect_vreg.gather [spmem:s4], $0x1, v6, vm0, $0xb8;
	[tilespmem:$0x1EAA0] =	vst v63  }
0x148: {  	_ =	swait.ge [sflag:s25], $0x10  }
0x149: {  	[sflag:s25] =	ssyncset.done $0x0  }
0x14a: {  	[sflag:s25] =	ssyncadd.s32 $0xFFFFFFF0  }
0x14b: {  	v45 =	vld [tilespmem:$0x5100];
	_ =	sdelay $0x4  }
0x14c: {  	vm1 =	vlt.u32 v4, $0x4E001;
	vm2 =	vlt.s32 v45, v3  }
0x14d: {  	vm1 =	vmand vm1, vm2  }
0x14e: {  	v4 =	vsel vm1, v5, v4  }
0x14f: {  	v5 =	vadd.s32 $0x100, v4  }
0x150: {  	v46 =	vmin.u32 v5, $0x4E200  }
0x151: {  	v6 =	vadd.s32 $0xFFFFFFFF, v46;
	_ =	sdelay $0x4  }
0x152: {  	[tilespmem:s24], [sflag:$0x1] =	stream.indirect_vreg.gather [spmem:s4], $0x1, v6, vm0, $0xb8;
	[tilespmem:$0x1EAA0] =	vst v63  }
0x153: {  	_ =	swait.ge [sflag:s25], $0x10  }
0x154: {  	[sflag:s25] =	ssyncset.done $0x0  }
0x155: {  	[sflag:s25] =	ssyncadd.s32 $0xFFFFFFF0  }
0x156: {  	v47 =	vld [tilespmem:$0x5100];
	_ =	sdelay $0x4  }
0x157: {  	vm1 =	vlt.u32 v4, $0x4E101;
	vm2 =	vlt.s32 v47, v3  }
0x158: {  	vm1 =	vmand vm1, vm2  }
0x159: {  	v4 =	vsel vm1, v5, v4  }
0x15a: {  	v5 =	vadd.s32 $0x80, v4  }
0x15b: {  	v48 =	vmin.u32 v5, $0x4E200  }
0x15c: {  	v6 =	vadd.s32 $0xFFFFFFFF, v48;
	_ =	sdelay $0x4  }
0x15d: {  	[tilespmem:s24], [sflag:$0x1] =	stream.indirect_vreg.gather [spmem:s4], $0x1, v6, vm0, $0xb8;
	[tilespmem:$0x1EAA0] =	vst v63  }
0x15e: {  	_ =	swait.ge [sflag:s25], $0x10  }
0x15f: {  	[sflag:s25] =	ssyncset.done $0x0  }
0x160: {  	[sflag:s25] =	ssyncadd.s32 $0xFFFFFFF0  }
0x161: {  	v49 =	vld [tilespmem:$0x5100];
	_ =	sdelay $0x4  }
0x162: {  	vm1 =	vlt.u32 v4, $0x4E181;
	vm2 =	vlt.s32 v49, v3  }
0x163: {  	vm1 =	vmand vm1, vm2  }
0x164: {  	v4 =	vsel vm1, v5, v4  }
0x165: {  	v5 =	vadd.s32 $0x40, v4  }
0x166: {  	v50 =	vmin.u32 v5, $0x4E200  }
0x167: {  	v6 =	vadd.s32 $0xFFFFFFFF, v50;
	_ =	sdelay $0x4  }
0x168: {  	[tilespmem:s24], [sflag:$0x1] =	stream.indirect_vreg.gather [spmem:s4], $0x1, v6, vm0, $0xb8;
	[tilespmem:$0x1EAA0] =	vst v63  }
0x169: {  	_ =	swait.ge [sflag:s25], $0x10  }
0x16a: {  	[sflag:s25] =	ssyncset.done $0x0  }
0x16b: {  	[sflag:s25] =	ssyncadd.s32 $0xFFFFFFF0  }
0x16c: {  	v51 =	vld [tilespmem:$0x5100];
	_ =	sdelay $0x4  }
0x16d: {  	vm1 =	vlt.u32 v4, $0x4E1C1;
	vm2 =	vlt.s32 v51, v3  }
0x16e: {  	vm1 =	vmand vm1, vm2  }
0x16f: {  	v4 =	vsel vm1, v5, v4  }
0x170: {  	v5 =	vadd.s32 $0x20, v4  }
0x171: {  	v52 =	vmin.u32 v5, $0x4E200  }
0x172: {  	v6 =	vadd.s32 $0xFFFFFFFF, v52;
	_ =	sdelay $0x4  }
0x173: {  	[tilespmem:s24], [sflag:$0x1] =	stream.indirect_vreg.gather [spmem:s4], $0x1, v6, vm0, $0xb8;
	[tilespmem:$0x1EAA0] =	vst v63  }
0x174: {  	_ =	swait.ge [sflag:s25], $0x10  }
0x175: {  	[sflag:s25] =	ssyncset.done $0x0  }
0x176: {  	[sflag:s25] =	ssyncadd.s32 $0xFFFFFFF0  }
0x177: {  	v53 =	vld [tilespmem:$0x5100];
	_ =	sdelay $0x4  }
0x178: {  	vm1 =	vlt.u32 v4, $0x4E1E1;
	vm2 =	vlt.s32 v53, v3  }
0x179: {  	vm1 =	vmand vm1, vm2  }
0x17a: {  	v4 =	vsel vm1, v5, v4  }
0x17b: {  	v5 =	vadd.s32 $0x10, v4  }
0x17c: {  	v54 =	vmin.u32 v5, $0x4E200  }
0x17d: {  	v6 =	vadd.s32 $0xFFFFFFFF, v54;
	_ =	sdelay $0x4  }
0x17e: {  	[tilespmem:s24], [sflag:$0x1] =	stream.indirect_vreg.gather [spmem:s4], $0x1, v6, vm0, $0xb8;
	[tilespmem:$0x1EAA0] =	vst v63  }
0x17f: {  	_ =	swait.ge [sflag:s25], $0x10  }
0x180: {  	[sflag:s25] =	ssyncset.done $0x0  }
0x181: {  	[sflag:s25] =	ssyncadd.s32 $0xFFFFFFF0  }
0x182: {  	v55 =	vld [tilespmem:$0x5100];
	_ =	sdelay $0x4  }
0x183: {  	vm1 =	vlt.u32 v4, $0x4E1F1;
	vm2 =	vlt.s32 v55, v3  }
0x184: {  	vm1 =	vmand vm1, vm2  }
0x185: {  	v4 =	vsel vm1, v5, v4  }
0x186: {  	v5 =	vadd.s32 $0x8, v4  }
0x187: {  	v56 =	vmin.u32 v5, $0x4E200  }
0x188: {  	v6 =	vadd.s32 $0xFFFFFFFF, v56;
	_ =	sdelay $0x4  }
0x189: {  	[tilespmem:s24], [sflag:$0x1] =	stream.indirect_vreg.gather [spmem:s4], $0x1, v6, vm0, $0xb8;
	[tilespmem:$0x1EAA0] =	vst v63  }
0x18a: {  	_ =	swait.ge [sflag:s25], $0x10  }
0x18b: {  	[sflag:s25] =	ssyncset.done $0x0  }
0x18c: {  	[sflag:s25] =	ssyncadd.s32 $0xFFFFFFF0  }
0x18d: {  	v57 =	vld [tilespmem:$0x5100];
	_ =	sdelay $0x4  }
0x18e: {  	vm1 =	vlt.u32 v4, $0x4E1F9;
	vm2 =	vlt.s32 v57, v3  }
0x18f: {  	vm1 =	vmand vm1, vm2  }
0x190: {  	v4 =	vsel vm1, v5, v4  }
0x191: {  	v5 =	vadd.s32 $0x4, v4  }
0x192: {  	v58 =	vmin.u32 v5, $0x4E200  }
0x193: {  	v6 =	vadd.s32 $0xFFFFFFFF, v58;
	_ =	sdelay $0x4  }
0x194: {  	[tilespmem:s24], [sflag:$0x1] =	stream.indirect_vreg.gather [spmem:s4], $0x1, v6, vm0, $0xb8;
	[tilespmem:$0x1EAA0] =	vst v63  }
0x195: {  	_ =	swait.ge [sflag:s25], $0x10  }
0x196: {  	[sflag:s25] =	ssyncset.done $0x0  }
0x197: {  	[sflag:s25] =	ssyncadd.s32 $0xFFFFFFF0  }
0x198: {  	v59 =	vld [tilespmem:$0x5100];
	_ =	sdelay $0x4  }
0x199: {  	vm1 =	vlt.u32 v4, $0x4E1FD;
	vm2 =	vlt.s32 v59, v3  }
0x19a: {  	vm1 =	vmand vm1, vm2  }
0x19b: {  	v4 =	vsel vm1, v5, v4  }
0x19c: {  	v5 =	vadd.s32 $0x2, v4  }
0x19d: {  	v60 =	vmin.u32 v5, $0x4E200  }
0x19e: {  	v6 =	vadd.s32 $0xFFFFFFFF, v60;
	_ =	sdelay $0x4  }
0x19f: {  	[tilespmem:s24], [sflag:$0x1] =	stream.indirect_vreg.gather [spmem:s4], $0x1, v6, vm0, $0xb8;
	[tilespmem:$0x1EAA0] =	vst v63  }
0x1a0: {  	_ =	swait.ge [sflag:s25], $0x10  }
0x1a1: {  	[sflag:s25] =	ssyncset.done $0x0  }
0x1a2: {  	[sflag:s25] =	ssyncadd.s32 $0xFFFFFFF0  }
0x1a3: {  	v61 =	vld [tilespmem:$0x5100];
	_ =	sdelay $0x4  }
0x1a4: {  	vm1 =	vlt.u32 v4, $0x4E1FF;
	vm2 =	vlt.s32 v61, v3  }
0x1a5: {  	vm1 =	vmand vm1, vm2  }
0x1a6: {  	v4 =	vsel vm1, v5, v4  }
0x1a7: {  	v5 =	vadd.s32 $0x1, v4  }
0x1a8: {  	v62 =	vmin.u32 v5, $0x4E200  }
0x1a9: {  	v6 =	vadd.s32 $0xFFFFFFFF, v62;
	_ =	sdelay $0x4  }
0x1aa: {  	[tilespmem:s24], [sflag:$0x1] =	stream.indirect_vreg.gather [spmem:s4], $0x1, v6, vm0, $0xb8;
	[tilespmem:$0x1EAA0] =	vst v63  }
0x1ab: {  	_ =	swait.ge [sflag:s25], $0x10  }
0x1ac: {  	[sflag:s25] =	ssyncset.done $0x0  }
0x1ad: {  	[sflag:s25] =	ssyncadd.s32 $0xFFFFFFF0  }
0x1ae: {  	v63 =	vld [tilespmem:$0x5100];
	_ =	sdelay $0x2  }
0x1af: {  	p0 =	sne.s32 s29, $0x500  }
.Ltmp1:
0x1b0: {  	_ = 	snop;
	(pc) =	sbr.rel @p0 .LBB2_4-.Ltmp1, $4  }
0x1b1: {  	vm1 =	vlt.u32 v4, $0x4E200;
	vm2 =	vlt.s32 v63, v3  }
0x1b2: {  	vm1 =	vmand vm1, vm2  }
0x1b3: {  	s1 =	sshra.s32 s29, $0x2;
	v3 =	vsel vm1, v5, v4  }
0x1b4: {  	s30 =	sadd.s32 $0x10, s30;
	s29 =	sadd.s32 $0x40, s29;
	[tilespmem:s1+$0x5180] =	vst v3  }
0x1b5: {  	s13 =	simm.s32 $0x0  }
0x1b6: {  	v3 =	vld [tilespmem:s13+$0x5180]  }
0x1b7: {  	v4 =	vld [tilespmem:s13+$0x5181];
	_ =	sdelay $0x1  }
0x1b8: {  	s29 =	simm.s32 $0x40  }
.LBB2_6:
0x1b9: {  	p0 =	sne.s32 s29, $0x4C0  }
.Ltmp2:
0x1ba: {  	s1 =	sshra.s32 s29, $0x2;
	(pc) =	sbr.rel @p0 .LBB2_6-.Ltmp2, $3  }
0x1bb: {  	s29 =	sadd.s32 $0x40, s29;
	v5 =	vsub.s32 v4, v3;
	v3 =	vld [tilespmem:s1+$0x5180]  }
0x1bc: {  	v4 =	vld [tilespmem:s1+$0x5181];
	v5 =	vcvt.s32.f32 v5;
	_ =	sdelay $0x1  }
0x1bd: {  	[tilespmem:s13+$0x5300] =	vst v5;
	s13 =	smov.u32 s1  }
0x1be: {  	_ =	sdelay $0x1  }
0x1bf: {  	v3 =	vsub.s32 v4, v3  }
0x1c0: {  	v3 =	vcvt.s32.f32 v3  }
0x1c1: {  	s1 =	rddreg [dreg:$0xd]  }
0x1c2: {  	s6 =	simm.s32 $0x80;
	s31 =	simm.s32 $0x400;
	s29 =	simm.s32 $0x5300;
	[tilespmem:s13+$0x5300] =	vst v3  }
0x1c3: {  	[hbm4b:s1+s6] =	stream.strided.scatter [tilespmem:s29], [sflag:$0x4], $0x180, s31, s6, $0x38;
	[tilespmem:$0x1EAA0] =	vst v63  }
0x1c4: {  	_ =	swait.ge [sflag:s16], $0x180  }
0x1c5: {  	[sflag:s16] =	ssyncset.done $0x0  }
0x1c6: {  	[sflag:s16] =	ssyncadd.s32 $0xFFFFFE80  }
0x1c7: {  	[bflag:$0x0] =	sbarrier.arrive $0xFFFF  }
0x1c8: {  	s30 =	rddreg [dreg:$0xe]  }
0x1c9: {  	[hbm:s30], [sflag:s8] =	dma.local [spmem:s28], $0x2800  }
0x1ca: {  	_ =	swait.ge [sflag:s16], $0x2800  }
0x1cb: {  	s26 =	sadd.s32 $0x1, s26;
	s31 =	rddreg [dreg:$0xf]  }
0x1cc: {  	p0 =	sne.s32 s26, s31  }
.Ltmp3:
0x1cd: {  	_ = 	snop;
	(pc) =	sbr.rel @p0 .LBB2_1-.Ltmp3, $3  }
0x1ce: {  	_ =	sdelay $0x1  }
0x1cf: {  	[sflag:s16] =	ssyncset.done $0x0  }
0x1d0: {  	[sflag:s16] =	ssyncadd.s32 $0xFFFFD800  }
0x1d1: {  	_ =	sfence.sel $0x180000  }
0x1d2: {  	[bflag:$0x0] =	sbarrier.arrive $0xFFFF  }
0x1d3: {  	_ =	strace $0x90000047  }
0x1d4: {  	s0 =	stileid.u32;
	[bflag:$0x2] =	sbarrier.arrive $0xFFFF  }
0x1d5: {  	p0 =	sne.s32 s0, $0x0;
	s0 =	rddreg [dreg:$0x6]  }
0x1d6: {  	s0 =	sadd.s32 @!p0 $0x100000, s0  }
0x1d7: {  	[sflag:s0] =	ssyncadd.tile.s32 @!p0 $0x1;
	_ =	shalt  }
.Lfunc_end2:
_tile_overlayer_lowered:
.L_overlay_start_2:
0x1d8: {  	(tag) =	ssettag $0x2  }
0x1d9: {  	s0 =	rddreg [dreg:$0x0];
	s2 =	stileid.u32  }
0x1da: {  	s1 =	rddreg [dreg:$0x1];
	p0 =	sne.s32 s2, $0x0  }
0x1db: {  	s3 =	rddreg [dreg:$0x2];
	[bflag:$0x3] =	sbarrier.arrive $0xFFFF;
	s2 =	simm.s32 @!p0 $0x1C04  }
0x1dc: {  	[timem:s3], [sflag:s2] =	dma.local @!p0 [hbm:s0], s1  }
0x1dd: {  	s0 =	simm.s32 @!p0 $0x4  }
0x1de: {  	_ =	swait.ge @!p0 [sflag:s0], s1  }
0x1df: {  	s1 =	ssub.s32 @!p0 $0x0, s1;
	[sflag:s0] =	ssyncset.done @!p0 $0x0  }
0x1e0: {  	[sflag:s0] =	ssyncadd.s32 @!p0 s1  }
0x1e1: {  	[bflag:$0x3] =	sbarrier.arrive $0xFFFF  }
0x1e2: {  	_ =	shalt  }

// kernel: kernel.8.cloned.1.call-start
scs
__scs_entry_jumppad:
0x0: {  	(pc) =	sbr.rel $0x88, $3  }
0x1: {  	(tag) =	ssettag $0x0;
	lr =	simm.s32 $0x1  }
0x2: {  	[smem:$0x3F9F] =	sst lr;
	_ =	strace $0xD0000000  }
0x3: {  	_ = 	snop  }
0x4: {  	_ = 	snop  }
0x5: {  	_ = 	snop  }
0x6: {  	_ = 	snop  }
0x7: {  	_ = 	snop  }
__scs_overlays_trampoline_lowered:
0x8: {  	[smem:$0x3FAE] =	sst s0  }
0x9: {  	[smem:$0x3FAF] =	sst s1  }
0xa: {  	[smem:$0x3FB0] =	sst s2  }
0xb: {  	[smem:$0x3FB1] =	sst s3  }
0xc: {  	[smem:$0x3FB2] =	sst s4  }
0xd: {  	[smem:$0x3FB3] =	sst s5  }
0xe: {  	[smem:$0x3FB4] =	sst s6  }
0xf: {  	[smem:$0x3FB5] =	sst s7  }
0x10: {  	[smem:$0x3FB6] =	sst s8  }
0x11: {  	[smem:$0x3FB7] =	sst s9;
	s0 =	simm.s32 @!p0 $0x0  }
0x12: {  	s1 =	sld [smem:$0x3F9D];
	s0 =	simm.s32 @p0 $0x1  }
0x13: {  	[smem:$0x3FB8] =	sst s0;
	s0 =	simm.s32 @!p1 $0x0  }
0x14: {  	s2 =	sld [smem:$0x3F9C];
	s0 =	simm.s32 @p1 $0x1  }
0x15: {  	[smem:$0x3FB9] =	sst s0;
	s0 =	simm.s32 @!p2 $0x0  }
0x16: {  	s3 =	sld [smem:$0x3FDB];
	s0 =	simm.s32 @p2 $0x1  }
0x17: {  	s4 =	simm.s32 $0x1BF5;
	[smem:$0x3FBB] =	sst s0  }
0x18: {  	s0 =	sld [smem:$0x3F9E];
	_ =	swait.ge [sflag:s4], $0x0  }
0x19: {  	s7 =	sld [smem:$0x3F9F]  }
0x1a: {  	s8 =	sadd.s32 $0xFFFFE003, lr  }
0x1b: {  	s9 =	sadd.s32 $0xFFFFFEF7, lr;
	s5 =	simm.s32 $0xFFFFFFFF;
	p2 =	slt.u32 s8, $0xFFFFF086  }
0x1c: {  	p1 =	slt.u32 s9, $0xF7A;
	s5 =	simm.s32 @!p2 $0x0  }
0x1d: {  	s5 =	simm.s32 @p1 $0x1;
	p0 =	seq.s32 s7, s2  }
0x1e: {  	s7 =	smul.u32 @!p0 $0xF7A, s2;
	p2 =	seq.s32 @!p0 s5, $0x0  }
0x1f: {  	s9 =	smul.u32 $0xF7A, s1;
	s8 =	simm.s32 @!p0 $0x1BF5;
	p2 =	por !p2, p0  }
0x20: {  	[sflag:s8] =	ssyncset.s32 @!p0 $0xFFFFF086;
	s6 =	sadd.s32 @!p0 s3, s7;
	s7 =	simm.s32 @!p0 $0x108  }
0x21: {  	s3 =	sadd.s32 s3, s9;
	s6 =	sadd.s32 @!p0 $0x88, s6;
	s7 =	simm.s32 @p2 $0x1082  }
0x22: {  	[simem:s7], [sflag:s8] =	dma.local @!p0 [hbm:s6], $0xF7A  }
0x23: {  	s9 =	sor.u32 $0xD0000000, s2;
	s6 =	simm.s32 $0x108;
	_ =	swait.ge @!p0 [sflag:s8], $0x0  }
0x24: {  	s3 =	sadd.s32 $0x88, s3;
	s6 =	simm.s32 @!p1 $0x1082;
	[sflag:s4] =	ssyncset.s32 $0xFFFFF086  }
0x25: {  	[simem:s6], [sflag:s4] =	dma.local [hbm:s3], $0xF7A  }
0x26: {  	[smem:$0x3F9F] =	sst s1;
	(tag) =	ssettag s2;
	_ =	strace s9  }
0x27: {  	s1 =	sld [smem:$0x3FAF]  }
0x28: {  	s2 =	sld [smem:$0x3FB0]  }
0x29: {  	s4 =	sld [smem:$0x3FB2]  }
0x2a: {  	p0 =	seq.s32 s5, $0x0;
	s5 =	sld [smem:$0x3FB3]  }
0x2b: {  	s6 =	sld [smem:$0x3FB4]  }
0x2c: {  	s7 =	sld [smem:$0x3FB5]  }
0x2d: {  	s3 =	simm.s32 $0x108;
	s8 =	sld [smem:$0x3FB6]  }
0x2e: {  	s3 =	simm.s32 @!p0 $0x1082;
	s9 =	sld [smem:$0x3FB7]  }
0x2f: {  	lr =	sadd.s32 s0, s3;
	s0 =	sld [smem:$0x3FAE]  }
0x30: {  	s3 =	sld [smem:$0x3FB1]  }
0x31: {  	[smem:$0x3FBA] =	sst s10  }
0x32: {  	s10 =	sld [smem:$0x3FB8];
	_ =	sdelay $0x3  }
0x33: {  	p0 =	seq.s32 s10, $0x1;
	s10 =	sld [smem:$0x3FBA];
	_ =	sdelay $0x3  }
0x34: {  	[smem:$0x3FBA] =	sst s10  }
0x35: {  	s10 =	sld [smem:$0x3FB9];
	_ =	sdelay $0x3  }
0x36: {  	p1 =	seq.s32 s10, $0x1;
	s10 =	sld [smem:$0x3FBA];
	_ =	sdelay $0x3  }
0x37: {  	[smem:$0x3FBA] =	sst s10  }
0x38: {  	s10 =	sld [smem:$0x3FBB]  }
0x39: {  	_ = 	snop;
	(pc) =	sbr.ind lr, $3  }
0x3a: {  	_ = 	snop  }
0x3b: {  	_ = 	snop  }
0x3c: {  	p2 =	seq.s32 s10, $0x1;
	s10 =	sld [smem:$0x3FBA]  }
0x3d: {  	_ =	shalt  }
0x3e: {  	_ =	shalt  }
0x3f: {  	_ =	shalt  }
0x40: {  	_ =	shalt  }
0x41: {  	_ =	shalt  }
0x42: {  	_ =	shalt  }
0x43: {  	_ =	shalt  }
0x44: {  	_ =	shalt  }
0x45: {  	_ =	shalt  }
0x46: {  	_ =	shalt  }
0x47: {  	_ =	shalt  }
0x48: {  	_ =	shalt  }
0x49: {  	_ =	shalt  }
0x4a: {  	_ =	shalt  }
0x4b: {  	_ =	shalt  }
0x4c: {  	_ =	shalt  }
0x4d: {  	_ =	shalt  }
0x4e: {  	_ =	shalt  }
0x4f: {  	_ =	shalt  }
0x50: {  	_ =	shalt  }
0x51: {  	_ =	shalt  }
0x52: {  	_ =	shalt  }
0x53: {  	_ =	shalt  }
0x54: {  	_ =	shalt  }
0x55: {  	_ =	shalt  }
0x56: {  	_ =	shalt  }
0x57: {  	_ =	shalt  }
0x58: {  	_ =	shalt  }
0x59: {  	_ =	shalt  }
0x5a: {  	_ =	shalt  }
0x5b: {  	_ =	shalt  }
0x5c: {  	_ =	shalt  }
0x5d: {  	_ =	shalt  }
0x5e: {  	_ =	shalt  }
0x5f: {  	_ =	shalt  }
0x60: {  	_ =	shalt  }
0x61: {  	_ =	shalt  }
0x62: {  	_ =	shalt  }
0x63: {  	_ =	shalt  }
0x64: {  	_ =	shalt  }
0x65: {  	_ =	shalt  }
0x66: {  	_ =	shalt  }
0x67: {  	_ =	shalt  }
0x68: {  	_ =	shalt  }
0x69: {  	_ =	shalt  }
0x6a: {  	_ =	shalt  }
0x6b: {  	_ =	shalt  }
0x6c: {  	_ =	shalt  }
0x6d: {  	_ =	shalt  }
0x6e: {  	_ =	shalt  }
0x6f: {  	_ =	shalt  }
0x70: {  	_ =	shalt  }
0x71: {  	_ =	shalt  }
0x72: {  	_ =	shalt  }
0x73: {  	_ =	shalt  }
0x74: {  	_ =	shalt  }
0x75: {  	_ =	shalt  }
0x76: {  	_ =	shalt  }
0x77: {  	_ =	shalt  }
0x78: {  	_ =	shalt  }
0x79: {  	_ =	shalt  }
0x7a: {  	_ =	shalt  }
0x7b: {  	_ =	shalt  }
0x7c: {  	_ =	shalt  }
0x7d: {  	_ =	shalt  }
0x7e: {  	_ =	shalt  }
0x7f: {  	_ =	shalt  }
0x80: {  	_ =	shalt  }
0x81: {  	_ =	shalt  }
0x82: {  	_ =	shalt  }
0x83: {  	_ =	shalt  }
0x84: {  	_ =	shalt  }
0x85: {  	_ =	shalt  }
0x86: {  	_ =	shalt  }
0x87: {  	_ =	shalt  }
.Lfunc_end0:
.L_simem_size_0:
called_computation.1_lowered:
.L_overlay_start_0:
0x88: {  	s2 =	sld [smem:$0x3FD9]  }
0x89: {  	s3 =	sld [smem:$0x3FFE];
	_ =	sdelay $0x1  }
0x8a: {  	s1 =	srdreg.scid  }
0x8b: {  	s0 =	sand.u32 $0x1, s1  }
0x8c: {  	s17 =	sshll.u32 s0, $0xA;
	s2 =	sadd.s32 s3, s2  }
0x8d: {  	s2 =	sadd.s32 s2, s17  }
0x8e: {  	[smem:$0x3FC6] =	sst s2  }
0x8f: {  	_ = 	snop  }
0x90: {  	s2 =	sld [smem:$0x3FC9]  }
0x91: {  	s18 =	sld [smem:$0x3FC8]  }
0x92: {  	s4 =	sld [smem:$0x3FD0];
	(tm) =	ssettm $0x1  }
0x93: {  	s5 =	sld [smem:$0x3FFB];
	_ =	sdelay $0x3  }
0x94: {  	_ =	strace s5  }
0x95: {  	s5 =	sld [smem:$0x3FFC];
	_ =	sdelay $0x3  }
0x96: {  	_ =	strace s5  }
0x97: {  	s5 =	sld [smem:$0x3FFD];
	_ =	sdelay $0x3  }
0x98: {  	_ =	strace s5  }
0x99: {  	_ =	strace $0x8FFFFFFF  }
0x9a: {  	s19 =	sld [smem:$0x3FDB];
	_ =	sdelay $0x1  }
0x9b: {  	s6 =	simm.s32 $_scs_section_size  }
0x9c: {  	s7 =	simm.s32 $_size__tile_overlayer_lowered;
	s8 =	simm.s32 $_tile_overlayer_lowered  }
0x9d: {  	s22 =	simm.s32 $0x1BFF;
	s21 =	sshll.u32 s8, $0x1;
	s5 =	sadd.s32 s6, s19  }
0x9e: {  	s9 =	simm.s32 $0x0;
	s20 =	sshll.u32 s7, $0x1;
	s7 =	sadd.s32 s21, s5  }
0x9f: {  	[timem:s9], [sflag:s22] =	dma.local [hbm:s7], s20  }
0xa0: {  	_ =	swait.ge [sflag:s22], s20  }
0xa1: {  	s6 =	ssub.s32 $0x0, s20;
	[sflag:s22] =	ssyncset.done $0x0  }
0xa2: {  	[sflag:s22] =	ssyncadd.s32 s6;
	_ =	sdelay $0x1  }
0xa3: {  	s23 =	simm.s32 $0x1B8B  }
0xa4: {  	_ =	swait.ge [sflag:s23], $0x1  }
0xa5: {  	[sflag:s23] =	ssyncset.done $0x0  }
0xa6: {  	s25 =	simm.s32 $0x1B8E;
	s24 =	sld [smem:$0x3FFE];
	[sflag:s23] =	ssyncadd.s32 $0xFFFFFFFF  }
0xa7: {  	s26 =	simm.s32 $execute0_lowered;
	[smem:$0x3FD2] =	sst s25  }
0xa8: {  	s7 =	sshll.u32 s26, $0x1;
	_ =	strace $0x80000049;
	[dreg:$0x1] =	wrdreg $0xFFFFFFFF  }
0xa9: {  	s28 =	simm.s32 $_size_execute0_lowered;
	s5 =	sadd.s32 s5, s7;
	[dreg:$0x0] =	wrdreg $0x0  }
0xaa: {  	s7 =	sshll.u32 s28, $0x1;
	[dreg:$0x2] =	wrdreg s5  }
0xab: {  	[dreg:$0x3] =	wrdreg s7  }
0xac: {  	[dreg:$0x4] =	wrdreg $0xC0  }
0xad: {  	_ =	task [dreg:s9], $0x5FFFF  }
0xae: {  	[dreg:$0x1] =	wrdreg $0xFFFFFFFF  }
0xaf: {  	[dreg:$0x0] =	wrdreg $0x60  }
0xb0: {  	[dreg:$0x2] =	wrdreg s2  }
0xb1: {  	[dreg:$0x3] =	wrdreg s18  }
0xb2: {  	[dreg:$0x4] =	wrdreg s24  }
0xb3: {  	[dreg:$0x5] =	wrdreg s4  }
0xb4: {  	[dreg:$0x6] =	wrdreg $0x9  }
0xb5: {  	_ =	task.clear_ibuf [dreg:s9], $0x7FFFF;
	_ =	strace $0x90000049  }
0xb6: {  	s29 =	simm.s32 $0x9;
	_ =	strace $0x8000004B  }
0xb7: {  	_ =	swait.ge [sflag:s29], $0x1  }
0xb8: {  	[sflag:s29] =	ssyncadd.s32 $0xFFFFFFFF  }
0xb9: {  	_ =	strace $0x9000004B  }
0xba: {  	_ =	sfence  }
0xbb: {  	s30 =	sld [smem:$0x0];
	_ =	sdelay $0x2  }
0xbc: {  	s31 =	sshll.u32 s1, $0xD;
	s1 =	sshrl.u32 s1, $0x2  }
0xbd: {  	s3 =	sand.u32 $0x4000, s31;
	s1 =	sadd.s32 s1, s30  }
0xbe: {  	s0 =	sor.u32 s3, s0;
	s1 =	sshll.u32 s1, $0x11  }
0xbf: {  	s0 =	sor.u32 s1, s0  }
0xc0: {  	s0 =	sadd.s32 $0x8F2B, s0  }
0xc1: {  	[sflag:s0] =	ssyncadd.remote.s32 $0x1  }
0xc2: {  	_ =	sfence.sel $0xFFFF  }
0xc3: {  	[dreg:$0x0] =	wrdreg $0xFFFFFFFF;
	(pc) =	sbr.abs _section_cstart, $3  }
0xc4: {  	[dreg:$0x1] =	wrdreg $0xFFFFFFFF  }
0xc5: {  	_ =	task.clear_ibuf [dreg:s9], $0x2FFFF;
	_ =	strace $0x9FFFFFFF  }
0xc6: {  	(tm) =	ssettm $0x7FFFFFFF  }
0xc7: {  	_ =	shalt  }
tec
execute0_lowered:
.L_overlay_start_1:
0x0: {  	(tag) =	ssettag $0x1  }
0x1: {  	s0 =	rddreg [dreg:$0x0]  }
0x2: {  	s1 =	rddreg [dreg:$0x1]  }
0x3: {  	s2 =	srdreg.scid;
	s3 =	rddreg [dreg:$0x2]  }
0x4: {  	s4 =	rddreg [dreg:$0x3];
	s7 =	stileid.u32;
	s5 =	simm.s32 $0x0  }
0x5: {  	s17 =	simm.s32 $0xF000;
	s18 =	simm.s32 $0x7;
	s19 =	simm.s32 $0x50  }
0x6: {  	s28 =	simm.s32 $0x2;
	s29 =	simm.s32 $0x4;
	s2 =	sand.u32 $0x1, s2  }
0x7: {  	s30 =	simm.s32 $0xC800;
	s31 =	simm.s32 $0x5;
	s6 =	sshll.u32 s2, $0x4  }
0x8: {  	[smem:$0x7FF] =	sst s5;
	s2 =	ssub.s32 $0x2, s2;
	s8 =	sor.u32 s7, s6  }
0x9: {  	_ =	strace $0x8000004A;
	s20 =	sshrl.u32 s2, $0x1;
	s6 =	smul.u32 $0x2710, s8  }
0xa: {  	s7 =	sadd.s32 $0x1000, s3;
	s2 =	ssub.s32 s2, s20;
	s10 =	smul.u32 $0x27100, s8  }
0xb: {  	s22 =	smul.u32 $0x138800, s8;
	s20 =	simm.s32 $0x5000;
	s2 =	smax.u32 s2, $0x1  }
0xc: {  	s21 =	sshrl.u32 s6, $0x3;
	s9 =	sadd.s32 $0x50, s6;
	s23 =	sadd.s32 s0, s10  }
0xd: {  	s13 =	sadd.s32 $0xA0, s6;
	s14 =	sadd.s32 $0xF0, s6;
	[dreg:$0xa] =	wrdreg s2  }
0xe: {  	s2 =	simm.s32 $0x6;
	s3 =	sadd.s32 s1, s21;
	[dreg:$0x6] =	wrdreg s23  }
0xf: {  	s24 =	sshrl.u32 s9, $0x3;
	s25 =	sshll.u32 s9, $0x4;
	s21 =	simm.s32 $0xF080  }
0x10: {  	s23 =	simm.s32 $0x7800;
	[dreg:$0x5] =	wrdreg s3;
	s8 =	sadd.s32 s1, s24  }
0x11: {  	s26 =	sadd.s32 s0, s25;
	s3 =	sshrl.u32 s22, $0x3;
	s22 =	simm.s32 $0x2800  }
0x12: {  	s24 =	simm.s32 $0x1;
	[dreg:$0x7] =	wrdreg s8;
	s3 =	sadd.s32 s4, s3  }
0x13: {  	s25 =	simm.s32 $0x3;
	[dreg:$0x8] =	wrdreg s26;
	s3 =	sadd.s32 $0x26C00, s3  }
0x14: {  	s26 =	simm.s32 $0xA000;
	[dreg:$0x9] =	wrdreg s3;
	s3 =	simm.s32 $0x0  }
.LBB2_1:
0x15: {  	s8 =	rddreg [dreg:$0x5]  }
0x16: {  	[tilespmem:s17], [sflag:$0x7] =	stream.linear.gather [hbm4b:s8+s5], $0x50, $0x38;
	[tilespmem:$0xF100] =	vst v63  }
0x17: {  	_ =	swait.ge [sflag:s18], $0x50  }
0x18: {  	[sflag:s18] =	ssyncset.done $0x0  }
0x19: {  	s12 =	rddreg [dreg:$0x6];
	[sflag:s18] =	ssyncadd.s32 $0xFFFFFFB0  }
0x1a: {  	[tilespmem:s5], [sflag:$0x1] =	stream.linear.gather [hbm4b:s12+s5], $0x2800, $0x38;
	[tilespmem:$0xF100] =	vst v63  }
0x1b: {  	_ = 	snop  }
0x1c: {  	[tilespmem:s20], [sflag:$0x3] =	stream.indirect.gather [hbm4b:s7+s19], $0x80, s17, s19, $0xb8;
	[tilespmem:$0xF100] =	vst v63  }
0x1d: {  	s15 =	rddreg [dreg:$0x7]  }
0x1e: {  	[tilespmem:s21], [sflag:$0x7] =	stream.linear.gather [hbm4b:s15+s5], $0x50, $0x38;
	[tilespmem:$0xF100] =	vst v63  }
0x1f: {  	_ =	swait.ge [sflag:s18], $0x50  }
0x20: {  	[sflag:s18] =	ssyncset.done $0x0  }
0x21: {  	s16 =	rddreg [dreg:$0x8];
	[sflag:s18] =	ssyncadd.s32 $0xFFFFFFB0  }
0x22: {  	[tilespmem:s22], [sflag:$0x2] =	stream.linear.gather [hbm4b:s16+s5], $0x2800, $0x38;
	[tilespmem:$0xF100] =	vst v63  }
0x23: {  	s8 =	simm.s32 $0x0  }
0x24: {  	[tilespmem:s23], [sflag:$0x4] =	stream.indirect.gather [hbm4b:s7+s19], $0x80, s21, s19, $0xb8;
	[tilespmem:$0xF100] =	vst v63  }
.LBB2_2:
0x25: {  	_ =	swait.ge [sflag:s24], $0x2800  }
0x26: {  	[sflag:s24] =	ssyncset.done $0x0  }
0x27: {  	[sflag:s24] =	ssyncadd.s32 $0xFFFFD800  }
0x28: {  	_ =	swait.ge [sflag:s25], $0x2800  }
0x29: {  	p0 =	seq.s32 s8, $0x0;
	[sflag:s25] =	ssyncset.done $0x0  }
0x2a: {  	s10 =	simm.s32 @!p0 $0x5;
	[sflag:s25] =	ssyncadd.s32 $0xFFFFD800  }
0x2b: {  	_ =	swait.ge @!p0 [sflag:s10], $0x2800  }
0x2c: {  	[sflag:s10] =	ssyncset.done @!p0 $0x0  }
0x2d: {  	s11 =	simm.s32 $0x0;
	[sflag:s10] =	ssyncadd.s32 @!p0 $0xFFFFD800  }
0x2e: {  	v0 =	vld [tilespmem:s11+$0x70]  }
0x2f: {  	v1 =	vld [tilespmem:s11+$0x5070]  }
0x30: {  	v2 =	vld [tilespmem:s11+$0x0]  }
0x31: {  	v3 =	vld [tilespmem:s11+$0x5000]  }
0x32: {  	v4 =	vld [tilespmem:s11+$0x10]  }
0x33: {  	v5 =	vld [tilespmem:s11+$0x5010]  }
0x34: {  	v6 =	vld [tilespmem:s11+$0x20]  }
0x35: {  	v7 =	vld [tilespmem:s11+$0x30]  }
0x36: {  	v0 =	vsub.f32 v0, v1;
	v1 =	vld [tilespmem:s11+$0x5020]  }
0x37: {  	v8 =	vld [tilespmem:s11+$0x5030]  }
0x38: {  	v9 =	vld [tilespmem:s11+$0x5040]  }
0x39: {  	[tilespmem:s11+$0xA070] =	vst v0;
	v0 =	vsub.f32 v4, v5;
	v5 =	vld [tilespmem:s11+$0x40]  }
0x3a: {  	v2 =	vsub.f32 v2, v3;
	v3 =	vld [tilespmem:s11+$0x5050]  }
0x3b: {  	[tilespmem:s11+$0xA010] =	vst v0;
	v0 =	vsub.f32 v6, v1;
	v1 =	vld [tilespmem:s11+$0x50]  }
0x3c: {  	s10 =	smul.u32 $0xA0, s8;
	[tilespmem:s11+$0xA000] =	vst v2;
	v4 =	vld [tilespmem:s11+$0x5060];
	v6 =	vsub.f32 v7, v8  }
0x3d: {  	s15 =	simm.s32 $0x80;
	[tilespmem:s11+$0xA020] =	vst v0;
	v0 =	vld [tilespmem:s11+$0x60]  }
0x3e: {  	s16 =	simm.s32 $0x400;
	s12 =	sadd.s32 s6, s10;
	v5 =	vsub.f32 v5, v9;
	v2 =	vld [tilespmem:s15+$0x70];
	[tilespmem:s11+$0xA030] =	vst v6  }
.LBB2_3:
0x3f: {  	p1 =	sne.s32 s16, $0x9E00;
	v6 =	vld [tilespmem:s15+$0x5070]  }
0x40: {  	v7 =	vld [tilespmem:s15+$0x0];
	[tilespmem:s11+$0xA040] =	vst v5;
	v1 =	vsub.f32 v1, v3  }
0x41: {  	v3 =	vld [tilespmem:s15+$0x5000]  }
0x42: {  	v5 =	vld [tilespmem:s15+$0x10];
	[tilespmem:s11+$0xA050] =	vst v1;
	v0 =	vsub.f32 v0, v4  }
0x43: {  	v1 =	vld [tilespmem:s15+$0x5010]  }
0x44: {  	v4 =	vld [tilespmem:s15+$0x20];
	v2 =	vsub.f32 v2, v6;
	[tilespmem:s11+$0xA060] =	vst v0;
	s11 =	smov.u32 s15  }
0x45: {  	v0 =	vld [tilespmem:s11+$0x5020]  }
0x46: {  	v3 =	vsub.f32 v7, v3;
	v6 =	vld [tilespmem:s11+$0x30];
	[tilespmem:s11+$0xA070] =	vst v2  }
0x47: {  	v2 =	vld [tilespmem:s11+$0x5030]  }
0x48: {  	[tilespmem:s11+$0xA000] =	vst v3;
	v1 =	vsub.f32 v5, v1;
	v5 =	vld [tilespmem:s11+$0x40]  }
0x49: {  	v7 =	vld [tilespmem:s11+$0x5040]  }
.Ltmp0:
0x4a: {  	[tilespmem:s11+$0xA010] =	vst v1;
	v0 =	vsub.f32 v4, v0;
	v1 =	vld [tilespmem:s11+$0x50];
	(pc) =	sbr.rel @p1 .LBB2_3-.Ltmp0, $4  }
0x4b: {  	v3 =	vld [tilespmem:s11+$0x5050]  }
0x4c: {  	[tilespmem:s11+$0xA020] =	vst v0;
	v6 =	vsub.f32 v6, v2;
	v0 =	vld [tilespmem:s11+$0x60]  }
0x4d: {  	s15 =	sshra.s32 s16, $0x2;
	v4 =	vld [tilespmem:s11+$0x5060]  }
0x4e: {  	s16 =	sadd.s32 $0x200, s16;
	v2 =	vld [tilespmem:s15+$0x70];
	[tilespmem:s11+$0xA030] =	vst v6;
	v5 =	vsub.f32 v5, v7  }
0x4f: {  	v6 =	vld [tilespmem:s15+$0x5070]  }
0x50: {  	v7 =	vld [tilespmem:s15+$0x0];
	[tilespmem:s11+$0xA040] =	vst v5;
	v1 =	vsub.f32 v1, v3  }
0x51: {  	v3 =	vld [tilespmem:s15+$0x5000]  }
0x52: {  	v5 =	vld [tilespmem:s15+$0x10];
	[tilespmem:s11+$0xA050] =	vst v1;
	v0 =	vsub.f32 v0, v4  }
0x53: {  	v1 =	vld [tilespmem:s15+$0x5010]  }
0x54: {  	v4 =	vld [tilespmem:s15+$0x20];
	[tilespmem:s11+$0xA060] =	vst v0  }
0x55: {  	v0 =	vsub.f32 v2, v6;
	v2 =	vld [tilespmem:s15+$0x5020]  }
0x56: {  	v6 =	vld [tilespmem:s15+$0x30]  }
0x57: {  	v3 =	vsub.f32 v7, v3;
	[tilespmem:s15+$0xA070] =	vst v0;
	v0 =	vld [tilespmem:s15+$0x5030]  }
0x58: {  	v7 =	vld [tilespmem:s15+$0x5060]  }
0x59: {  	[tilespmem:s15+$0xA000] =	vst v3;
	v1 =	vsub.f32 v5, v1;
	v3 =	vld [tilespmem:s15+$0x40]  }
0x5a: {  	v5 =	vld [tilespmem:s15+$0x5040]  }
0x5b: {  	[tilespmem:s15+$0xA010] =	vst v1;
	v1 =	vsub.f32 v4, v2;
	v2 =	vld [tilespmem:s15+$0x50]  }
0x5c: {  	v4 =	vld [tilespmem:s15+$0x5050]  }
0x5d: {  	[tilespmem:s15+$0xA020] =	vst v1;
	v1 =	vld [tilespmem:s15+$0x60];
	_ =	sdelay $0x1  }
0x5e: {  	v0 =	vsub.f32 v6, v0  }
0x5f: {  	v3 =	vsub.f32 v3, v5  }
0x60: {  	[tilespmem:s15+$0xA030] =	vst v0;
	v0 =	vsub.f32 v2, v4  }
0x61: {  	[tilespmem:s15+$0xA040] =	vst v3;
	v1 =	vsub.f32 v1, v7  }
0x62: {  	s12 =	sshll.u32 s12, $0x4;
	[tilespmem:s15+$0xA050] =	vst v0  }
0x63: {  	s11 =	sadd.s32 s4, s12;
	[tilespmem:s15+$0xA060] =	vst v1;
	s15 =	sadd.s32 s10, s13  }
0x64: {  	[hbm4b:s11+s5] =	stream.linear.scatter [tilespmem:s26], [sflag:$0x5], $0x2800, $0x38;
	[tilespmem:$0xF100] =	vst v63  }
0x65: {  	s16 =	sshrl.u32 s15, $0x3  }
0x66: {  	s12 =	sadd.s32 s1, s16  }
0x67: {  	[tilespmem:s17], [sflag:$0x7] =	stream.linear.gather [hbm4b:s12+s5], $0x50, $0x38;
	[tilespmem:$0xF100] =	vst v63  }
0x68: {  	_ =	swait.ge [sflag:s18], $0x50  }
0x69: {  	s11 =	sshll.u32 s15, $0x4;
	[sflag:s18] =	ssyncset.done $0x0  }
0x6a: {  	s11 =	sadd.s32 s0, s11;
	[sflag:s18] =	ssyncadd.s32 $0xFFFFFFB0  }
0x6b: {  	[tilespmem:s5], [sflag:$0x1] =	stream.linear.gather [hbm4b:s11+s5], $0x2800, $0x38;
	[tilespmem:$0xF100] =	vst v63  }
0x6c: {  	_ = 	snop  }
0x6d: {  	[tilespmem:s20], [sflag:$0x3] =	stream.indirect.gather [hbm4b:s7+s19], $0x80, s17, s19, $0xb8;
	[tilespmem:$0xF100] =	vst v63  }
0x6e: {  	_ =	swait.ge [sflag:s28], $0x2800  }
0x6f: {  	[sflag:s28] =	ssyncset.done $0x0  }
0x70: {  	[sflag:s28] =	ssyncadd.s32 $0xFFFFD800  }
0x71: {  	_ =	swait.ge [sflag:s29], $0x2800  }
0x72: {  	[sflag:s29] =	ssyncset.done $0x0  }
0x73: {  	s11 =	simm.s32 @!p0 $0x6;
	[sflag:s29] =	ssyncadd.s32 $0xFFFFD800  }
0x74: {  	_ =	swait.ge @!p0 [sflag:s11], $0x2800  }
0x75: {  	[sflag:s11] =	ssyncset.done @!p0 $0x0  }
0x76: {  	[sflag:s11] =	ssyncadd.s32 @!p0 $0xFFFFD800;
	s11 =	simm.s32 $0x0  }
0x77: {  	v0 =	vld [tilespmem:s11+$0x2870]  }
0x78: {  	v1 =	vld [tilespmem:s11+$0x7870]  }
0x79: {  	v2 =	vld [tilespmem:s11+$0x2800]  }
0x7a: {  	v3 =	vld [tilespmem:s11+$0x7800]  }
0x7b: {  	v4 =	vld [tilespmem:s11+$0x2810]  }
0x7c: {  	v5 =	vld [tilespmem:s11+$0x7810]  }
0x7d: {  	v6 =	vld [tilespmem:s11+$0x2820]  }
0x7e: {  	v7 =	vld [tilespmem:s11+$0x2830]  }
0x7f: {  	v0 =	vsub.f32 v0, v1;
	v1 =	vld [tilespmem:s11+$0x7820]  }
0x80: {  	v8 =	vld [tilespmem:s11+$0x7830]  }
0x81: {  	v9 =	vld [tilespmem:s11+$0x7840];
	v2 =	vsub.f32 v2, v3  }
0x82: {  	[tilespmem:s11+$0xC870] =	vst v0;
	v0 =	vsub.f32 v4, v5;
	v5 =	vld [tilespmem:s11+$0x2840]  }
0x83: {  	v3 =	vld [tilespmem:s11+$0x7850];
	[tilespmem:s11+$0xC800] =	vst v2  }
0x84: {  	v2 =	vld [tilespmem:s11+$0x2850];
	[tilespmem:s11+$0xC810] =	vst v0;
	v0 =	vsub.f32 v6, v1  }
0x85: {  	v4 =	vld [tilespmem:s11+$0x7860];
	v6 =	vsub.f32 v7, v8  }
0x86: {  	s15 =	simm.s32 $0x80;
	[tilespmem:s11+$0xC820] =	vst v0;
	v0 =	vld [tilespmem:s11+$0x2860]  }
0x87: {  	s16 =	simm.s32 $0x400;
	s12 =	sadd.s32 s10, s9;
	v5 =	vsub.f32 v5, v9;
	v1 =	vld [tilespmem:s15+$0x2870];
	[tilespmem:s11+$0xC830] =	vst v6  }
.LBB2_5:
0x88: {  	p0 =	sne.s32 s16, $0x9E00;
	v6 =	vld [tilespmem:s15+$0x7870]  }
0x89: {  	v7 =	vld [tilespmem:s15+$0x2800];
	[tilespmem:s11+$0xC840] =	vst v5;
	v2 =	vsub.f32 v2, v3  }
0x8a: {  	v3 =	vld [tilespmem:s15+$0x7800]  }
0x8b: {  	v5 =	vld [tilespmem:s15+$0x2810];
	[tilespmem:s11+$0xC850] =	vst v2;
	v0 =	vsub.f32 v0, v4  }
0x8c: {  	v2 =	vld [tilespmem:s15+$0x7810]  }
0x8d: {  	v4 =	vld [tilespmem:s15+$0x2820];
	v1 =	vsub.f32 v1, v6;
	[tilespmem:s11+$0xC860] =	vst v0;
	s11 =	smov.u32 s15  }
0x8e: {  	v0 =	vld [tilespmem:s11+$0x7820]  }
0x8f: {  	v3 =	vsub.f32 v7, v3;
	v6 =	vld [tilespmem:s11+$0x2830];
	[tilespmem:s11+$0xC870] =	vst v1  }
0x90: {  	v1 =	vld [tilespmem:s11+$0x7830]  }
0x91: {  	[tilespmem:s11+$0xC800] =	vst v3;
	v2 =	vsub.f32 v5, v2;
	v5 =	vld [tilespmem:s11+$0x2840]  }
0x92: {  	v7 =	vld [tilespmem:s11+$0x7840]  }
.Ltmp1:
0x93: {  	[tilespmem:s11+$0xC810] =	vst v2;
	v0 =	vsub.f32 v4, v0;
	v2 =	vld [tilespmem:s11+$0x2850];
	(pc) =	sbr.rel @p0 .LBB2_5-.Ltmp1, $4  }
0x94: {  	v3 =	vld [tilespmem:s11+$0x7850]  }
0x95: {  	[tilespmem:s11+$0xC820] =	vst v0;
	v6 =	vsub.f32 v6, v1;
	v0 =	vld [tilespmem:s11+$0x2860]  }
0x96: {  	s15 =	sshra.s32 s16, $0x2;
	v4 =	vld [tilespmem:s11+$0x7860]  }
0x97: {  	s16 =	sadd.s32 $0x200, s16;
	v1 =	vld [tilespmem:s15+$0x2870];
	[tilespmem:s11+$0xC830] =	vst v6;
	v5 =	vsub.f32 v5, v7  }
0x98: {  	v6 =	vld [tilespmem:s15+$0x7870]  }
0x99: {  	v7 =	vld [tilespmem:s15+$0x2800];
	[tilespmem:s11+$0xC840] =	vst v5;
	v2 =	vsub.f32 v2, v3  }
0x9a: {  	v51 =	vld [tilespmem:s15+$0x7800]  }
0x9b: {  	v5 =	vld [tilespmem:s15+$0x2810];
	[tilespmem:s11+$0xC850] =	vst v2;
	v0 =	vsub.f32 v0, v4  }
0x9c: {  	v2 =	vld [tilespmem:s15+$0x7810]  }
0x9d: {  	v52 =	vld [tilespmem:s15+$0x2820];
	[tilespmem:s11+$0xC860] =	vst v0  }
0x9e: {  	v54 =	vld [tilespmem:s15+$0x7820]  }
0x9f: {  	v55 =	vld [tilespmem:s15+$0x2830]  }
0xa0: {  	v56 =	vld [tilespmem:s15+$0x7830]  }
0xa1: {  	v57 =	vld [tilespmem:s15+$0x2840]  }
0xa2: {  	v58 =	vld [tilespmem:s15+$0x7840]  }
0xa3: {  	v59 =	vld [tilespmem:s15+$0x2850]  }
0xa4: {  	v53 =	vsub.f32 v1, v6;
	v60 =	vld [tilespmem:s15+$0x7850]  }
0xa5: {  	v61 =	vld [tilespmem:s15+$0x2860];
	v3 =	vsub.f32 v7, v51  }
0xa6: {  	v62 =	vld [tilespmem:s15+$0x7860];
	[tilespmem:s15+$0xC870] =	vst v53;
	v2 =	vsub.f32 v5, v2  }
0xa7: {  	[tilespmem:s15+$0xC800] =	vst v3;
	v1 =	vsub.f32 v52, v54  }
0xa8: {  	[tilespmem:s15+$0xC810] =	vst v2;
	v0 =	vsub.f32 v55, v56  }
0xa9: {  	p0 =	seq.s32 s8, $0x3D;
	v3 =	vsub.f32 v57, v58;
	[tilespmem:s15+$0xC820] =	vst v1  }
.Ltmp2:
0xaa: {  	v63 =	vsub.f32 v59, v60;
	[tilespmem:s15+$0xC830] =	vst v0;
	(pc) =	sbr.rel @p0 .LBB2_8-.Ltmp2, $4  }
0xab: {  	[tilespmem:s15+$0xC840] =	vst v3;
	v1 =	vsub.f32 v61, v62  }
0xac: {  	s16 =	sshll.u32 s12, $0x4;
	[tilespmem:s15+$0xC850] =	vst v63  }
0xad: {  	s11 =	sadd.s32 s4, s16;
	[tilespmem:s15+$0xC860] =	vst v1  }
0xae: {  	[hbm4b:s11+s5] =	stream.linear.scatter [tilespmem:s30], [sflag:$0x6], $0x2800, $0x38;
	[tilespmem:$0xF100] =	vst v63  }
0xaf: {  	s10 =	sadd.s32 s10, s14  }
0xb0: {  	s11 =	sshrl.u32 s10, $0x3  }
0xb1: {  	s11 =	sadd.s32 s1, s11  }
0xb2: {  	[tilespmem:s21], [sflag:$0x7] =	stream.linear.gather [hbm4b:s11+s5], $0x50, $0x38;
	[tilespmem:$0xF100] =	vst v63  }
0xb3: {  	_ =	swait.ge [sflag:s18], $0x50  }
.Ltmp3:
0xb4: {  	s10 =	sshll.u32 s10, $0x4;
	[sflag:s18] =	ssyncset.done $0x0;
	(pc) =	sbr.rel .LBB2_2-.Ltmp3, $4  }
0xb5: {  	s10 =	sadd.s32 s0, s10;
	[sflag:s18] =	ssyncadd.s32 $0xFFFFFFB0  }
0xb6: {  	[tilespmem:s22], [sflag:$0x2] =	stream.linear.gather [hbm4b:s10+s5], $0x2800, $0x38;
	[tilespmem:$0xF100] =	vst v63  }
0xb7: {  	s8 =	sadd.s32 $0x1, s8  }
0xb8: {  	[tilespmem:s23], [sflag:$0x4] =	stream.indirect.gather [hbm4b:s7+s19], $0x80, s21, s19, $0xb8;
	[tilespmem:$0xF100] =	vst v63  }
.LBB2_8:
0xb9: {  	_ =	swait.ge [sflag:s24], $0x2800  }
0xba: {  	[sflag:s24] =	ssyncset.done $0x0  }
0xbb: {  	[sflag:s24] =	ssyncadd.s32 $0xFFFFD800  }
0xbc: {  	_ =	swait.ge [sflag:s25], $0x2800  }
0xbd: {  	[sflag:s25] =	ssyncset.done $0x0  }
0xbe: {  	[sflag:s25] =	ssyncadd.s32 $0xFFFFD800  }
0xbf: {  	_ =	swait.ge [sflag:s31], $0x2800  }
0xc0: {  	[sflag:s31] =	ssyncset.done $0x0  }
0xc1: {  	s8 =	simm.s32 $0x0;
	[sflag:s31] =	ssyncadd.s32 $0xFFFFD800  }
0xc2: {  	v0 =	vld [tilespmem:s8+$0x70]  }
0xc3: {  	v1 =	vld [tilespmem:s8+$0x5070]  }
0xc4: {  	v2 =	vld [tilespmem:s8+$0x0]  }
0xc5: {  	v3 =	vld [tilespmem:s8+$0x5000]  }
0xc6: {  	v4 =	vld [tilespmem:s8+$0x10]  }
0xc7: {  	v5 =	vld [tilespmem:s8+$0x5010]  }
0xc8: {  	v6 =	vld [tilespmem:s8+$0x20]  }
0xc9: {  	v7 =	vld [tilespmem:s8+$0x30]  }
0xca: {  	v0 =	vsub.f32 v0, v1;
	v1 =	vld [tilespmem:s8+$0x5020]  }
0xcb: {  	v8 =	vld [tilespmem:s8+$0x5030]  }
0xcc: {  	v9 =	vld [tilespmem:s8+$0x5040];
	v2 =	vsub.f32 v2, v3  }
0xcd: {  	[tilespmem:s8+$0xA070] =	vst v0;
	v0 =	vsub.f32 v4, v5;
	v5 =	vld [tilespmem:s8+$0x40]  }
0xce: {  	v3 =	vld [tilespmem:s8+$0x5050];
	[tilespmem:s8+$0xA000] =	vst v2  }
0xcf: {  	v2 =	vld [tilespmem:s8+$0x50];
	[tilespmem:s8+$0xA010] =	vst v0;
	v0 =	vsub.f32 v6, v1  }
0xd0: {  	v4 =	vld [tilespmem:s8+$0x5060];
	v6 =	vsub.f32 v7, v8  }
0xd1: {  	s10 =	simm.s32 $0x80;
	[tilespmem:s8+$0xA020] =	vst v0;
	v0 =	vld [tilespmem:s8+$0x60]  }
0xd2: {  	s11 =	simm.s32 $0x400;
	v5 =	vsub.f32 v5, v9;
	v1 =	vld [tilespmem:s10+$0x70];
	[tilespmem:s8+$0xA030] =	vst v6  }
.LBB2_9:
0xd3: {  	p0 =	sne.s32 s11, $0x9E00;
	v6 =	vld [tilespmem:s10+$0x5070]  }
0xd4: {  	v7 =	vld [tilespmem:s10+$0x0];
	[tilespmem:s8+$0xA040] =	vst v5;
	v2 =	vsub.f32 v2, v3  }
0xd5: {  	v3 =	vld [tilespmem:s10+$0x5000]  }
0xd6: {  	v5 =	vld [tilespmem:s10+$0x10];
	[tilespmem:s8+$0xA050] =	vst v2;
	v0 =	vsub.f32 v0, v4  }
0xd7: {  	v2 =	vld [tilespmem:s10+$0x5010]  }
0xd8: {  	v4 =	vld [tilespmem:s10+$0x20];
	v1 =	vsub.f32 v1, v6;
	[tilespmem:s8+$0xA060] =	vst v0;
	s8 =	smov.u32 s10  }
0xd9: {  	v0 =	vld [tilespmem:s8+$0x5020]  }
0xda: {  	v3 =	vsub.f32 v7, v3;
	v6 =	vld [tilespmem:s8+$0x30];
	[tilespmem:s8+$0xA070] =	vst v1  }
0xdb: {  	v1 =	vld [tilespmem:s8+$0x5030]  }
0xdc: {  	[tilespmem:s8+$0xA000] =	vst v3;
	v2 =	vsub.f32 v5, v2;
	v5 =	vld [tilespmem:s8+$0x40]  }
0xdd: {  	v7 =	vld [tilespmem:s8+$0x5040]  }
.Ltmp4:
0xde: {  	[tilespmem:s8+$0xA010] =	vst v2;
	v0 =	vsub.f32 v4, v0;
	v2 =	vld [tilespmem:s8+$0x50];
	(pc) =	sbr.rel @p0 .LBB2_9-.Ltmp4, $4  }
0xdf: {  	v3 =	vld [tilespmem:s8+$0x5050]  }
0xe0: {  	[tilespmem:s8+$0xA020] =	vst v0;
	v6 =	vsub.f32 v6, v1;
	v0 =	vld [tilespmem:s8+$0x60]  }
0xe1: {  	s10 =	sshra.s32 s11, $0x2;
	v4 =	vld [tilespmem:s8+$0x5060]  }
0xe2: {  	s11 =	sadd.s32 $0x200, s11;
	v1 =	vld [tilespmem:s10+$0x70];
	[tilespmem:s8+$0xA030] =	vst v6;
	v5 =	vsub.f32 v5, v7  }
0xe3: {  	v6 =	vld [tilespmem:s10+$0x5070]  }
0xe4: {  	v7 =	vld [tilespmem:s10+$0x0];
	[tilespmem:s8+$0xA040] =	vst v5;
	v2 =	vsub.f32 v2, v3  }
0xe5: {  	v51 =	vld [tilespmem:s10+$0x5000]  }
0xe6: {  	v5 =	vld [tilespmem:s10+$0x10];
	[tilespmem:s8+$0xA050] =	vst v2;
	v0 =	vsub.f32 v0, v4  }
0xe7: {  	v2 =	vld [tilespmem:s10+$0x5010]  }
0xe8: {  	v52 =	vld [tilespmem:s10+$0x20];
	[tilespmem:s8+$0xA060] =	vst v0  }
0xe9: {  	v54 =	vld [tilespmem:s10+$0x5020]  }
0xea: {  	v55 =	vld [tilespmem:s10+$0x30]  }
0xeb: {  	v56 =	vld [tilespmem:s10+$0x5030]  }
0xec: {  	v57 =	vld [tilespmem:s10+$0x40]  }
0xed: {  	v58 =	vld [tilespmem:s10+$0x5040]  }
0xee: {  	v59 =	vld [tilespmem:s10+$0x50]  }
0xef: {  	v53 =	vsub.f32 v1, v6;
	v60 =	vld [tilespmem:s10+$0x5050]  }
0xf0: {  	v61 =	vld [tilespmem:s10+$0x60];
	v3 =	vsub.f32 v7, v51  }
0xf1: {  	v62 =	vld [tilespmem:s10+$0x5060];
	[tilespmem:s10+$0xA070] =	vst v53;
	v2 =	vsub.f32 v5, v2  }
0xf2: {  	[tilespmem:s10+$0xA000] =	vst v3;
	v1 =	vsub.f32 v52, v54  }
0xf3: {  	[tilespmem:s10+$0xA010] =	vst v2;
	v0 =	vsub.f32 v55, v56  }
0xf4: {  	v3 =	vsub.f32 v57, v58;
	[tilespmem:s10+$0xA020] =	vst v1  }
0xf5: {  	v63 =	vsub.f32 v59, v60;
	[tilespmem:s10+$0xA030] =	vst v0  }
0xf6: {  	[tilespmem:s10+$0xA040] =	vst v3;
	v1 =	vsub.f32 v61, v62  }
0xf7: {  	[tilespmem:s10+$0xA050] =	vst v63  }
0xf8: {  	s15 =	rddreg [dreg:$0x9];
	[tilespmem:s10+$0xA060] =	vst v1  }
0xf9: {  	[hbm4b:s15+s5] =	stream.linear.scatter [tilespmem:s26], [sflag:$0x5], $0x2800, $0x38;
	[tilespmem:$0xF100] =	vst v63  }
0xfa: {  	_ =	swait.ge [sflag:s31], $0x2800  }
0xfb: {  	[sflag:s31] =	ssyncset.done $0x0  }
0xfc: {  	[sflag:s31] =	ssyncadd.s32 $0xFFFFD800  }
0xfd: {  	_ =	swait.ge [sflag:s2], $0x2800  }
0xfe: {  	s3 =	sadd.s32 $0x1, s3;
	s16 =	rddreg [dreg:$0xa]  }
0xff: {  	p0 =	sne.s32 s3, s16  }
.Ltmp5:
0x100: {  	_ = 	snop;
	(pc) =	sbr.rel @p0 .LBB2_1-.Ltmp5, $3  }
0x101: {  	_ =	sdelay $0x1  }
0x102: {  	[sflag:s2] =	ssyncset.done $0x0  }
0x103: {  	[sflag:s2] =	ssyncadd.s32 $0xFFFFD800  }
0x104: {  	_ =	sfence.sel $0x180000  }
0x105: {  	[bflag:$0x0] =	sbarrier.arrive $0xFFFF  }
0x106: {  	_ =	strace $0x9000004A  }
0x107: {  	s0 =	stileid.u32;
	[bflag:$0x2] =	sbarrier.arrive $0xFFFF  }
0x108: {  	p0 =	sne.s32 s0, $0x0;
	s0 =	rddreg [dreg:$0x4]  }
0x109: {  	s0 =	sadd.s32 @!p0 $0x100000, s0  }
0x10a: {  	[sflag:s0] =	ssyncadd.tile.s32 @!p0 $0x1;
	_ =	shalt  }
.Lfunc_end2:
_tile_overlayer_lowered:
.L_overlay_start_2:
0x10b: {  	(tag) =	ssettag $0x2  }
0x10c: {  	s0 =	rddreg [dreg:$0x0];
	s2 =	stileid.u32  }
0x10d: {  	s1 =	rddreg [dreg:$0x1];
	p0 =	sne.s32 s2, $0x0  }
0x10e: {  	s3 =	rddreg [dreg:$0x2];
	[bflag:$0x3] =	sbarrier.arrive $0xFFFF;
	s2 =	simm.s32 @!p0 $0x1C07  }
0x10f: {  	[timem:s3], [sflag:s2] =	dma.local @!p0 [hbm:s0], s1  }
0x110: {  	s0 =	simm.s32 @!p0 $0x7  }
0x111: {  	_ =	swait.ge @!p0 [sflag:s0], s1  }
0x112: {  	s1 =	ssub.s32 @!p0 $0x0, s1;
	[sflag:s0] =	ssyncset.done @!p0 $0x0  }
0x113: {  	[sflag:s0] =	ssyncadd.s32 @!p0 s1  }
0x114: {  	[bflag:$0x3] =	sbarrier.arrive $0xFFFF  }
0x115: {  	_ =	shalt  }

</sc_bundles>
